<compile_context>
chip_gen: v7x
topology: tpu7x:2x2x1
jax: 0.10.2.dev20260603
libtpu: 0.0.44.dev20260713+nightly
codegen_flags: <defaults>
</compile_context>

<pallas_src>
import functools

import jax
import jax.numpy as jnp
from jax import lax
from jax.experimental import pallas as pl
from jax.experimental.pallas import tpu as pltpu
from jax.experimental.pallas import tpu_sc as plsc

N = 10000
NP = 10240
E = 320000
EP = 327680
NC = 2
NS = 16
NW = NC * NS
EPT = EP // NW
B = 128
NB = EPT // B
RPT = NP // NS
NBUF = 4
D_IN = 128
D_HID = 256
GB = 1024
NG = NP // GB

def _deg_body(dst_hbm, out_hbm, dst_v, buf_v, acc_sh, dsem):
    c = lax.axis_index("c")
    s = lax.axis_index("s")
    wid = s * NC + c

    fz = jnp.zeros((16,), jnp.float32)
    fo = jnp.ones((16,), jnp.float32)

    def zloop(i, _):
        buf_v[i // 8, pl.ds((i % 8) * 16, 16)] = fz
        return 0

    lax.fori_loop(0, B * D_IN // 16, zloop, 0)

    for j in range(RPT // B):
        pltpu.sync_copy(buf_v, acc_sh.at[pl.ds(s * RPT + j * B, B)])

    def oloop(i, _):
        buf_v[i // 8, pl.ds((i % 8) * 16, 16)] = fo
        return 0

    lax.fori_loop(0, B * D_IN // 16, oloop, 0)

    pltpu.sync_copy(dst_hbm.at[wid], dst_v)
    plsc.subcore_barrier()

    for j in range(NBUF):
        pltpu.async_copy(buf_v, acc_sh.at[dst_v.at[j]], dsem, add=True)

    def dloop(b, _):
        pltpu.make_async_copy(buf_v, acc_sh.at[dst_v.at[b]], dsem).wait()
        pltpu.async_copy(buf_v, acc_sh.at[dst_v.at[b + NBUF]], dsem, add=True)
        return 0

    lax.fori_loop(0, NB - NBUF, dloop, 0)
    for j in range(NBUF):
        pltpu.make_async_copy(buf_v, acc_sh.at[dst_v.at[j]], dsem).wait()
    plsc.subcore_barrier()

    pltpu.sync_copy(acc_sh.at[pl.ds(s * RPT, RPT)], out_hbm.at[c, pl.ds(s * RPT, RPT)])




CHK = 16
CHN = NB // CHK


def _seg_body(t0_hbm, t1_hbm, src_hbm, dst_hbm, o0_hbm, o1_hbm, src_v, dst_v,
              buf0, buf1, acc_sh, g0, g1, s0, s1):
    c = lax.axis_index("c")
    s = lax.axis_index("s")
    wid = s * NC + c

    fz = jnp.zeros((16,), jnp.float32)

    pltpu.sync_copy(src_hbm.at[wid], src_v)

    def do_pass(table_hbm, out_hbm):
        def g_issue(b, buf, sem):
            pltpu.async_copy(table_hbm.at[src_v.at[b]], buf, sem)

        def g_wait(b, buf, sem):
            pltpu.make_async_copy(table_hbm.at[src_v.at[b]], buf, sem).wait()

        def s_issue(q, kk, buf, sem):
            pltpu.async_copy(buf, acc_sh.at[dst_v.at[q, kk]], sem, add=True)

        def s_wait(q, kk, buf, sem):
            pltpu.make_async_copy(buf, acc_sh.at[dst_v.at[q, kk]], sem).wait()

        def zloop(i, _):
            buf0[i // 8, pl.ds((i % 8) * 16, 16)] = fz
            return 0

        lax.fori_loop(0, B * D_IN // 16, zloop, 0)

        for j in range(RPT // B):
            pltpu.sync_copy(buf0, acc_sh.at[pl.ds(s * RPT + j * B, B)])

        g_issue(0, buf0, g0)
        plsc.subcore_barrier()

        def outer(ch, _):
            q = ch % 2
            pltpu.sync_copy(dst_hbm.at[wid, pl.ds(ch * CHK, CHK)], dst_v.at[q])

            def inner(k, _):
                b0 = ch * CHK + 2 * k
                b1 = b0 + 1
                g_wait(b0, buf0, g0)
                s_issue(q, 2 * k, buf0, s0)

                @pl.when(b0 > 0)
                def _():
                    s_wait(q, 2 * k, buf1, s1)

                g_issue(b1, buf1, g1)
                g_wait(b1, buf1, g1)
                s_issue(q, 2 * k + 1, buf1, s1)
                s_wait(q, 2 * k, buf0, s0)

                @pl.when(b1 + 1 < NB)
                def _():
                    g_issue(b1 + 1, buf0, g0)

                return 0

            lax.fori_loop(0, CHK // 2, inner, 0)
            return 0

        lax.fori_loop(0, CHN, outer, 0)
        s_wait(0, 0, buf1, s1)
        plsc.subcore_barrier()

        pltpu.sync_copy(acc_sh.at[pl.ds(s * RPT, RPT)],
                        out_hbm.at[c, pl.ds(s * RPT, RPT)])

    do_pass(t0_hbm, o0_hbm)
    do_pass(t1_hbm, o1_hbm)


@functools.cache
def _sc_calls():
    mesh = plsc.VectorSubcoreMesh(
        core_axis_name="c", subcore_axis_name="s", num_cores=NC, num_subcores=NS
    )
    deg_call = pl.kernel(
        _deg_body,
        out_type=jax.ShapeDtypeStruct((NC, NP, D_IN), jnp.float32),
        mesh=mesh,
        scratch_types=[
            pltpu.VMEM((NB, B), jnp.int32),
            pltpu.VMEM((B, D_IN), jnp.float32),
            pltpu.VMEM_SHARED((NP, D_IN), jnp.float32),
            pltpu.SemaphoreType.DMA,
        ],
    )
    seg_call = pl.kernel(
        _seg_body,
        out_type=(
            jax.ShapeDtypeStruct((NC, NP, D_IN), jnp.float32),
            jax.ShapeDtypeStruct((NC, NP, D_IN), jnp.float32),
        ),
        mesh=mesh,
        scratch_types=[
            pltpu.VMEM((NB, B), jnp.int32),
            pltpu.VMEM((2, CHK, B), jnp.int32),
            pltpu.VMEM((B, D_IN), jnp.float32),
            pltpu.VMEM((B, D_IN), jnp.float32),
            pltpu.VMEM_SHARED((NP, D_IN), jnp.float32),
            pltpu.SemaphoreType.DMA,
            pltpu.SemaphoreType.DMA,
            pltpu.SemaphoreType.DMA,
            pltpu.SemaphoreType.DMA,
        ],
    )
    return deg_call, seg_call


def _mm1_body(x_ref, w1_ref, xw_ref):
    xw_ref[...] = jnp.dot(x_ref[...], w1_ref[...],
                          preferred_element_type=jnp.float32)


_mm1_call = pl.pallas_call(
    _mm1_body,
    grid=(NG,),
    in_specs=[
        pl.BlockSpec((GB, D_IN), lambda i: (i, 0)),
        pl.BlockSpec((D_IN, D_HID), lambda i: (0, 0)),
    ],
    out_specs=pl.BlockSpec((GB, D_HID), lambda i: (i, 0)),
    out_shape=jax.ShapeDtypeStruct((NP, D_HID), jnp.float32),
)


def _prep_body(dp_ref, xw_ref, dinv_ref, y0_ref, y1_ref):
    deg = dp_ref[0][:, :1] + dp_ref[1][:, :1] + 1.0
    dinv = 1.0 / jnp.sqrt(deg)
    dinv_ref[...] = dinv
    y = xw_ref[...] * dinv
    y0_ref[...] = y[:, :D_IN]
    y1_ref[...] = y[:, D_IN:]


_prep_call = pl.pallas_call(
    _prep_body,
    grid=(NG,),
    in_specs=[
        pl.BlockSpec((NC, GB, D_IN), lambda i: (0, i, 0)),
        pl.BlockSpec((GB, D_HID), lambda i: (i, 0)),
    ],
    out_specs=[
        pl.BlockSpec((GB, 1), lambda i: (i, 0)),
        pl.BlockSpec((GB, D_IN), lambda i: (i, 0)),
        pl.BlockSpec((GB, D_IN), lambda i: (i, 0)),
    ],
    out_shape=[
        jax.ShapeDtypeStruct((NP, 1), jnp.float32),
        jax.ShapeDtypeStruct((NP, D_IN), jnp.float32),
        jax.ShapeDtypeStruct((NP, D_IN), jnp.float32),
    ],
)


def _mid_body(a0_ref, a1_ref, y0_ref, y1_ref, dinv_ref, b1_ref, w2_ref,
              t0_ref, t1_ref):
    a0 = a0_ref[0] + a0_ref[1] + y0_ref[...]
    a1 = a1_ref[0] + a1_ref[1] + y1_ref[...]
    agg = jnp.concatenate([a0, a1], axis=1)
    h1 = jnp.maximum(agg * dinv_ref[...] + b1_ref[...], 0.0)
    xw = jnp.dot(h1, w2_ref[...], preferred_element_type=jnp.float32)
    t = xw * dinv_ref[...]
    t0_ref[...] = t[:, :D_IN]
    t1_ref[...] = t[:, D_IN:]


_mid_call = pl.pallas_call(
    _mid_body,
    grid=(NG,),
    in_specs=[
        pl.BlockSpec((NC, GB, D_IN), lambda i: (0, i, 0)),
        pl.BlockSpec((NC, GB, D_IN), lambda i: (0, i, 0)),
        pl.BlockSpec((GB, D_IN), lambda i: (i, 0)),
        pl.BlockSpec((GB, D_IN), lambda i: (i, 0)),
        pl.BlockSpec((GB, 1), lambda i: (i, 0)),
        pl.BlockSpec((1, D_HID), lambda i: (0, 0)),
        pl.BlockSpec((D_HID, D_HID), lambda i: (0, 0)),
    ],
    out_specs=[
        pl.BlockSpec((GB, D_IN), lambda i: (i, 0)),
        pl.BlockSpec((GB, D_IN), lambda i: (i, 0)),
    ],
    out_shape=[
        jax.ShapeDtypeStruct((NP, D_IN), jnp.float32),
        jax.ShapeDtypeStruct((NP, D_IN), jnp.float32),
    ],
)


def _head_body(a0_ref, a1_ref, y0_ref, y1_ref, dinv_ref, b2_ref,
               wf1_ref, bf1_ref, wf2_ref, bf2_ref, o_ref):
    a0 = a0_ref[0] + a0_ref[1] + y0_ref[...]
    a1 = a1_ref[0] + a1_ref[1] + y1_ref[...]
    agg = jnp.concatenate([a0, a1], axis=1)
    h2 = jnp.maximum(agg * dinv_ref[...] + b2_ref[...], 0.0)
    h3 = jnp.dot(h2, wf1_ref[...], preferred_element_type=jnp.float32) + bf1_ref[...]
    h3 = jnp.maximum(h3, 0.0)
    o_ref[...] = jnp.dot(h3, wf2_ref[...], preferred_element_type=jnp.float32) + bf2_ref[...]


_head_call = pl.pallas_call(
    _head_body,
    grid=(NG,),
    in_specs=[
        pl.BlockSpec((NC, GB, D_IN), lambda i: (0, i, 0)),
        pl.BlockSpec((NC, GB, D_IN), lambda i: (0, i, 0)),
        pl.BlockSpec((GB, D_IN), lambda i: (i, 0)),
        pl.BlockSpec((GB, D_IN), lambda i: (i, 0)),
        pl.BlockSpec((GB, 1), lambda i: (i, 0)),
        pl.BlockSpec((1, D_HID), lambda i: (0, 0)),
        pl.BlockSpec((D_HID, D_HID // 2), lambda i: (0, 0)),
        pl.BlockSpec((1, D_HID // 2), lambda i: (0, 0)),
        pl.BlockSpec((D_HID // 2, 1), lambda i: (0, 0)),
        pl.BlockSpec((1, 1), lambda i: (0, 0)),
    ],
    out_specs=pl.BlockSpec((GB, 1), lambda i: (i, 0)),
    out_shape=jax.ShapeDtypeStruct((NP, 1), jnp.float32),
)


def kernel(x, edge_index, W1, b1, W2, b2, Wf1, bf1, Wf2, bf2):
    ei = edge_index.astype(jnp.int32)
    pad = N + (jnp.arange(EP - E, dtype=jnp.int32) % (NP - N))
    srcp = jnp.concatenate([ei[0], pad]).reshape(NW, NB, B)
    dstp = jnp.concatenate([ei[1], pad]).reshape(NW, NB, B)
    x_pad = jnp.zeros((NP, D_IN), jnp.float32).at[:N].set(x)

    _deg_call, _seg_call = _sc_calls()
    xw1 = _mm1_call(x_pad, W1)
    degp = _deg_call(dstp)
    dinv, y10, y11 = _prep_call(degp, xw1)
    a10p, a11p = _seg_call(y10, y11, srcp, dstp)
    y20, y21 = _mid_call(a10p, a11p, y10, y11, dinv, b1.reshape(1, -1), W2)
    a20p, a21p = _seg_call(y20, y21, srcp, dstp)
    o = _head_call(a20p, a21p, y20, y21, dinv, b2.reshape(1, -1),
                   Wf1, bf1.reshape(1, -1), Wf2, bf2.reshape(1, -1))
    return o[:N, 0]

# --- scband reference (transcript-rebuilt; emitter-appended) ---
"""Pipeline reference for scband-integer-value-predictor-15522011808325 (READ-ONLY COPY).

The authoritative reference and input builder live on the scoring server;
editing this copy changes nothing except your own understanding.
"""

import jax, jax.numpy as jnp
import numpy as np

N_NODES = 10000
N_EDGES = 320000
D_IN = 128
D_HID = 256


def gcn_conv(x, edge_index, W, b):
    n = x.shape[0]
    loop = jnp.arange(n, dtype=edge_index.dtype)
    src = jnp.concatenate([edge_index[0], loop])
    dst = jnp.concatenate([edge_index[1], loop])
    deg = jnp.zeros((n,), dtype=x.dtype).at[dst].add(1.0)
    deg_inv_sqrt = jnp.where(deg > 0, 1.0 / jnp.sqrt(deg), 0.0)
    norm = deg_inv_sqrt[src] * deg_inv_sqrt[dst]
    xw = x @ W
    msg = xw[src] * norm[:, None]
    out = jnp.zeros((n, W.shape[1]), dtype=x.dtype).at[dst].add(msg)
    return out + b


def setup_inputs(seed: int = 0) -> dict:
    key = jax.random.key(seed)
    ks = jax.random.split(key, 10)
    x = jax.random.normal(ks[0], (N_NODES, D_IN), dtype=jnp.float32)
    edge_index = jax.random.randint(ks[1], (2, N_EDGES), 0, N_NODES, dtype=jnp.int64)
    W1 = jax.random.normal(ks[2], (D_IN, D_HID), dtype=jnp.float32) * 0.05
    b1 = jnp.zeros((D_HID,), dtype=jnp.float32)
    W2 = jax.random.normal(ks[3], (D_HID, D_HID), dtype=jnp.float32) * 0.05
    b2 = jnp.zeros((D_HID,), dtype=jnp.float32)
    Wf1 = jax.random.normal(ks[4], (D_HID, D_HID // 2), dtype=jnp.float32) * 0.05
    bf1 = jnp.zeros((D_HID // 2,), dtype=jnp.float32)
    Wf2 = jax.random.normal(ks[5], (D_HID // 2, 1), dtype=jnp.float32) * 0.05
    bf2 = jnp.zeros((1,), dtype=jnp.float32)
    return {"x": x, "edge_index": edge_index, "W1": W1, "b1": b1, "W2": W2, "b2": b2, "Wf1": Wf1, "bf1": bf1, "Wf2": Wf2, "bf2": bf2}


def reference(x, edge_index, W1, b1, W2, b2, Wf1, bf1, Wf2, bf2):
    # dropout is identity in eval mode
    h = gcn_conv(x, edge_index, W1, b1)
    h = jax.nn.relu(h)
    h = gcn_conv(h, edge_index, W2, b2)
    h = jax.nn.relu(h)
    h = jax.nn.relu(h @ Wf1 + bf1)
    h = h @ Wf2 + bf2
    return jnp.squeeze(h, axis=-1)

if __name__ == "__main__":
    import jax
    _d = setup_inputs()
    print(jax.jit(kernel)(*tuple(_d.values())))

</pallas_src>

<mosaic_0001>
#map = affine_map<(d0, d1) -> (0, 0, 0)>
module attributes {stable_mosaic.version = 14 : i64} {
  func.func @_deg_body(%arg0: i32, %arg1: i32, %arg2: memref<32x80x128xi32, #tpu.memory_space<hbm>>, %arg3: memref<2x10240x128xf32, #tpu.memory_space<hbm>>, %arg4: memref<80x128xi32, #tpu.memory_space<vmem>>, %arg5: memref<128x128xf32, #tpu.memory_space<vmem>>, %arg6: memref<10240x128xf32, #tpu.memory_space<vmem_shared>>, %arg7: memref<!tpu.dma_semaphore, #tpu.memory_space<semaphore_mem>>) attributes {dimension_semantics = [#tpu.dimension_semantics<core_parallel>, #tpu.dimension_semantics<subcore_parallel>], iteration_bounds = array<i64: 2, 16>, scalar_prefetch = 0 : i64, scratch_operands = 4 : i64, tpu.core_type = #tpu.core_type<sc_vector_subcore>, window_params = [{transform_indices = #map}, {transform_indices = #map}]} {
    %mul3A = arith.constant 2 : i32
    %mul3A_0 = arith.muli %arg1, %mul3A : i32
    %add3A = arith.addi %mul3A_0, %arg0 : i32
    %broadcast_in_dim3A = arith.constant 0.000000e+00 : f32
    %broadcast_in_dim3A_1 = vector.broadcast %broadcast_in_dim3A : f32 to vector<16xf32>
    %broadcast_in_dim3A_2 = arith.constant 1.000000e+00 : f32
    %broadcast_in_dim3A_3 = vector.broadcast %broadcast_in_dim3A_2 : f32 to vector<16xf32>
    %scan3A = arith.constant 0 : i32
    %scan3A_4 = arith.constant 0 : i32
    %scan3A_5 = arith.constant 1024 : i32
    %scan3A_6 = arith.addi %scan3A_4, %scan3A_5 : i32
    %scan3A_7 = arith.constant 1 : i32
    %scan3A_8 = scf.for %scan3A_103 = %scan3A_4 to %scan3A_6 step %scan3A_7 iter_args(%scan3A_104 = %scan3A) -> (i32)  : i32 {
      %jit3A = arith.constant 8 : i32
      %div3A = arith.divsi %scan3A_103, %jit3A : i32
      %sign3A = arith.constant 0 : i32
      %sign3A_105 = arith.cmpi sgt, %scan3A_103, %sign3A : i32
      %sign3A_106 = arith.extui %sign3A_105 : i1 to i32
      %sign3A_107 = arith.constant 0 : i32
      %sign3A_108 = arith.cmpi slt, %scan3A_103, %sign3A_107 : i32
      %sign3A_109 = arith.extui %sign3A_108 : i1 to i32
      %sign3A_110 = arith.subi %sign3A_106, %sign3A_109 : i32
      %sign3A_111 = arith.constant 0 : i32
      %sign3A_112 = arith.cmpi sgt, %jit3A, %sign3A_111 : i32
      %sign3A_113 = arith.extui %sign3A_112 : i1 to i32
      %sign3A_114 = arith.constant 0 : i32
      %sign3A_115 = arith.cmpi slt, %jit3A, %sign3A_114 : i32
      %sign3A_116 = arith.extui %sign3A_115 : i1 to i32
      %sign3A_117 = arith.subi %sign3A_113, %sign3A_116 : i32
      %ne3A = arith.cmpi ne, %sign3A_110, %sign3A_117 : i32
      %rem3A = arith.remsi %scan3A_103, %jit3A : i32
      %ne3A_118 = arith.constant 0 : i32
      %ne3A_119 = arith.cmpi ne, %rem3A, %ne3A_118 : i32
      %and3A = arith.andi %ne3A, %ne3A_119 : i1
      %sub3A = arith.constant 1 : i32
      %sub3A_120 = arith.subi %div3A, %sub3A : i32
      %select_n3A = arith.select %and3A, %sub3A_120, %div3A : i32
      %jit3A_121 = arith.constant 8 : i32
      %eq3A = arith.constant 0 : i32
      %eq3A_122 = arith.cmpi eq, %jit3A_121, %eq3A : i32
      %jit3A_123 = arith.constant 1 : i32
      %select_n3A_124 = arith.select %eq3A_122, %jit3A_123, %jit3A_121 : i32
      %rem3A_125 = arith.remsi %scan3A_103, %select_n3A_124 : i32
      %ne3A_126 = arith.constant 0 : i32
      %ne3A_127 = arith.cmpi ne, %rem3A_125, %ne3A_126 : i32
      %lt3A = arith.constant 0 : i32
      %lt3A_128 = arith.cmpi slt, %rem3A_125, %lt3A : i32
      %lt3A_129 = arith.constant 0 : i32
      %lt3A_130 = arith.cmpi slt, %select_n3A_124, %lt3A_129 : i32
      %ne3A_131 = arith.xori %lt3A_128, %lt3A_130 : i1
      %and3A_132 = arith.andi %ne3A_131, %ne3A_127 : i1
      %add3A_133 = arith.addi %rem3A_125, %select_n3A_124 : i32
      %select_n3A_134 = arith.select %and3A_132, %add3A_133, %rem3A_125 : i32
      %mul3A_135 = arith.constant 16 : i32
      %mul3A_136 = arith.muli %select_n3A_134, %mul3A_135 : i32
      %swap3A = arith.index_cast %select_n3A : i32 to index
      %swap3A_137 = arith.index_cast %mul3A_136 : i32 to index
      %swap3A_138 = tpu.vector_load %arg5[%swap3A, %swap3A_137] {strides = array<i32>} : memref<128x128xf32, #tpu.memory_space<vmem>>, vector<1x16xf32>,
      %swap3A_139 = vector.shape_cast %swap3A_138 : vector<1x16xf32> to vector<16xf32>
      %swap3A_140 = vector.shape_cast %broadcast_in_dim3A_1 : vector<16xf32> to vector<1x16xf32>
      tpu.vector_store %arg5[%swap3A, %swap3A_137], %swap3A_140 {strides = array<i32>} : memref<128x128xf32, #tpu.memory_space<vmem>>, vector<1x16xf32>,
      %scan3A_141 = arith.constant 0 : i32
      scf.yield %scan3A_141 : i32
    }
    %scan3A_9 = arith.constant 1024 : i32
    %mul3A_10 = arith.constant 640 : i32
    %mul3A_11 = arith.muli %arg1, %mul3A_10 : i32
    %add3A_12 = arith.constant 0 : i32
    %add3A_13 = arith.addi %mul3A_11, %add3A_12 : i32
    "tpu.region"() ({
      %run_scoped3A = tpu.sem_alloc : memref<!tpu.dma_semaphore, #tpu.memory_space<semaphore_mem>>
      %dma_start3A_103 = arith.constant 0 : i32
      %dma_start3A_104 = tpu.memref_slice %arg6[%add3A_13, %dma_start3A_103] : memref<10240x128xf32, #tpu.memory_space<vmem_shared>> -> memref<128x128xf32, #tpu.memory_space<vmem_shared>>
      %dma_start3A_105 = arith.constant 0 : i32
      %dma_start3A_106 = tpu.memref_slice %arg6[%add3A_13, %dma_start3A_105] : memref<10240x128xf32, #tpu.memory_space<vmem_shared>> -> memref<128x128xf32, #tpu.memory_space<vmem_shared>>
      tpu.enqueue_dma source(%arg5 : memref<128x128xf32, #tpu.memory_space<vmem>>) target(%dma_start3A_106 : memref<128x128xf32, #tpu.memory_space<vmem_shared>>) target_semaphore(%run_scoped3A : memref<!tpu.dma_semaphore, #tpu.memory_space<semaphore_mem>>)
      %dma_wait3A_107 = arith.constant 0 : i32
      %dma_wait3A_108 = tpu.memref_slice %arg6[%add3A_13, %dma_wait3A_107] : memref<10240x128xf32, #tpu.memory_space<vmem_shared>> -> memref<128x128xf32, #tpu.memory_space<vmem_shared>>
      %dma_wait3A_109 = arith.constant 0 : i32
      %dma_wait3A_110 = tpu.memref_slice %arg6[%add3A_13, %dma_wait3A_109] : memref<10240x128xf32, #tpu.memory_space<vmem_shared>> -> memref<128x128xf32, #tpu.memory_space<vmem_shared>>
      tpu.wait_dma2 semaphore(%run_scoped3A : memref<!tpu.dma_semaphore, #tpu.memory_space<semaphore_mem>>) src(%arg5 : memref<128x128xf32, #tpu.memory_space<vmem>>) dst(%dma_wait3A_110 : memref<128x128xf32, #tpu.memory_space<vmem_shared>>)
      tpu.yield
    }) : () -> ()
    %mul3A_14 = arith.constant 640 : i32
    %mul3A_15 = arith.muli %arg1, %mul3A_14 : i32
    %add3A_16 = arith.constant 128 : i32
    %add3A_17 = arith.addi %mul3A_15, %add3A_16 : i32
    "tpu.region"() ({
      %run_scoped3A = tpu.sem_alloc : memref<!tpu.dma_semaphore, #tpu.memory_space<semaphore_mem>>
      %dma_start3A_103 = arith.constant 0 : i32
      %dma_start3A_104 = tpu.memref_slice %arg6[%add3A_17, %dma_start3A_103] : memref<10240x128xf32, #tpu.memory_space<vmem_shared>> -> memref<128x128xf32, #tpu.memory_space<vmem_shared>>
      %dma_start3A_105 = arith.constant 0 : i32
      %dma_start3A_106 = tpu.memref_slice %arg6[%add3A_17, %dma_start3A_105] : memref<10240x128xf32, #tpu.memory_space<vmem_shared>> -> memref<128x128xf32, #tpu.memory_space<vmem_shared>>
      tpu.enqueue_dma source(%arg5 : memref<128x128xf32, #tpu.memory_space<vmem>>) target(%dma_start3A_106 : memref<128x128xf32, #tpu.memory_space<vmem_shared>>) target_semaphore(%run_scoped3A : memref<!tpu.dma_semaphore, #tpu.memory_space<semaphore_mem>>)
      %dma_wait3A_107 = arith.constant 0 : i32
      %dma_wait3A_108 = tpu.memref_slice %arg6[%add3A_17, %dma_wait3A_107] : memref<10240x128xf32, #tpu.memory_space<vmem_shared>> -> memref<128x128xf32, #tpu.memory_space<vmem_shared>>
      %dma_wait3A_109 = arith.constant 0 : i32
      %dma_wait3A_110 = tpu.memref_slice %arg6[%add3A_17, %dma_wait3A_109] : memref<10240x128xf32, #tpu.memory_space<vmem_shared>> -> memref<128x128xf32, #tpu.memory_space<vmem_shared>>
      tpu.wait_dma2 semaphore(%run_scoped3A : memref<!tpu.dma_semaphore, #tpu.memory_space<semaphore_mem>>) src(%arg5 : memref<128x128xf32, #tpu.memory_space<vmem>>) dst(%dma_wait3A_110 : memref<128x128xf32, #tpu.memory_space<vmem_shared>>)
      tpu.yield
    }) : () -> ()
    %mul3A_18 = arith.constant 640 : i32
    %mul3A_19 = arith.muli %arg1, %mul3A_18 : i32
    %add3A_20 = arith.constant 256 : i32
    %add3A_21 = arith.addi %mul3A_19, %add3A_20 : i32
    "tpu.region"() ({
      %run_scoped3A = tpu.sem_alloc : memref<!tpu.dma_semaphore, #tpu.memory_space<semaphore_mem>>
      %dma_start3A_103 = arith.constant 0 : i32
      %dma_start3A_104 = tpu.memref_slice %arg6[%add3A_21, %dma_start3A_103] : memref<10240x128xf32, #tpu.memory_space<vmem_shared>> -> memref<128x128xf32, #tpu.memory_space<vmem_shared>>
      %dma_start3A_105 = arith.constant 0 : i32
      %dma_start3A_106 = tpu.memref_slice %arg6[%add3A_21, %dma_start3A_105] : memref<10240x128xf32, #tpu.memory_space<vmem_shared>> -> memref<128x128xf32, #tpu.memory_space<vmem_shared>>
      tpu.enqueue_dma source(%arg5 : memref<128x128xf32, #tpu.memory_space<vmem>>) target(%dma_start3A_106 : memref<128x128xf32, #tpu.memory_space<vmem_shared>>) target_semaphore(%run_scoped3A : memref<!tpu.dma_semaphore, #tpu.memory_space<semaphore_mem>>)
      %dma_wait3A_107 = arith.constant 0 : i32
      %dma_wait3A_108 = tpu.memref_slice %arg6[%add3A_21, %dma_wait3A_107] : memref<10240x128xf32, #tpu.memory_space<vmem_shared>> -> memref<128x128xf32, #tpu.memory_space<vmem_shared>>
      %dma_wait3A_109 = arith.constant 0 : i32
      %dma_wait3A_110 = tpu.memref_slice %arg6[%add3A_21, %dma_wait3A_109] : memref<10240x128xf32, #tpu.memory_space<vmem_shared>> -> memref<128x128xf32, #tpu.memory_space<vmem_shared>>
      tpu.wait_dma2 semaphore(%run_scoped3A : memref<!tpu.dma_semaphore, #tpu.memory_space<semaphore_mem>>) src(%arg5 : memref<128x128xf32, #tpu.memory_space<vmem>>) dst(%dma_wait3A_110 : memref<128x128xf32, #tpu.memory_space<vmem_shared>>)
      tpu.yield
    }) : () -> ()
    %mul3A_22 = arith.constant 640 : i32
    %mul3A_23 = arith.muli %arg1, %mul3A_22 : i32
    %add3A_24 = arith.constant 384 : i32
    %add3A_25 = arith.addi %mul3A_23, %add3A_24 : i32
    "tpu.region"() ({
      %run_scoped3A = tpu.sem_alloc : memref<!tpu.dma_semaphore, #tpu.memory_space<semaphore_mem>>
      %dma_start3A_103 = arith.constant 0 : i32
      %dma_start3A_104 = tpu.memref_slice %arg6[%add3A_25, %dma_start3A_103] : memref<10240x128xf32, #tpu.memory_space<vmem_shared>> -> memref<128x128xf32, #tpu.memory_space<vmem_shared>>
      %dma_start3A_105 = arith.constant 0 : i32
      %dma_start3A_106 = tpu.memref_slice %arg6[%add3A_25, %dma_start3A_105] : memref<10240x128xf32, #tpu.memory_space<vmem_shared>> -> memref<128x128xf32, #tpu.memory_space<vmem_shared>>
      tpu.enqueue_dma source(%arg5 : memref<128x128xf32, #tpu.memory_space<vmem>>) target(%dma_start3A_106 : memref<128x128xf32, #tpu.memory_space<vmem_shared>>) target_semaphore(%run_scoped3A : memref<!tpu.dma_semaphore, #tpu.memory_space<semaphore_mem>>)
      %dma_wait3A_107 = arith.constant 0 : i32
      %dma_wait3A_108 = tpu.memref_slice %arg6[%add3A_25, %dma_wait3A_107] : memref<10240x128xf32, #tpu.memory_space<vmem_shared>> -> memref<128x128xf32, #tpu.memory_space<vmem_shared>>
      %dma_wait3A_109 = arith.constant 0 : i32
      %dma_wait3A_110 = tpu.memref_slice %arg6[%add3A_25, %dma_wait3A_109] : memref<10240x128xf32, #tpu.memory_space<vmem_shared>> -> memref<128x128xf32, #tpu.memory_space<vmem_shared>>
      tpu.wait_dma2 semaphore(%run_scoped3A : memref<!tpu.dma_semaphore, #tpu.memory_space<semaphore_mem>>) src(%arg5 : memref<128x128xf32, #tpu.memory_space<vmem>>) dst(%dma_wait3A_110 : memref<128x128xf32, #tpu.memory_space<vmem_shared>>)
      tpu.yield
    }) : () -> ()
    %mul3A_26 = arith.constant 640 : i32
    %mul3A_27 = arith.muli %arg1, %mul3A_26 : i32
    %add3A_28 = arith.constant 512 : i32
    %add3A_29 = arith.addi %mul3A_27, %add3A_28 : i32
    "tpu.region"() ({
      %run_scoped3A = tpu.sem_alloc : memref<!tpu.dma_semaphore, #tpu.memory_space<semaphore_mem>>
      %dma_start3A_103 = arith.constant 0 : i32
      %dma_start3A_104 = tpu.memref_slice %arg6[%add3A_29, %dma_start3A_103] : memref<10240x128xf32, #tpu.memory_space<vmem_shared>> -> memref<128x128xf32, #tpu.memory_space<vmem_shared>>
      %dma_start3A_105 = arith.constant 0 : i32
      %dma_start3A_106 = tpu.memref_slice %arg6[%add3A_29, %dma_start3A_105] : memref<10240x128xf32, #tpu.memory_space<vmem_shared>> -> memref<128x128xf32, #tpu.memory_space<vmem_shared>>
      tpu.enqueue_dma source(%arg5 : memref<128x128xf32, #tpu.memory_space<vmem>>) target(%dma_start3A_106 : memref<128x128xf32, #tpu.memory_space<vmem_shared>>) target_semaphore(%run_scoped3A : memref<!tpu.dma_semaphore, #tpu.memory_space<semaphore_mem>>)
      %dma_wait3A_107 = arith.constant 0 : i32
      %dma_wait3A_108 = tpu.memref_slice %arg6[%add3A_29, %dma_wait3A_107] : memref<10240x128xf32, #tpu.memory_space<vmem_shared>> -> memref<128x128xf32, #tpu.memory_space<vmem_shared>>
      %dma_wait3A_109 = arith.constant 0 : i32
      %dma_wait3A_110 = tpu.memref_slice %arg6[%add3A_29, %dma_wait3A_109] : memref<10240x128xf32, #tpu.memory_space<vmem_shared>> -> memref<128x128xf32, #tpu.memory_space<vmem_shared>>
      tpu.wait_dma2 semaphore(%run_scoped3A : memref<!tpu.dma_semaphore, #tpu.memory_space<semaphore_mem>>) src(%arg5 : memref<128x128xf32, #tpu.memory_space<vmem>>) dst(%dma_wait3A_110 : memref<128x128xf32, #tpu.memory_space<vmem_shared>>)
      tpu.yield
    }) : () -> ()
    %scan3A_30 = arith.constant 0 : i32
    %scan3A_31 = arith.constant 0 : i32
    %scan3A_32 = arith.constant 1024 : i32
    %scan3A_33 = arith.addi %scan3A_31, %scan3A_32 : i32
    %scan3A_34 = arith.constant 1 : i32
    %scan3A_35 = scf.for %scan3A_103 = %scan3A_31 to %scan3A_33 step %scan3A_34 iter_args(%scan3A_104 = %scan3A_30) -> (i32)  : i32 {
      %jit3A = arith.constant 8 : i32
      %div3A = arith.divsi %scan3A_103, %jit3A : i32
      %sign3A = arith.constant 0 : i32
      %sign3A_105 = arith.cmpi sgt, %scan3A_103, %sign3A : i32
      %sign3A_106 = arith.extui %sign3A_105 : i1 to i32
      %sign3A_107 = arith.constant 0 : i32
      %sign3A_108 = arith.cmpi slt, %scan3A_103, %sign3A_107 : i32
      %sign3A_109 = arith.extui %sign3A_108 : i1 to i32
      %sign3A_110 = arith.subi %sign3A_106, %sign3A_109 : i32
      %sign3A_111 = arith.constant 0 : i32
      %sign3A_112 = arith.cmpi sgt, %jit3A, %sign3A_111 : i32
      %sign3A_113 = arith.extui %sign3A_112 : i1 to i32
      %sign3A_114 = arith.constant 0 : i32
      %sign3A_115 = arith.cmpi slt, %jit3A, %sign3A_114 : i32
      %sign3A_116 = arith.extui %sign3A_115 : i1 to i32
      %sign3A_117 = arith.subi %sign3A_113, %sign3A_116 : i32
      %ne3A = arith.cmpi ne, %sign3A_110, %sign3A_117 : i32
      %rem3A = arith.remsi %scan3A_103, %jit3A : i32
      %ne3A_118 = arith.constant 0 : i32
      %ne3A_119 = arith.cmpi ne, %rem3A, %ne3A_118 : i32
      %and3A = arith.andi %ne3A, %ne3A_119 : i1
      %sub3A = arith.constant 1 : i32
      %sub3A_120 = arith.subi %div3A, %sub3A : i32
      %select_n3A = arith.select %and3A, %sub3A_120, %div3A : i32
      %jit3A_121 = arith.constant 8 : i32
      %eq3A = arith.constant 0 : i32
      %eq3A_122 = arith.cmpi eq, %jit3A_121, %eq3A : i32
      %jit3A_123 = arith.constant 1 : i32
      %select_n3A_124 = arith.select %eq3A_122, %jit3A_123, %jit3A_121 : i32
      %rem3A_125 = arith.remsi %scan3A_103, %select_n3A_124 : i32
      %ne3A_126 = arith.constant 0 : i32
      %ne3A_127 = arith.cmpi ne, %rem3A_125, %ne3A_126 : i32
      %lt3A = arith.constant 0 : i32
      %lt3A_128 = arith.cmpi slt, %rem3A_125, %lt3A : i32
      %lt3A_129 = arith.constant 0 : i32
      %lt3A_130 = arith.cmpi slt, %select_n3A_124, %lt3A_129 : i32
      %ne3A_131 = arith.xori %lt3A_128, %lt3A_130 : i1
      %and3A_132 = arith.andi %ne3A_131, %ne3A_127 : i1
      %add3A_133 = arith.addi %rem3A_125, %select_n3A_124 : i32
      %select_n3A_134 = arith.select %and3A_132, %add3A_133, %rem3A_125 : i32
      %mul3A_135 = arith.constant 16 : i32
      %mul3A_136 = arith.muli %select_n3A_134, %mul3A_135 : i32
      %swap3A = arith.index_cast %select_n3A : i32 to index
      %swap3A_137 = arith.index_cast %mul3A_136 : i32 to index
      %swap3A_138 = tpu.vector_load %arg5[%swap3A, %swap3A_137] {strides = array<i32>} : memref<128x128xf32, #tpu.memory_space<vmem>>, vector<1x16xf32>,
      %swap3A_139 = vector.shape_cast %swap3A_138 : vector<1x16xf32> to vector<16xf32>
      %swap3A_140 = vector.shape_cast %broadcast_in_dim3A_3 : vector<16xf32> to vector<1x16xf32>
      tpu.vector_store %arg5[%swap3A, %swap3A_137], %swap3A_140 {strides = array<i32>} : memref<128x128xf32, #tpu.memory_space<vmem>>, vector<1x16xf32>,
      %scan3A_141 = arith.constant 0 : i32
      scf.yield %scan3A_141 : i32
    }
    %scan3A_36 = arith.constant 1024 : i32
    "tpu.region"() ({
      %run_scoped3A = tpu.sem_alloc : memref<!tpu.dma_semaphore, #tpu.memory_space<semaphore_mem>>
      %dma_start3A_103 = arith.constant 0 : i32
      %dma_start3A_104 = arith.constant 0 : i32
      %dma_start3A_105 = tpu.memref_slice %arg2[%add3A, %dma_start3A_103, %dma_start3A_104] : memref<32x80x128xi32, #tpu.memory_space<hbm>> -> memref<1x80x128xi32, #tpu.memory_space<hbm>>
      %dma_start3A_106 = tpu.memref_squeeze %dma_start3A_105 : memref<1x80x128xi32, #tpu.memory_space<hbm>> -> memref<80x128xi32, #tpu.memory_space<hbm>>
      %dma_start3A_107 = arith.constant 0 : i32
      %dma_start3A_108 = arith.constant 0 : i32
      %dma_start3A_109 = tpu.memref_slice %arg2[%add3A, %dma_start3A_107, %dma_start3A_108] : memref<32x80x128xi32, #tpu.memory_space<hbm>> -> memref<1x80x128xi32, #tpu.memory_space<hbm>>
      %dma_start3A_110 = tpu.memref_squeeze %dma_start3A_109 : memref<1x80x128xi32, #tpu.memory_space<hbm>> -> memref<80x128xi32, #tpu.memory_space<hbm>>
      tpu.enqueue_dma source(%dma_start3A_110 : memref<80x128xi32, #tpu.memory_space<hbm>>) target(%arg4 : memref<80x128xi32, #tpu.memory_space<vmem>>) target_semaphore(%run_scoped3A : memref<!tpu.dma_semaphore, #tpu.memory_space<semaphore_mem>>)
      %dma_wait3A_111 = arith.constant 0 : i32
      %dma_wait3A_112 = arith.constant 0 : i32
      %dma_wait3A_113 = tpu.memref_slice %arg2[%add3A, %dma_wait3A_111, %dma_wait3A_112] : memref<32x80x128xi32, #tpu.memory_space<hbm>> -> memref<1x80x128xi32, #tpu.memory_space<hbm>>
      %dma_wait3A_114 = tpu.memref_squeeze %dma_wait3A_113 : memref<1x80x128xi32, #tpu.memory_space<hbm>> -> memref<80x128xi32, #tpu.memory_space<hbm>>
      %dma_wait3A_115 = arith.constant 0 : i32
      %dma_wait3A_116 = arith.constant 0 : i32
      %dma_wait3A_117 = tpu.memref_slice %arg2[%add3A, %dma_wait3A_115, %dma_wait3A_116] : memref<32x80x128xi32, #tpu.memory_space<hbm>> -> memref<1x80x128xi32, #tpu.memory_space<hbm>>
      %dma_wait3A_118 = tpu.memref_squeeze %dma_wait3A_117 : memref<1x80x128xi32, #tpu.memory_space<hbm>> -> memref<80x128xi32, #tpu.memory_space<hbm>>
      tpu.wait_dma2 semaphore(%run_scoped3A : memref<!tpu.dma_semaphore, #tpu.memory_space<semaphore_mem>>) src(%dma_wait3A_118 : memref<80x128xi32, #tpu.memory_space<hbm>>) dst(%arg4 : memref<80x128xi32, #tpu.memory_space<vmem>>)
      tpu.yield
    }) : () -> ()
    %barrier3A = arith.constant 0 : index
    tpu.barrier barrier_id(%barrier3A)
    %dma_start3A = arith.constant 0 : i32
    %dma_start3A_37 = arith.constant 0 : i32
    %dma_start3A_38 = tpu.memref_slice %arg4[%dma_start3A, %dma_start3A_37] : memref<80x128xi32, #tpu.memory_space<vmem>> -> memref<1x128xi32, #tpu.memory_space<vmem>>
    %dma_start3A_39 = tpu.memref_squeeze %dma_start3A_38 : memref<1x128xi32, #tpu.memory_space<vmem>> -> memref<128xi32, #tpu.memory_space<vmem>>
    %dma_start3A_40 = arith.constant 0 : i32
    %dma_start3A_41 = arith.constant 0 : i32
    %dma_start3A_42 = tpu.memref_slice %arg6[%dma_start3A_40, %dma_start3A_41] : memref<10240x128xf32, #tpu.memory_space<vmem_shared>> -> memref<10240x128xf32, #tpu.memory_space<vmem_shared>>
    tpu.enqueue_indirect_dma source(%arg5 : memref<128x128xf32, #tpu.memory_space<vmem>>) target(%dma_start3A_42 : memref<10240x128xf32, #tpu.memory_space<vmem_shared>>) offsets(%dma_start3A_39 : memref<128xi32, #tpu.memory_space<vmem>>) semaphore(%arg7 : memref<!tpu.dma_semaphore, #tpu.memory_space<semaphore_mem>>) {add = true}
    %dma_start3A_43 = arith.constant 1 : i32
    %dma_start3A_44 = arith.constant 0 : i32
    %dma_start3A_45 = tpu.memref_slice %arg4[%dma_start3A_43, %dma_start3A_44] : memref<80x128xi32, #tpu.memory_space<vmem>> -> memref<1x128xi32, #tpu.memory_space<vmem>>
    %dma_start3A_46 = tpu.memref_squeeze %dma_start3A_45 : memref<1x128xi32, #tpu.memory_space<vmem>> -> memref<128xi32, #tpu.memory_space<vmem>>
    %dma_start3A_47 = arith.constant 0 : i32
    %dma_start3A_48 = arith.constant 0 : i32
    %dma_start3A_49 = tpu.memref_slice %arg6[%dma_start3A_47, %dma_start3A_48] : memref<10240x128xf32, #tpu.memory_space<vmem_shared>> -> memref<10240x128xf32, #tpu.memory_space<vmem_shared>>
    tpu.enqueue_indirect_dma source(%arg5 : memref<128x128xf32, #tpu.memory_space<vmem>>) target(%dma_start3A_49 : memref<10240x128xf32, #tpu.memory_space<vmem_shared>>) offsets(%dma_start3A_46 : memref<128xi32, #tpu.memory_space<vmem>>) semaphore(%arg7 : memref<!tpu.dma_semaphore, #tpu.memory_space<semaphore_mem>>) {add = true}
    %dma_start3A_50 = arith.constant 2 : i32
    %dma_start3A_51 = arith.constant 0 : i32
    %dma_start3A_52 = tpu.memref_slice %arg4[%dma_start3A_50, %dma_start3A_51] : memref<80x128xi32, #tpu.memory_space<vmem>> -> memref<1x128xi32, #tpu.memory_space<vmem>>
    %dma_start3A_53 = tpu.memref_squeeze %dma_start3A_52 : memref<1x128xi32, #tpu.memory_space<vmem>> -> memref<128xi32, #tpu.memory_space<vmem>>
    %dma_start3A_54 = arith.constant 0 : i32
    %dma_start3A_55 = arith.constant 0 : i32
    %dma_start3A_56 = tpu.memref_slice %arg6[%dma_start3A_54, %dma_start3A_55] : memref<10240x128xf32, #tpu.memory_space<vmem_shared>> -> memref<10240x128xf32, #tpu.memory_space<vmem_shared>>
    tpu.enqueue_indirect_dma source(%arg5 : memref<128x128xf32, #tpu.memory_space<vmem>>) target(%dma_start3A_56 : memref<10240x128xf32, #tpu.memory_space<vmem_shared>>) offsets(%dma_start3A_53 : memref<128xi32, #tpu.memory_space<vmem>>) semaphore(%arg7 : memref<!tpu.dma_semaphore, #tpu.memory_space<semaphore_mem>>) {add = true}
    %dma_start3A_57 = arith.constant 3 : i32
    %dma_start3A_58 = arith.constant 0 : i32
    %dma_start3A_59 = tpu.memref_slice %arg4[%dma_start3A_57, %dma_start3A_58] : memref<80x128xi32, #tpu.memory_space<vmem>> -> memref<1x128xi32, #tpu.memory_space<vmem>>
    %dma_start3A_60 = tpu.memref_squeeze %dma_start3A_59 : memref<1x128xi32, #tpu.memory_space<vmem>> -> memref<128xi32, #tpu.memory_space<vmem>>
    %dma_start3A_61 = arith.constant 0 : i32
    %dma_start3A_62 = arith.constant 0 : i32
    %dma_start3A_63 = tpu.memref_slice %arg6[%dma_start3A_61, %dma_start3A_62] : memref<10240x128xf32, #tpu.memory_space<vmem_shared>> -> memref<10240x128xf32, #tpu.memory_space<vmem_shared>>
    tpu.enqueue_indirect_dma source(%arg5 : memref<128x128xf32, #tpu.memory_space<vmem>>) target(%dma_start3A_63 : memref<10240x128xf32, #tpu.memory_space<vmem_shared>>) offsets(%dma_start3A_60 : memref<128xi32, #tpu.memory_space<vmem>>) semaphore(%arg7 : memref<!tpu.dma_semaphore, #tpu.memory_space<semaphore_mem>>) {add = true}
    %scan3A_64 = arith.constant 0 : i32
    %scan3A_65 = arith.constant 0 : i32
    %scan3A_66 = arith.constant 76 : i32
    %scan3A_67 = arith.addi %scan3A_65, %scan3A_66 : i32
    %scan3A_68 = arith.constant 1 : i32
    %scan3A_69 = scf.for %scan3A_103 = %scan3A_65 to %scan3A_67 step %scan3A_68 iter_args(%scan3A_104 = %scan3A_64) -> (i32)  : i32 {
      %dma_wait3A_105 = arith.constant 0 : i32
      %dma_wait3A_106 = tpu.memref_slice %arg4[%scan3A_103, %dma_wait3A_105] : memref<80x128xi32, #tpu.memory_space<vmem>> -> memref<1x128xi32, #tpu.memory_space<vmem>>
      %dma_wait3A_107 = tpu.memref_squeeze %dma_wait3A_106 : memref<1x128xi32, #tpu.memory_space<vmem>> -> memref<128xi32, #tpu.memory_space<vmem>>
      %dma_wait3A_108 = arith.constant 0 : i32
      %dma_wait3A_109 = arith.constant 0 : i32
      %dma_wait3A_110 = tpu.memref_slice %arg6[%dma_wait3A_108, %dma_wait3A_109] : memref<10240x128xf32, #tpu.memory_space<vmem_shared>> -> memref<10240x128xf32, #tpu.memory_space<vmem_shared>>
      tpu.wait_indirect_dma semaphore(%arg7 : memref<!tpu.dma_semaphore, #tpu.memory_space<semaphore_mem>>) src(%arg5 : memref<128x128xf32, #tpu.memory_space<vmem>>) dst(%dma_wait3A_110 : memref<10240x128xf32, #tpu.memory_space<vmem_shared>>)
      %add3A_111 = arith.constant 4 : i32
      %add3A_112 = arith.addi %scan3A_103, %add3A_111 : i32
      %dma_start3A_113 = arith.constant 0 : i32
      %dma_start3A_114 = tpu.memref_slice %arg4[%add3A_112, %dma_start3A_113] : memref<80x128xi32, #tpu.memory_space<vmem>> -> memref<1x128xi32, #tpu.memory_space<vmem>>
      %dma_start3A_115 = tpu.memref_squeeze %dma_start3A_114 : memref<1x128xi32, #tpu.memory_space<vmem>> -> memref<128xi32, #tpu.memory_space<vmem>>
      %dma_start3A_116 = arith.constant 0 : i32
      %dma_start3A_117 = arith.constant 0 : i32
      %dma_start3A_118 = tpu.memref_slice %arg6[%dma_start3A_116, %dma_start3A_117] : memref<10240x128xf32, #tpu.memory_space<vmem_shared>> -> memref<10240x128xf32, #tpu.memory_space<vmem_shared>>
      tpu.enqueue_indirect_dma source(%arg5 : memref<128x128xf32, #tpu.memory_space<vmem>>) target(%dma_start3A_118 : memref<10240x128xf32, #tpu.memory_space<vmem_shared>>) offsets(%dma_start3A_115 : memref<128xi32, #tpu.memory_space<vmem>>) semaphore(%arg7 : memref<!tpu.dma_semaphore, #tpu.memory_space<semaphore_mem>>) {add = true}
      %scan3A_119 = arith.constant 0 : i32
      scf.yield %scan3A_119 : i32
    }
    %scan3A_70 = arith.constant 76 : i32
    %dma_wait3A = arith.constant 0 : i32
    %dma_wait3A_71 = arith.constant 0 : i32
    %dma_wait3A_72 = tpu.memref_slice %arg4[%dma_wait3A, %dma_wait3A_71] : memref<80x128xi32, #tpu.memory_space<vmem>> -> memref<1x128xi32, #tpu.memory_space<vmem>>
    %dma_wait3A_73 = tpu.memref_squeeze %dma_wait3A_72 : memref<1x128xi32, #tpu.memory_space<vmem>> -> memref<128xi32, #tpu.memory_space<vmem>>
    %dma_wait3A_74 = arith.constant 0 : i32
    %dma_wait3A_75 = arith.constant 0 : i32
    %dma_wait3A_76 = tpu.memref_slice %arg6[%dma_wait3A_74, %dma_wait3A_75] : memref<10240x128xf32, #tpu.memory_space<vmem_shared>> -> memref<10240x128xf32, #tpu.memory_space<vmem_shared>>
    tpu.wait_indirect_dma semaphore(%arg7 : memref<!tpu.dma_semaphore, #tpu.memory_space<semaphore_mem>>) src(%arg5 : memref<128x128xf32, #tpu.memory_space<vmem>>) dst(%dma_wait3A_76 : memref<10240x128xf32, #tpu.memory_space<vmem_shared>>)
    %dma_wait3A_77 = arith.constant 1 : i32
    %dma_wait3A_78 = arith.constant 0 : i32
    %dma_wait3A_79 = tpu.memref_slice %arg4[%dma_wait3A_77, %dma_wait3A_78] : memref<80x128xi32, #tpu.memory_space<vmem>> -> memref<1x128xi32, #tpu.memory_space<vmem>>
    %dma_wait3A_80 = tpu.memref_squeeze %dma_wait3A_79 : memref<1x128xi32, #tpu.memory_space<vmem>> -> memref<128xi32, #tpu.memory_space<vmem>>
    %dma_wait3A_81 = arith.constant 0 : i32
    %dma_wait3A_82 = arith.constant 0 : i32
    %dma_wait3A_83 = tpu.memref_slice %arg6[%dma_wait3A_81, %dma_wait3A_82] : memref<10240x128xf32, #tpu.memory_space<vmem_shared>> -> memref<10240x128xf32, #tpu.memory_space<vmem_shared>>
    tpu.wait_indirect_dma semaphore(%arg7 : memref<!tpu.dma_semaphore, #tpu.memory_space<semaphore_mem>>) src(%arg5 : memref<128x128xf32, #tpu.memory_space<vmem>>) dst(%dma_wait3A_83 : memref<10240x128xf32, #tpu.memory_space<vmem_shared>>)
    %dma_wait3A_84 = arith.constant 2 : i32
    %dma_wait3A_85 = arith.constant 0 : i32
    %dma_wait3A_86 = tpu.memref_slice %arg4[%dma_wait3A_84, %dma_wait3A_85] : memref<80x128xi32, #tpu.memory_space<vmem>> -> memref<1x128xi32, #tpu.memory_space<vmem>>
    %dma_wait3A_87 = tpu.memref_squeeze %dma_wait3A_86 : memref<1x128xi32, #tpu.memory_space<vmem>> -> memref<128xi32, #tpu.memory_space<vmem>>
    %dma_wait3A_88 = arith.constant 0 : i32
    %dma_wait3A_89 = arith.constant 0 : i32
    %dma_wait3A_90 = tpu.memref_slice %arg6[%dma_wait3A_88, %dma_wait3A_89] : memref<10240x128xf32, #tpu.memory_space<vmem_shared>> -> memref<10240x128xf32, #tpu.memory_space<vmem_shared>>
    tpu.wait_indirect_dma semaphore(%arg7 : memref<!tpu.dma_semaphore, #tpu.memory_space<semaphore_mem>>) src(%arg5 : memref<128x128xf32, #tpu.memory_space<vmem>>) dst(%dma_wait3A_90 : memref<10240x128xf32, #tpu.memory_space<vmem_shared>>)
    %dma_wait3A_91 = arith.constant 3 : i32
    %dma_wait3A_92 = arith.constant 0 : i32
    %dma_wait3A_93 = tpu.memref_slice %arg4[%dma_wait3A_91, %dma_wait3A_92] : memref<80x128xi32, #tpu.memory_space<vmem>> -> memref<1x128xi32, #tpu.memory_space<vmem>>
    %dma_wait3A_94 = tpu.memref_squeeze %dma_wait3A_93 : memref<1x128xi32, #tpu.memory_space<vmem>> -> memref<128xi32, #tpu.memory_space<vmem>>
    %dma_wait3A_95 = arith.constant 0 : i32
    %dma_wait3A_96 = arith.constant 0 : i32
    %dma_wait3A_97 = tpu.memref_slice %arg6[%dma_wait3A_95, %dma_wait3A_96] : memref<10240x128xf32, #tpu.memory_space<vmem_shared>> -> memref<10240x128xf32, #tpu.memory_space<vmem_shared>>
    tpu.wait_indirect_dma semaphore(%arg7 : memref<!tpu.dma_semaphore, #tpu.memory_space<semaphore_mem>>) src(%arg5 : memref<128x128xf32, #tpu.memory_space<vmem>>) dst(%dma_wait3A_97 : memref<10240x128xf32, #tpu.memory_space<vmem_shared>>)
    %barrier3A_98 = arith.constant 0 : index
    tpu.barrier barrier_id(%barrier3A_98)
    %mul3A_99 = arith.constant 640 : i32
    %mul3A_100 = arith.muli %arg1, %mul3A_99 : i32
    %mul3A_101 = arith.constant 640 : i32
    %mul3A_102 = arith.muli %arg1, %mul3A_101 : i32
    "tpu.region"() ({
      %run_scoped3A = tpu.sem_alloc : memref<!tpu.dma_semaphore, #tpu.memory_space<semaphore_mem>>
      %dma_start3A_103 = arith.constant 0 : i32
      %dma_start3A_104 = tpu.memref_slice %arg3[%arg0, %mul3A_102, %dma_start3A_103] : memref<2x10240x128xf32, #tpu.memory_space<hbm>> -> memref<1x640x128xf32, #tpu.memory_space<hbm>>
      %dma_start3A_105 = tpu.memref_squeeze %dma_start3A_104 : memref<1x640x128xf32, #tpu.memory_space<hbm>> -> memref<640x128xf32, #tpu.memory_space<hbm>>
      %dma_start3A_106 = arith.constant 0 : i32
      %dma_start3A_107 = tpu.memref_slice %arg6[%mul3A_100, %dma_start3A_106] : memref<10240x128xf32, #tpu.memory_space<vmem_shared>> -> memref<640x128xf32, #tpu.memory_space<vmem_shared>>
      tpu.enqueue_dma source(%dma_start3A_107 : memref<640x128xf32, #tpu.memory_space<vmem_shared>>) target(%dma_start3A_105 : memref<640x128xf32, #tpu.memory_space<hbm>>) target_semaphore(%run_scoped3A : memref<!tpu.dma_semaphore, #tpu.memory_space<semaphore_mem>>)
      %dma_wait3A_108 = arith.constant 0 : i32
      %dma_wait3A_109 = tpu.memref_slice %arg3[%arg0, %mul3A_102, %dma_wait3A_108] : memref<2x10240x128xf32, #tpu.memory_space<hbm>> -> memref<1x640x128xf32, #tpu.memory_space<hbm>>
      %dma_wait3A_110 = tpu.memref_squeeze %dma_wait3A_109 : memref<1x640x128xf32, #tpu.memory_space<hbm>> -> memref<640x128xf32, #tpu.memory_space<hbm>>
      %dma_wait3A_111 = arith.constant 0 : i32
      %dma_wait3A_112 = tpu.memref_slice %arg6[%mul3A_100, %dma_wait3A_111] : memref<10240x128xf32, #tpu.memory_space<vmem_shared>> -> memref<640x128xf32, #tpu.memory_space<vmem_shared>>
      tpu.wait_dma2 semaphore(%run_scoped3A : memref<!tpu.dma_semaphore, #tpu.memory_space<semaphore_mem>>) src(%dma_wait3A_112 : memref<640x128xf32, #tpu.memory_space<vmem_shared>>) dst(%dma_wait3A_110 : memref<640x128xf32, #tpu.memory_space<hbm>>)
      tpu.yield
    }) : () -> ()
    return
  }
}

#map = affine_map<(d0, d1) -> (0, 0)>
#map1 = affine_map<(d0, d1) -> (0, 0, 0)>
module attributes {stable_mosaic.version = 14 : i64} {
  func.func @_seg_body(%arg0: i32, %arg1: i32, %arg2: memref<10240x128xf32, #tpu.memory_space<hbm>>, %arg3: memref<10240x128xf32, #tpu.memory_space<hbm>>, %arg4: memref<32x80x128xi32, #tpu.memory_space<hbm>>, %arg5: memref<32x80x128xi32, #tpu.memory_space<hbm>>, %arg6: memref<2x10240x128xf32, #tpu.memory_space<hbm>>, %arg7: memref<2x10240x128xf32, #tpu.memory_space<hbm>>, %arg8: memref<80x128xi32, #tpu.memory_space<vmem>>, %arg9: memref<2x16x128xi32, #tpu.memory_space<vmem>>, %arg10: memref<128x128xf32, #tpu.memory_space<vmem>>, %arg11: memref<128x128xf32, #tpu.memory_space<vmem>>, %arg12: memref<10240x128xf32, #tpu.memory_space<vmem_shared>>, %arg13: memref<!tpu.dma_semaphore, #tpu.memory_space<semaphore_mem>>, %arg14: memref<!tpu.dma_semaphore, #tpu.memory_space<semaphore_mem>>, %arg15: memref<!tpu.dma_semaphore, #tpu.memory_space<semaphore_mem>>, %arg16: memref<!tpu.dma_semaphore, #tpu.memory_space<semaphore_mem>>) attributes {dimension_semantics = [#tpu.dimension_semantics<core_parallel>, #tpu.dimension_semantics<subcore_parallel>], iteration_bounds = array<i64: 2, 16>, scalar_prefetch = 0 : i64, scratch_operands = 9 : i64, tpu.core_type = #tpu.core_type<sc_vector_subcore>, window_params = [{transform_indices = #map}, {transform_indices = #map}, {transform_indices = #map1}, {transform_indices = #map1}, {transform_indices = #map1}, {transform_indices = #map1}]} {
    %mul3A = arith.constant 2 : i32
    %mul3A_0 = arith.muli %arg1, %mul3A : i32
    %add3A = arith.addi %mul3A_0, %arg0 : i32
    %broadcast_in_dim3A = arith.constant 0.000000e+00 : f32
    %broadcast_in_dim3A_1 = vector.broadcast %broadcast_in_dim3A : f32 to vector<16xf32>
    "tpu.region"() ({
      %run_scoped3A = tpu.sem_alloc : memref<!tpu.dma_semaphore, #tpu.memory_space<semaphore_mem>>
      %dma_start3A_108 = arith.constant 0 : i32
      %dma_start3A_109 = arith.constant 0 : i32
      %dma_start3A_110 = tpu.memref_slice %arg4[%add3A, %dma_start3A_108, %dma_start3A_109] : memref<32x80x128xi32, #tpu.memory_space<hbm>> -> memref<1x80x128xi32, #tpu.memory_space<hbm>>
      %dma_start3A_111 = tpu.memref_squeeze %dma_start3A_110 : memref<1x80x128xi32, #tpu.memory_space<hbm>> -> memref<80x128xi32, #tpu.memory_space<hbm>>
      %dma_start3A_112 = arith.constant 0 : i32
      %dma_start3A_113 = arith.constant 0 : i32
      %dma_start3A_114 = tpu.memref_slice %arg4[%add3A, %dma_start3A_112, %dma_start3A_113] : memref<32x80x128xi32, #tpu.memory_space<hbm>> -> memref<1x80x128xi32, #tpu.memory_space<hbm>>
      %dma_start3A_115 = tpu.memref_squeeze %dma_start3A_114 : memref<1x80x128xi32, #tpu.memory_space<hbm>> -> memref<80x128xi32, #tpu.memory_space<hbm>>
      tpu.enqueue_dma source(%dma_start3A_115 : memref<80x128xi32, #tpu.memory_space<hbm>>) target(%arg8 : memref<80x128xi32, #tpu.memory_space<vmem>>) target_semaphore(%run_scoped3A : memref<!tpu.dma_semaphore, #tpu.memory_space<semaphore_mem>>)
      %dma_wait3A_116 = arith.constant 0 : i32
      %dma_wait3A_117 = arith.constant 0 : i32
      %dma_wait3A_118 = tpu.memref_slice %arg4[%add3A, %dma_wait3A_116, %dma_wait3A_117] : memref<32x80x128xi32, #tpu.memory_space<hbm>> -> memref<1x80x128xi32, #tpu.memory_space<hbm>>
      %dma_wait3A_119 = tpu.memref_squeeze %dma_wait3A_118 : memref<1x80x128xi32, #tpu.memory_space<hbm>> -> memref<80x128xi32, #tpu.memory_space<hbm>>
      %dma_wait3A_120 = arith.constant 0 : i32
      %dma_wait3A_121 = arith.constant 0 : i32
      %dma_wait3A_122 = tpu.memref_slice %arg4[%add3A, %dma_wait3A_120, %dma_wait3A_121] : memref<32x80x128xi32, #tpu.memory_space<hbm>> -> memref<1x80x128xi32, #tpu.memory_space<hbm>>
      %dma_wait3A_123 = tpu.memref_squeeze %dma_wait3A_122 : memref<1x80x128xi32, #tpu.memory_space<hbm>> -> memref<80x128xi32, #tpu.memory_space<hbm>>
      tpu.wait_dma2 semaphore(%run_scoped3A : memref<!tpu.dma_semaphore, #tpu.memory_space<semaphore_mem>>) src(%dma_wait3A_123 : memref<80x128xi32, #tpu.memory_space<hbm>>) dst(%arg8 : memref<80x128xi32, #tpu.memory_space<vmem>>)
      tpu.yield
    }) : () -> ()
    %scan3A = arith.constant 0 : i32
    %scan3A_2 = arith.constant 0 : i32
    %scan3A_3 = arith.constant 1024 : i32
    %scan3A_4 = arith.addi %scan3A_2, %scan3A_3 : i32
    %scan3A_5 = arith.constant 1 : i32
    %scan3A_6 = scf.for %scan3A_108 = %scan3A_2 to %scan3A_4 step %scan3A_5 iter_args(%scan3A_109 = %scan3A) -> (i32)  : i32 {
      %jit3A = arith.constant 8 : i32
      %div3A = arith.divsi %scan3A_108, %jit3A : i32
      %sign3A = arith.constant 0 : i32
      %sign3A_110 = arith.cmpi sgt, %scan3A_108, %sign3A : i32
      %sign3A_111 = arith.extui %sign3A_110 : i1 to i32
      %sign3A_112 = arith.constant 0 : i32
      %sign3A_113 = arith.cmpi slt, %scan3A_108, %sign3A_112 : i32
      %sign3A_114 = arith.extui %sign3A_113 : i1 to i32
      %sign3A_115 = arith.subi %sign3A_111, %sign3A_114 : i32
      %sign3A_116 = arith.constant 0 : i32
      %sign3A_117 = arith.cmpi sgt, %jit3A, %sign3A_116 : i32
      %sign3A_118 = arith.extui %sign3A_117 : i1 to i32
      %sign3A_119 = arith.constant 0 : i32
      %sign3A_120 = arith.cmpi slt, %jit3A, %sign3A_119 : i32
      %sign3A_121 = arith.extui %sign3A_120 : i1 to i32
      %sign3A_122 = arith.subi %sign3A_118, %sign3A_121 : i32
      %ne3A = arith.cmpi ne, %sign3A_115, %sign3A_122 : i32
      %rem3A = arith.remsi %scan3A_108, %jit3A : i32
      %ne3A_123 = arith.constant 0 : i32
      %ne3A_124 = arith.cmpi ne, %rem3A, %ne3A_123 : i32
      %and3A = arith.andi %ne3A, %ne3A_124 : i1
      %sub3A = arith.constant 1 : i32
      %sub3A_125 = arith.subi %div3A, %sub3A : i32
      %select_n3A = arith.select %and3A, %sub3A_125, %div3A : i32
      %jit3A_126 = arith.constant 8 : i32
      %eq3A = arith.constant 0 : i32
      %eq3A_127 = arith.cmpi eq, %jit3A_126, %eq3A : i32
      %jit3A_128 = arith.constant 1 : i32
      %select_n3A_129 = arith.select %eq3A_127, %jit3A_128, %jit3A_126 : i32
      %rem3A_130 = arith.remsi %scan3A_108, %select_n3A_129 : i32
      %ne3A_131 = arith.constant 0 : i32
      %ne3A_132 = arith.cmpi ne, %rem3A_130, %ne3A_131 : i32
      %lt3A = arith.constant 0 : i32
      %lt3A_133 = arith.cmpi slt, %rem3A_130, %lt3A : i32
      %lt3A_134 = arith.constant 0 : i32
      %lt3A_135 = arith.cmpi slt, %select_n3A_129, %lt3A_134 : i32
      %ne3A_136 = arith.xori %lt3A_133, %lt3A_135 : i1
      %and3A_137 = arith.andi %ne3A_136, %ne3A_132 : i1
      %add3A_138 = arith.addi %rem3A_130, %select_n3A_129 : i32
      %select_n3A_139 = arith.select %and3A_137, %add3A_138, %rem3A_130 : i32
      %mul3A_140 = arith.constant 16 : i32
      %mul3A_141 = arith.muli %select_n3A_139, %mul3A_140 : i32
      %swap3A = arith.index_cast %select_n3A : i32 to index
      %swap3A_142 = arith.index_cast %mul3A_141 : i32 to index
      %swap3A_143 = tpu.vector_load %arg10[%swap3A, %swap3A_142] {strides = array<i32>} : memref<128x128xf32, #tpu.memory_space<vmem>>, vector<1x16xf32>,
      %swap3A_144 = vector.shape_cast %swap3A_143 : vector<1x16xf32> to vector<16xf32>
      %swap3A_145 = vector.shape_cast %broadcast_in_dim3A_1 : vector<16xf32> to vector<1x16xf32>
      tpu.vector_store %arg10[%swap3A, %swap3A_142], %swap3A_145 {strides = array<i32>} : memref<128x128xf32, #tpu.memory_space<vmem>>, vector<1x16xf32>,
      %scan3A_146 = arith.constant 0 : i32
      scf.yield %scan3A_146 : i32
    }
    %scan3A_7 = arith.constant 1024 : i32
    %mul3A_8 = arith.constant 640 : i32
    %mul3A_9 = arith.muli %arg1, %mul3A_8 : i32
    %add3A_10 = arith.constant 0 : i32
    %add3A_11 = arith.addi %mul3A_9, %add3A_10 : i32
    "tpu.region"() ({
      %run_scoped3A = tpu.sem_alloc : memref<!tpu.dma_semaphore, #tpu.memory_space<semaphore_mem>>
      %dma_start3A_108 = arith.constant 0 : i32
      %dma_start3A_109 = tpu.memref_slice %arg12[%add3A_11, %dma_start3A_108] : memref<10240x128xf32, #tpu.memory_space<vmem_shared>> -> memref<128x128xf32, #tpu.memory_space<vmem_shared>>
      %dma_start3A_110 = arith.constant 0 : i32
      %dma_start3A_111 = tpu.memref_slice %arg12[%add3A_11, %dma_start3A_110] : memref<10240x128xf32, #tpu.memory_space<vmem_shared>> -> memref<128x128xf32, #tpu.memory_space<vmem_shared>>
      tpu.enqueue_dma source(%arg10 : memref<128x128xf32, #tpu.memory_space<vmem>>) target(%dma_start3A_111 : memref<128x128xf32, #tpu.memory_space<vmem_shared>>) target_semaphore(%run_scoped3A : memref<!tpu.dma_semaphore, #tpu.memory_space<semaphore_mem>>)
      %dma_wait3A_112 = arith.constant 0 : i32
      %dma_wait3A_113 = tpu.memref_slice %arg12[%add3A_11, %dma_wait3A_112] : memref<10240x128xf32, #tpu.memory_space<vmem_shared>> -> memref<128x128xf32, #tpu.memory_space<vmem_shared>>
      %dma_wait3A_114 = arith.constant 0 : i32
      %dma_wait3A_115 = tpu.memref_slice %arg12[%add3A_11, %dma_wait3A_114] : memref<10240x128xf32, #tpu.memory_space<vmem_shared>> -> memref<128x128xf32, #tpu.memory_space<vmem_shared>>
      tpu.wait_dma2 semaphore(%run_scoped3A : memref<!tpu.dma_semaphore, #tpu.memory_space<semaphore_mem>>) src(%arg10 : memref<128x128xf32, #tpu.memory_space<vmem>>) dst(%dma_wait3A_115 : memref<128x128xf32, #tpu.memory_space<vmem_shared>>)
      tpu.yield
    }) : () -> ()
    %mul3A_12 = arith.constant 640 : i32
    %mul3A_13 = arith.muli %arg1, %mul3A_12 : i32
    %add3A_14 = arith.constant 128 : i32
    %add3A_15 = arith.addi %mul3A_13, %add3A_14 : i32
    "tpu.region"() ({
      %run_scoped3A = tpu.sem_alloc : memref<!tpu.dma_semaphore, #tpu.memory_space<semaphore_mem>>
      %dma_start3A_108 = arith.constant 0 : i32
      %dma_start3A_109 = tpu.memref_slice %arg12[%add3A_15, %dma_start3A_108] : memref<10240x128xf32, #tpu.memory_space<vmem_shared>> -> memref<128x128xf32, #tpu.memory_space<vmem_shared>>
      %dma_start3A_110 = arith.constant 0 : i32
      %dma_start3A_111 = tpu.memref_slice %arg12[%add3A_15, %dma_start3A_110] : memref<10240x128xf32, #tpu.memory_space<vmem_shared>> -> memref<128x128xf32, #tpu.memory_space<vmem_shared>>
      tpu.enqueue_dma source(%arg10 : memref<128x128xf32, #tpu.memory_space<vmem>>) target(%dma_start3A_111 : memref<128x128xf32, #tpu.memory_space<vmem_shared>>) target_semaphore(%run_scoped3A : memref<!tpu.dma_semaphore, #tpu.memory_space<semaphore_mem>>)
      %dma_wait3A_112 = arith.constant 0 : i32
      %dma_wait3A_113 = tpu.memref_slice %arg12[%add3A_15, %dma_wait3A_112] : memref<10240x128xf32, #tpu.memory_space<vmem_shared>> -> memref<128x128xf32, #tpu.memory_space<vmem_shared>>
      %dma_wait3A_114 = arith.constant 0 : i32
      %dma_wait3A_115 = tpu.memref_slice %arg12[%add3A_15, %dma_wait3A_114] : memref<10240x128xf32, #tpu.memory_space<vmem_shared>> -> memref<128x128xf32, #tpu.memory_space<vmem_shared>>
      tpu.wait_dma2 semaphore(%run_scoped3A : memref<!tpu.dma_semaphore, #tpu.memory_space<semaphore_mem>>) src(%arg10 : memref<128x128xf32, #tpu.memory_space<vmem>>) dst(%dma_wait3A_115 : memref<128x128xf32, #tpu.memory_space<vmem_shared>>)
      tpu.yield
    }) : () -> ()
    %mul3A_16 = arith.constant 640 : i32
    %mul3A_17 = arith.muli %arg1, %mul3A_16 : i32
    %add3A_18 = arith.constant 256 : i32
    %add3A_19 = arith.addi %mul3A_17, %add3A_18 : i32
    "tpu.region"() ({
      %run_scoped3A = tpu.sem_alloc : memref<!tpu.dma_semaphore, #tpu.memory_space<semaphore_mem>>
      %dma_start3A_108 = arith.constant 0 : i32
      %dma_start3A_109 = tpu.memref_slice %arg12[%add3A_19, %dma_start3A_108] : memref<10240x128xf32, #tpu.memory_space<vmem_shared>> -> memref<128x128xf32, #tpu.memory_space<vmem_shared>>
      %dma_start3A_110 = arith.constant 0 : i32
      %dma_start3A_111 = tpu.memref_slice %arg12[%add3A_19, %dma_start3A_110] : memref<10240x128xf32, #tpu.memory_space<vmem_shared>> -> memref<128x128xf32, #tpu.memory_space<vmem_shared>>
      tpu.enqueue_dma source(%arg10 : memref<128x128xf32, #tpu.memory_space<vmem>>) target(%dma_start3A_111 : memref<128x128xf32, #tpu.memory_space<vmem_shared>>) target_semaphore(%run_scoped3A : memref<!tpu.dma_semaphore, #tpu.memory_space<semaphore_mem>>)
      %dma_wait3A_112 = arith.constant 0 : i32
      %dma_wait3A_113 = tpu.memref_slice %arg12[%add3A_19, %dma_wait3A_112] : memref<10240x128xf32, #tpu.memory_space<vmem_shared>> -> memref<128x128xf32, #tpu.memory_space<vmem_shared>>
      %dma_wait3A_114 = arith.constant 0 : i32
      %dma_wait3A_115 = tpu.memref_slice %arg12[%add3A_19, %dma_wait3A_114] : memref<10240x128xf32, #tpu.memory_space<vmem_shared>> -> memref<128x128xf32, #tpu.memory_space<vmem_shared>>
      tpu.wait_dma2 semaphore(%run_scoped3A : memref<!tpu.dma_semaphore, #tpu.memory_space<semaphore_mem>>) src(%arg10 : memref<128x128xf32, #tpu.memory_space<vmem>>) dst(%dma_wait3A_115 : memref<128x128xf32, #tpu.memory_space<vmem_shared>>)
      tpu.yield
    }) : () -> ()
    %mul3A_20 = arith.constant 640 : i32
    %mul3A_21 = arith.muli %arg1, %mul3A_20 : i32
    %add3A_22 = arith.constant 384 : i32
    %add3A_23 = arith.addi %mul3A_21, %add3A_22 : i32
    "tpu.region"() ({
      %run_scoped3A = tpu.sem_alloc : memref<!tpu.dma_semaphore, #tpu.memory_space<semaphore_mem>>
      %dma_start3A_108 = arith.constant 0 : i32
      %dma_start3A_109 = tpu.memref_slice %arg12[%add3A_23, %dma_start3A_108] : memref<10240x128xf32, #tpu.memory_space<vmem_shared>> -> memref<128x128xf32, #tpu.memory_space<vmem_shared>>
      %dma_start3A_110 = arith.constant 0 : i32
      %dma_start3A_111 = tpu.memref_slice %arg12[%add3A_23, %dma_start3A_110] : memref<10240x128xf32, #tpu.memory_space<vmem_shared>> -> memref<128x128xf32, #tpu.memory_space<vmem_shared>>
      tpu.enqueue_dma source(%arg10 : memref<128x128xf32, #tpu.memory_space<vmem>>) target(%dma_start3A_111 : memref<128x128xf32, #tpu.memory_space<vmem_shared>>) target_semaphore(%run_scoped3A : memref<!tpu.dma_semaphore, #tpu.memory_space<semaphore_mem>>)
      %dma_wait3A_112 = arith.constant 0 : i32
      %dma_wait3A_113 = tpu.memref_slice %arg12[%add3A_23, %dma_wait3A_112] : memref<10240x128xf32, #tpu.memory_space<vmem_shared>> -> memref<128x128xf32, #tpu.memory_space<vmem_shared>>
      %dma_wait3A_114 = arith.constant 0 : i32
      %dma_wait3A_115 = tpu.memref_slice %arg12[%add3A_23, %dma_wait3A_114] : memref<10240x128xf32, #tpu.memory_space<vmem_shared>> -> memref<128x128xf32, #tpu.memory_space<vmem_shared>>
      tpu.wait_dma2 semaphore(%run_scoped3A : memref<!tpu.dma_semaphore, #tpu.memory_space<semaphore_mem>>) src(%arg10 : memref<128x128xf32, #tpu.memory_space<vmem>>) dst(%dma_wait3A_115 : memref<128x128xf32, #tpu.memory_space<vmem_shared>>)
      tpu.yield
    }) : () -> ()
    %mul3A_24 = arith.constant 640 : i32
    %mul3A_25 = arith.muli %arg1, %mul3A_24 : i32
    %add3A_26 = arith.constant 512 : i32
    %add3A_27 = arith.addi %mul3A_25, %add3A_26 : i32
    "tpu.region"() ({
      %run_scoped3A = tpu.sem_alloc : memref<!tpu.dma_semaphore, #tpu.memory_space<semaphore_mem>>
      %dma_start3A_108 = arith.constant 0 : i32
      %dma_start3A_109 = tpu.memref_slice %arg12[%add3A_27, %dma_start3A_108] : memref<10240x128xf32, #tpu.memory_space<vmem_shared>> -> memref<128x128xf32, #tpu.memory_space<vmem_shared>>
      %dma_start3A_110 = arith.constant 0 : i32
      %dma_start3A_111 = tpu.memref_slice %arg12[%add3A_27, %dma_start3A_110] : memref<10240x128xf32, #tpu.memory_space<vmem_shared>> -> memref<128x128xf32, #tpu.memory_space<vmem_shared>>
      tpu.enqueue_dma source(%arg10 : memref<128x128xf32, #tpu.memory_space<vmem>>) target(%dma_start3A_111 : memref<128x128xf32, #tpu.memory_space<vmem_shared>>) target_semaphore(%run_scoped3A : memref<!tpu.dma_semaphore, #tpu.memory_space<semaphore_mem>>)
      %dma_wait3A_112 = arith.constant 0 : i32
      %dma_wait3A_113 = tpu.memref_slice %arg12[%add3A_27, %dma_wait3A_112] : memref<10240x128xf32, #tpu.memory_space<vmem_shared>> -> memref<128x128xf32, #tpu.memory_space<vmem_shared>>
      %dma_wait3A_114 = arith.constant 0 : i32
      %dma_wait3A_115 = tpu.memref_slice %arg12[%add3A_27, %dma_wait3A_114] : memref<10240x128xf32, #tpu.memory_space<vmem_shared>> -> memref<128x128xf32, #tpu.memory_space<vmem_shared>>
      tpu.wait_dma2 semaphore(%run_scoped3A : memref<!tpu.dma_semaphore, #tpu.memory_space<semaphore_mem>>) src(%arg10 : memref<128x128xf32, #tpu.memory_space<vmem>>) dst(%dma_wait3A_115 : memref<128x128xf32, #tpu.memory_space<vmem_shared>>)
      tpu.yield
    }) : () -> ()
    %dma_start3A = arith.constant 0 : i32
    %dma_start3A_28 = arith.constant 0 : i32
    %dma_start3A_29 = tpu.memref_slice %arg8[%dma_start3A, %dma_start3A_28] : memref<80x128xi32, #tpu.memory_space<vmem>> -> memref<1x128xi32, #tpu.memory_space<vmem>>
    %dma_start3A_30 = tpu.memref_squeeze %dma_start3A_29 : memref<1x128xi32, #tpu.memory_space<vmem>> -> memref<128xi32, #tpu.memory_space<vmem>>
    %dma_start3A_31 = arith.constant 0 : i32
    %dma_start3A_32 = arith.constant 0 : i32
    %dma_start3A_33 = tpu.memref_slice %arg2[%dma_start3A_31, %dma_start3A_32] : memref<10240x128xf32, #tpu.memory_space<hbm>> -> memref<10240x128xf32, #tpu.memory_space<hbm>>
    tpu.enqueue_indirect_dma source(%dma_start3A_33 : memref<10240x128xf32, #tpu.memory_space<hbm>>) target(%arg10 : memref<128x128xf32, #tpu.memory_space<vmem>>) offsets(%dma_start3A_30 : memref<128xi32, #tpu.memory_space<vmem>>) semaphore(%arg13 : memref<!tpu.dma_semaphore, #tpu.memory_space<semaphore_mem>>)
    %barrier3A = arith.constant 0 : index
    tpu.barrier barrier_id(%barrier3A)
    %scan3A_34 = arith.constant 0 : i32
    %scan3A_35 = arith.constant 0 : i32
    %scan3A_36 = arith.constant 5 : i32
    %scan3A_37 = arith.addi %scan3A_35, %scan3A_36 : i32
    %scan3A_38 = arith.constant 1 : i32
    %scan3A_39 = scf.for %scan3A_108 = %scan3A_35 to %scan3A_37 step %scan3A_38 iter_args(%scan3A_109 = %scan3A_34) -> (i32)  : i32 {
      %jit3A = arith.constant 2 : i32
      %eq3A = arith.constant 0 : i32
      %eq3A_110 = arith.cmpi eq, %jit3A, %eq3A : i32
      %jit3A_111 = arith.constant 1 : i32
      %select_n3A = arith.select %eq3A_110, %jit3A_111, %jit3A : i32
      %rem3A = arith.remsi %scan3A_108, %select_n3A : i32
      %ne3A = arith.constant 0 : i32
      %ne3A_112 = arith.cmpi ne, %rem3A, %ne3A : i32
      %lt3A = arith.constant 0 : i32
      %lt3A_113 = arith.cmpi slt, %rem3A, %lt3A : i32
      %lt3A_114 = arith.constant 0 : i32
      %lt3A_115 = arith.cmpi slt, %select_n3A, %lt3A_114 : i32
      %ne3A_116 = arith.xori %lt3A_113, %lt3A_115 : i1
      %and3A = arith.andi %ne3A_116, %ne3A_112 : i1
      %add3A_117 = arith.addi %rem3A, %select_n3A : i32
      %select_n3A_118 = arith.select %and3A, %add3A_117, %rem3A : i32
      %mul3A_119 = arith.constant 16 : i32
      %mul3A_120 = arith.muli %scan3A_108, %mul3A_119 : i32
      "tpu.region"() ({
        %run_scoped3A = tpu.sem_alloc : memref<!tpu.dma_semaphore, #tpu.memory_space<semaphore_mem>>
        %dma_start3A_129 = arith.constant 0 : i32
        %dma_start3A_130 = arith.constant 0 : i32
        %dma_start3A_131 = tpu.memref_slice %arg9[%select_n3A_118, %dma_start3A_129, %dma_start3A_130] : memref<2x16x128xi32, #tpu.memory_space<vmem>> -> memref<1x16x128xi32, #tpu.memory_space<vmem>>
        %dma_start3A_132 = tpu.memref_squeeze %dma_start3A_131 : memref<1x16x128xi32, #tpu.memory_space<vmem>> -> memref<16x128xi32, #tpu.memory_space<vmem>>
        %dma_start3A_133 = arith.constant 0 : i32
        %dma_start3A_134 = tpu.memref_slice %arg5[%add3A, %mul3A_120, %dma_start3A_133] : memref<32x80x128xi32, #tpu.memory_space<hbm>> -> memref<1x16x128xi32, #tpu.memory_space<hbm>>
        %dma_start3A_135 = tpu.memref_squeeze %dma_start3A_134 : memref<1x16x128xi32, #tpu.memory_space<hbm>> -> memref<16x128xi32, #tpu.memory_space<hbm>>
        %dma_start3A_136 = arith.constant 0 : i32
        %dma_start3A_137 = arith.constant 0 : i32
        %dma_start3A_138 = tpu.memref_slice %arg9[%select_n3A_118, %dma_start3A_136, %dma_start3A_137] : memref<2x16x128xi32, #tpu.memory_space<vmem>> -> memref<1x16x128xi32, #tpu.memory_space<vmem>>
        %dma_start3A_139 = tpu.memref_squeeze %dma_start3A_138 : memref<1x16x128xi32, #tpu.memory_space<vmem>> -> memref<16x128xi32, #tpu.memory_space<vmem>>
        %dma_start3A_140 = arith.constant 0 : i32
        %dma_start3A_141 = tpu.memref_slice %arg5[%add3A, %mul3A_120, %dma_start3A_140] : memref<32x80x128xi32, #tpu.memory_space<hbm>> -> memref<1x16x128xi32, #tpu.memory_space<hbm>>
        %dma_start3A_142 = tpu.memref_squeeze %dma_start3A_141 : memref<1x16x128xi32, #tpu.memory_space<hbm>> -> memref<16x128xi32, #tpu.memory_space<hbm>>
        tpu.enqueue_dma source(%dma_start3A_142 : memref<16x128xi32, #tpu.memory_space<hbm>>) target(%dma_start3A_139 : memref<16x128xi32, #tpu.memory_space<vmem>>) target_semaphore(%run_scoped3A : memref<!tpu.dma_semaphore, #tpu.memory_space<semaphore_mem>>)
        %dma_wait3A_143 = arith.constant 0 : i32
        %dma_wait3A_144 = arith.constant 0 : i32
        %dma_wait3A_145 = tpu.memref_slice %arg9[%select_n3A_118, %dma_wait3A_143, %dma_wait3A_144] : memref<2x16x128xi32, #tpu.memory_space<vmem>> -> memref<1x16x128xi32, #tpu.memory_space<vmem>>
        %dma_wait3A_146 = tpu.memref_squeeze %dma_wait3A_145 : memref<1x16x128xi32, #tpu.memory_space<vmem>> -> memref<16x128xi32, #tpu.memory_space<vmem>>
        %dma_wait3A_147 = arith.constant 0 : i32
        %dma_wait3A_148 = tpu.memref_slice %arg5[%add3A, %mul3A_120, %dma_wait3A_147] : memref<32x80x128xi32, #tpu.memory_space<hbm>> -> memref<1x16x128xi32, #tpu.memory_space<hbm>>
        %dma_wait3A_149 = tpu.memref_squeeze %dma_wait3A_148 : memref<1x16x128xi32, #tpu.memory_space<hbm>> -> memref<16x128xi32, #tpu.memory_space<hbm>>
        %dma_wait3A_150 = arith.constant 0 : i32
        %dma_wait3A_151 = arith.constant 0 : i32
        %dma_wait3A_152 = tpu.memref_slice %arg9[%select_n3A_118, %dma_wait3A_150, %dma_wait3A_151] : memref<2x16x128xi32, #tpu.memory_space<vmem>> -> memref<1x16x128xi32, #tpu.memory_space<vmem>>
        %dma_wait3A_153 = tpu.memref_squeeze %dma_wait3A_152 : memref<1x16x128xi32, #tpu.memory_space<vmem>> -> memref<16x128xi32, #tpu.memory_space<vmem>>
        %dma_wait3A_154 = arith.constant 0 : i32
        %dma_wait3A_155 = tpu.memref_slice %arg5[%add3A, %mul3A_120, %dma_wait3A_154] : memref<32x80x128xi32, #tpu.memory_space<hbm>> -> memref<1x16x128xi32, #tpu.memory_space<hbm>>
        %dma_wait3A_156 = tpu.memref_squeeze %dma_wait3A_155 : memref<1x16x128xi32, #tpu.memory_space<hbm>> -> memref<16x128xi32, #tpu.memory_space<hbm>>
        tpu.wait_dma2 semaphore(%run_scoped3A : memref<!tpu.dma_semaphore, #tpu.memory_space<semaphore_mem>>) src(%dma_wait3A_156 : memref<16x128xi32, #tpu.memory_space<hbm>>) dst(%dma_wait3A_153 : memref<16x128xi32, #tpu.memory_space<vmem>>)
        tpu.yield
      }) : () -> ()
      %scan3A_121 = arith.constant 0 : i32
      %scan3A_122 = arith.constant 0 : i32
      %scan3A_123 = arith.constant 8 : i32
      %scan3A_124 = arith.addi %scan3A_122, %scan3A_123 : i32
      %scan3A_125 = arith.constant 1 : i32
      %scan3A_126 = scf.for %scan3A_129 = %scan3A_122 to %scan3A_124 step %scan3A_125 iter_args(%scan3A_130 = %scan3A_121) -> (i32)  : i32 {
        %mul3A_131 = arith.constant 16 : i32
        %mul3A_132 = arith.muli %scan3A_108, %mul3A_131 : i32
        %mul3A_133 = arith.constant 2 : i32
        %mul3A_134 = arith.muli %mul3A_133, %scan3A_129 : i32
        %add3A_135 = arith.addi %mul3A_132, %mul3A_134 : i32
        %add3A_136 = arith.constant 1 : i32
        %add3A_137 = arith.addi %add3A_135, %add3A_136 : i32
        %dma_wait3A_138 = arith.constant 0 : i32
        %dma_wait3A_139 = tpu.memref_slice %arg8[%add3A_135, %dma_wait3A_138] : memref<80x128xi32, #tpu.memory_space<vmem>> -> memref<1x128xi32, #tpu.memory_space<vmem>>
        %dma_wait3A_140 = tpu.memref_squeeze %dma_wait3A_139 : memref<1x128xi32, #tpu.memory_space<vmem>> -> memref<128xi32, #tpu.memory_space<vmem>>
        %dma_wait3A_141 = arith.constant 0 : i32
        %dma_wait3A_142 = arith.constant 0 : i32
        %dma_wait3A_143 = tpu.memref_slice %arg2[%dma_wait3A_141, %dma_wait3A_142] : memref<10240x128xf32, #tpu.memory_space<hbm>> -> memref<10240x128xf32, #tpu.memory_space<hbm>>
        tpu.wait_indirect_dma semaphore(%arg13 : memref<!tpu.dma_semaphore, #tpu.memory_space<semaphore_mem>>) src(%dma_wait3A_143 : memref<10240x128xf32, #tpu.memory_space<hbm>>) dst(%arg10 : memref<128x128xf32, #tpu.memory_space<vmem>>)
        %mul3A_144 = arith.constant 2 : i32
        %mul3A_145 = arith.muli %mul3A_144, %scan3A_129 : i32
        %dma_start3A_146 = arith.constant 0 : i32
        %dma_start3A_147 = tpu.memref_slice %arg9[%select_n3A_118, %mul3A_145, %dma_start3A_146] : memref<2x16x128xi32, #tpu.memory_space<vmem>> -> memref<1x1x128xi32, #tpu.memory_space<vmem>>
        %dma_start3A_148 = tpu.memref_squeeze %dma_start3A_147 : memref<1x1x128xi32, #tpu.memory_space<vmem>> -> memref<128xi32, #tpu.memory_space<vmem>>
        %dma_start3A_149 = arith.constant 0 : i32
        %dma_start3A_150 = arith.constant 0 : i32
        %dma_start3A_151 = tpu.memref_slice %arg12[%dma_start3A_149, %dma_start3A_150] : memref<10240x128xf32, #tpu.memory_space<vmem_shared>> -> memref<10240x128xf32, #tpu.memory_space<vmem_shared>>
        tpu.enqueue_indirect_dma source(%arg10 : memref<128x128xf32, #tpu.memory_space<vmem>>) target(%dma_start3A_151 : memref<10240x128xf32, #tpu.memory_space<vmem_shared>>) offsets(%dma_start3A_148 : memref<128xi32, #tpu.memory_space<vmem>>) semaphore(%arg15 : memref<!tpu.dma_semaphore, #tpu.memory_space<semaphore_mem>>) {add = true}
        %gt3A = arith.constant 0 : i32
        %gt3A_152 = arith.cmpi sgt, %add3A_135, %gt3A : i32
        %convert_element_type3A = arith.extui %gt3A_152 : i1 to i32
        %cond3A = arith.constant 0 : i32
        %cond3A_153 = arith.cmpi ne, %convert_element_type3A, %cond3A : i32
        scf.if %cond3A_153 {
          %mul3A_192 = arith.constant 2 : i32
          %mul3A_193 = arith.muli %mul3A_192, %scan3A_129 : i32
          %dma_wait3A_194 = arith.constant 0 : i32
          %dma_wait3A_195 = tpu.memref_slice %arg9[%select_n3A_118, %mul3A_193, %dma_wait3A_194] : memref<2x16x128xi32, #tpu.memory_space<vmem>> -> memref<1x1x128xi32, #tpu.memory_space<vmem>>
          %dma_wait3A_196 = tpu.memref_squeeze %dma_wait3A_195 : memref<1x1x128xi32, #tpu.memory_space<vmem>> -> memref<128xi32, #tpu.memory_space<vmem>>
          %dma_wait3A_197 = arith.constant 0 : i32
          %dma_wait3A_198 = arith.constant 0 : i32
          %dma_wait3A_199 = tpu.memref_slice %arg12[%dma_wait3A_197, %dma_wait3A_198] : memref<10240x128xf32, #tpu.memory_space<vmem_shared>> -> memref<10240x128xf32, #tpu.memory_space<vmem_shared>>
          tpu.wait_indirect_dma semaphore(%arg16 : memref<!tpu.dma_semaphore, #tpu.memory_space<semaphore_mem>>) src(%arg11 : memref<128x128xf32, #tpu.memory_space<vmem>>) dst(%dma_wait3A_199 : memref<10240x128xf32, #tpu.memory_space<vmem_shared>>)
        } else {
        }
        %dma_start3A_154 = arith.constant 0 : i32
        %dma_start3A_155 = tpu.memref_slice %arg8[%add3A_137, %dma_start3A_154] : memref<80x128xi32, #tpu.memory_space<vmem>> -> memref<1x128xi32, #tpu.memory_space<vmem>>
        %dma_start3A_156 = tpu.memref_squeeze %dma_start3A_155 : memref<1x128xi32, #tpu.memory_space<vmem>> -> memref<128xi32, #tpu.memory_space<vmem>>
        %dma_start3A_157 = arith.constant 0 : i32
        %dma_start3A_158 = arith.constant 0 : i32
        %dma_start3A_159 = tpu.memref_slice %arg2[%dma_start3A_157, %dma_start3A_158] : memref<10240x128xf32, #tpu.memory_space<hbm>> -> memref<10240x128xf32, #tpu.memory_space<hbm>>
        tpu.enqueue_indirect_dma source(%dma_start3A_159 : memref<10240x128xf32, #tpu.memory_space<hbm>>) target(%arg11 : memref<128x128xf32, #tpu.memory_space<vmem>>) offsets(%dma_start3A_156 : memref<128xi32, #tpu.memory_space<vmem>>) semaphore(%arg14 : memref<!tpu.dma_semaphore, #tpu.memory_space<semaphore_mem>>)
        %dma_wait3A_160 = arith.constant 0 : i32
        %dma_wait3A_161 = tpu.memref_slice %arg8[%add3A_137, %dma_wait3A_160] : memref<80x128xi32, #tpu.memory_space<vmem>> -> memref<1x128xi32, #tpu.memory_space<vmem>>
        %dma_wait3A_162 = tpu.memref_squeeze %dma_wait3A_161 : memref<1x128xi32, #tpu.memory_space<vmem>> -> memref<128xi32, #tpu.memory_space<vmem>>
        %dma_wait3A_163 = arith.constant 0 : i32
        %dma_wait3A_164 = arith.constant 0 : i32
        %dma_wait3A_165 = tpu.memref_slice %arg2[%dma_wait3A_163, %dma_wait3A_164] : memref<10240x128xf32, #tpu.memory_space<hbm>> -> memref<10240x128xf32, #tpu.memory_space<hbm>>
        tpu.wait_indirect_dma semaphore(%arg14 : memref<!tpu.dma_semaphore, #tpu.memory_space<semaphore_mem>>) src(%dma_wait3A_165 : memref<10240x128xf32, #tpu.memory_space<hbm>>) dst(%arg11 : memref<128x128xf32, #tpu.memory_space<vmem>>)
        %mul3A_166 = arith.constant 2 : i32
        %mul3A_167 = arith.muli %mul3A_166, %scan3A_129 : i32
        %add3A_168 = arith.constant 1 : i32
        %add3A_169 = arith.addi %mul3A_167, %add3A_168 : i32
        %dma_start3A_170 = arith.constant 0 : i32
        %dma_start3A_171 = tpu.memref_slice %arg9[%select_n3A_118, %add3A_169, %dma_start3A_170] : memref<2x16x128xi32, #tpu.memory_space<vmem>> -> memref<1x1x128xi32, #tpu.memory_space<vmem>>
        %dma_start3A_172 = tpu.memref_squeeze %dma_start3A_171 : memref<1x1x128xi32, #tpu.memory_space<vmem>> -> memref<128xi32, #tpu.memory_space<vmem>>
        %dma_start3A_173 = arith.constant 0 : i32
        %dma_start3A_174 = arith.constant 0 : i32
        %dma_start3A_175 = tpu.memref_slice %arg12[%dma_start3A_173, %dma_start3A_174] : memref<10240x128xf32, #tpu.memory_space<vmem_shared>> -> memref<10240x128xf32, #tpu.memory_space<vmem_shared>>
        tpu.enqueue_indirect_dma source(%arg11 : memref<128x128xf32, #tpu.memory_space<vmem>>) target(%dma_start3A_175 : memref<10240x128xf32, #tpu.memory_space<vmem_shared>>) offsets(%dma_start3A_172 : memref<128xi32, #tpu.memory_space<vmem>>) semaphore(%arg16 : memref<!tpu.dma_semaphore, #tpu.memory_space<semaphore_mem>>) {add = true}
        %mul3A_176 = arith.constant 2 : i32
        %mul3A_177 = arith.muli %mul3A_176, %scan3A_129 : i32
        %dma_wait3A_178 = arith.constant 0 : i32
        %dma_wait3A_179 = tpu.memref_slice %arg9[%select_n3A_118, %mul3A_177, %dma_wait3A_178] : memref<2x16x128xi32, #tpu.memory_space<vmem>> -> memref<1x1x128xi32, #tpu.memory_space<vmem>>
        %dma_wait3A_180 = tpu.memref_squeeze %dma_wait3A_179 : memref<1x1x128xi32, #tpu.memory_space<vmem>> -> memref<128xi32, #tpu.memory_space<vmem>>
        %dma_wait3A_181 = arith.constant 0 : i32
        %dma_wait3A_182 = arith.constant 0 : i32
        %dma_wait3A_183 = tpu.memref_slice %arg12[%dma_wait3A_181, %dma_wait3A_182] : memref<10240x128xf32, #tpu.memory_space<vmem_shared>> -> memref<10240x128xf32, #tpu.memory_space<vmem_shared>>
        tpu.wait_indirect_dma semaphore(%arg15 : memref<!tpu.dma_semaphore, #tpu.memory_space<semaphore_mem>>) src(%arg10 : memref<128x128xf32, #tpu.memory_space<vmem>>) dst(%dma_wait3A_183 : memref<10240x128xf32, #tpu.memory_space<vmem_shared>>)
        %add3A_184 = arith.constant 1 : i32
        %add3A_185 = arith.addi %add3A_137, %add3A_184 : i32
        %lt3A_186 = arith.constant 80 : i32
        %lt3A_187 = arith.cmpi slt, %add3A_185, %lt3A_186 : i32
        %convert_element_type3A_188 = arith.extui %lt3A_187 : i1 to i32
        %cond3A_189 = arith.constant 0 : i32
        %cond3A_190 = arith.cmpi ne, %convert_element_type3A_188, %cond3A_189 : i32
        scf.if %cond3A_190 {
          %add3A_192 = arith.constant 1 : i32
          %add3A_193 = arith.addi %add3A_137, %add3A_192 : i32
          %dma_start3A_194 = arith.constant 0 : i32
          %dma_start3A_195 = tpu.memref_slice %arg8[%add3A_193, %dma_start3A_194] : memref<80x128xi32, #tpu.memory_space<vmem>> -> memref<1x128xi32, #tpu.memory_space<vmem>>
          %dma_start3A_196 = tpu.memref_squeeze %dma_start3A_195 : memref<1x128xi32, #tpu.memory_space<vmem>> -> memref<128xi32, #tpu.memory_space<vmem>>
          %dma_start3A_197 = arith.constant 0 : i32
          %dma_start3A_198 = arith.constant 0 : i32
          %dma_start3A_199 = tpu.memref_slice %arg2[%dma_start3A_197, %dma_start3A_198] : memref<10240x128xf32, #tpu.memory_space<hbm>> -> memref<10240x128xf32, #tpu.memory_space<hbm>>
          tpu.enqueue_indirect_dma source(%dma_start3A_199 : memref<10240x128xf32, #tpu.memory_space<hbm>>) target(%arg10 : memref<128x128xf32, #tpu.memory_space<vmem>>) offsets(%dma_start3A_196 : memref<128xi32, #tpu.memory_space<vmem>>) semaphore(%arg13 : memref<!tpu.dma_semaphore, #tpu.memory_space<semaphore_mem>>)
        } else {
        }
        %scan3A_191 = arith.constant 0 : i32
        scf.yield %scan3A_191 : i32
      }
      %scan3A_127 = arith.constant 8 : i32
      %scan3A_128 = arith.constant 0 : i32
      scf.yield %scan3A_128 : i32
    }
    %scan3A_40 = arith.constant 5 : i32
    %dma_wait3A = arith.constant 0 : i32
    %dma_wait3A_41 = arith.constant 0 : i32
    %dma_wait3A_42 = arith.constant 0 : i32
    %dma_wait3A_43 = tpu.memref_slice %arg9[%dma_wait3A, %dma_wait3A_41, %dma_wait3A_42] : memref<2x16x128xi32, #tpu.memory_space<vmem>> -> memref<1x1x128xi32, #tpu.memory_space<vmem>>
    %dma_wait3A_44 = tpu.memref_squeeze %dma_wait3A_43 : memref<1x1x128xi32, #tpu.memory_space<vmem>> -> memref<128xi32, #tpu.memory_space<vmem>>
    %dma_wait3A_45 = arith.constant 0 : i32
    %dma_wait3A_46 = arith.constant 0 : i32
    %dma_wait3A_47 = tpu.memref_slice %arg12[%dma_wait3A_45, %dma_wait3A_46] : memref<10240x128xf32, #tpu.memory_space<vmem_shared>> -> memref<10240x128xf32, #tpu.memory_space<vmem_shared>>
    tpu.wait_indirect_dma semaphore(%arg16 : memref<!tpu.dma_semaphore, #tpu.memory_space<semaphore_mem>>) src(%arg11 : memref<128x128xf32, #tpu.memory_space<vmem>>) dst(%dma_wait3A_47 : memref<10240x128xf32, #tpu.memory_space<vmem_shared>>)
    %barrier3A_48 = arith.constant 0 : index
    tpu.barrier barrier_id(%barrier3A_48)
    %mul3A_49 = arith.constant 640 : i32
    %mul3A_50 = arith.muli %arg1, %mul3A_49 : i32
    %mul3A_51 = arith.constant 640 : i32
    %mul3A_52 = arith.muli %arg1, %mul3A_51 : i32
    "tpu.region"() ({
      %run_scoped3A = tpu.sem_alloc : memref<!tpu.dma_semaphore, #tpu.memory_space<semaphore_mem>>
      %dma_start3A_108 = arith.constant 0 : i32
      %dma_start3A_109 = tpu.memref_slice %arg6[%arg0, %mul3A_52, %dma_start3A_108] : memref<2x10240x128xf32, #tpu.memory_space<hbm>> -> memref<1x640x128xf32, #tpu.memory_space<hbm>>
      %dma_start3A_110 = tpu.memref_squeeze %dma_start3A_109 : memref<1x640x128xf32, #tpu.memory_space<hbm>> -> memref<640x128xf32, #tpu.memory_space<hbm>>
      %dma_start3A_111 = arith.constant 0 : i32
      %dma_start3A_112 = tpu.memref_slice %arg12[%mul3A_50, %dma_start3A_111] : memref<10240x128xf32, #tpu.memory_space<vmem_shared>> -> memref<640x128xf32, #tpu.memory_space<vmem_shared>>
      tpu.enqueue_dma source(%dma_start3A_112 : memref<640x128xf32, #tpu.memory_space<vmem_shared>>) target(%dma_start3A_110 : memref<640x128xf32, #tpu.memory_space<hbm>>) target_semaphore(%run_scoped3A : memref<!tpu.dma_semaphore, #tpu.memory_space<semaphore_mem>>)
      %dma_wait3A_113 = arith.constant 0 : i32
      %dma_wait3A_114 = tpu.memref_slice %arg6[%arg0, %mul3A_52, %dma_wait3A_113] : memref<2x10240x128xf32, #tpu.memory_space<hbm>> -> memref<1x640x128xf32, #tpu.memory_space<hbm>>
      %dma_wait3A_115 = tpu.memref_squeeze %dma_wait3A_114 : memref<1x640x128xf32, #tpu.memory_space<hbm>> -> memref<640x128xf32, #tpu.memory_space<hbm>>
      %dma_wait3A_116 = arith.constant 0 : i32
      %dma_wait3A_117 = tpu.memref_slice %arg12[%mul3A_50, %dma_wait3A_116] : memref<10240x128xf32, #tpu.memory_space<vmem_shared>> -> memref<640x128xf32, #tpu.memory_space<vmem_shared>>
      tpu.wait_dma2 semaphore(%run_scoped3A : memref<!tpu.dma_semaphore, #tpu.memory_space<semaphore_mem>>) src(%dma_wait3A_117 : memref<640x128xf32, #tpu.memory_space<vmem_shared>>) dst(%dma_wait3A_115 : memref<640x128xf32, #tpu.memory_space<hbm>>)
      tpu.yield
    }) : () -> ()
    %scan3A_53 = arith.constant 0 : i32
    %scan3A_54 = arith.constant 0 : i32
    %scan3A_55 = arith.constant 1024 : i32
    %scan3A_56 = arith.addi %scan3A_54, %scan3A_55 : i32
    %scan3A_57 = arith.constant 1 : i32
    %scan3A_58 = scf.for %scan3A_108 = %scan3A_54 to %scan3A_56 step %scan3A_57 iter_args(%scan3A_109 = %scan3A_53) -> (i32)  : i32 {
      %jit3A = arith.constant 8 : i32
      %div3A = arith.divsi %scan3A_108, %jit3A : i32
      %sign3A = arith.constant 0 : i32
      %sign3A_110 = arith.cmpi sgt, %scan3A_108, %sign3A : i32
      %sign3A_111 = arith.extui %sign3A_110 : i1 to i32
      %sign3A_112 = arith.constant 0 : i32
      %sign3A_113 = arith.cmpi slt, %scan3A_108, %sign3A_112 : i32
      %sign3A_114 = arith.extui %sign3A_113 : i1 to i32
      %sign3A_115 = arith.subi %sign3A_111, %sign3A_114 : i32
      %sign3A_116 = arith.constant 0 : i32
      %sign3A_117 = arith.cmpi sgt, %jit3A, %sign3A_116 : i32
      %sign3A_118 = arith.extui %sign3A_117 : i1 to i32
      %sign3A_119 = arith.constant 0 : i32
      %sign3A_120 = arith.cmpi slt, %jit3A, %sign3A_119 : i32
      %sign3A_121 = arith.extui %sign3A_120 : i1 to i32
      %sign3A_122 = arith.subi %sign3A_118, %sign3A_121 : i32
      %ne3A = arith.cmpi ne, %sign3A_115, %sign3A_122 : i32
      %rem3A = arith.remsi %scan3A_108, %jit3A : i32
      %ne3A_123 = arith.constant 0 : i32
      %ne3A_124 = arith.cmpi ne, %rem3A, %ne3A_123 : i32
      %and3A = arith.andi %ne3A, %ne3A_124 : i1
      %sub3A = arith.constant 1 : i32
      %sub3A_125 = arith.subi %div3A, %sub3A : i32
      %select_n3A = arith.select %and3A, %sub3A_125, %div3A : i32
      %jit3A_126 = arith.constant 8 : i32
      %eq3A = arith.constant 0 : i32
      %eq3A_127 = arith.cmpi eq, %jit3A_126, %eq3A : i32
      %jit3A_128 = arith.constant 1 : i32
      %select_n3A_129 = arith.select %eq3A_127, %jit3A_128, %jit3A_126 : i32
      %rem3A_130 = arith.remsi %scan3A_108, %select_n3A_129 : i32
      %ne3A_131 = arith.constant 0 : i32
      %ne3A_132 = arith.cmpi ne, %rem3A_130, %ne3A_131 : i32
      %lt3A = arith.constant 0 : i32
      %lt3A_133 = arith.cmpi slt, %rem3A_130, %lt3A : i32
      %lt3A_134 = arith.constant 0 : i32
      %lt3A_135 = arith.cmpi slt, %select_n3A_129, %lt3A_134 : i32
      %ne3A_136 = arith.xori %lt3A_133, %lt3A_135 : i1
      %and3A_137 = arith.andi %ne3A_136, %ne3A_132 : i1
      %add3A_138 = arith.addi %rem3A_130, %select_n3A_129 : i32
      %select_n3A_139 = arith.select %and3A_137, %add3A_138, %rem3A_130 : i32
      %mul3A_140 = arith.constant 16 : i32
      %mul3A_141 = arith.muli %select_n3A_139, %mul3A_140 : i32
      %swap3A = arith.index_cast %select_n3A : i32 to index
      %swap3A_142 = arith.index_cast %mul3A_141 : i32 to index
      %swap3A_143 = tpu.vector_load %arg10[%swap3A, %swap3A_142] {strides = array<i32>} : memref<128x128xf32, #tpu.memory_space<vmem>>, vector<1x16xf32>,
      %swap3A_144 = vector.shape_cast %swap3A_143 : vector<1x16xf32> to vector<16xf32>
      %swap3A_145 = vector.shape_cast %broadcast_in_dim3A_1 : vector<16xf32> to vector<1x16xf32>
      tpu.vector_store %arg10[%swap3A, %swap3A_142], %swap3A_145 {strides = array<i32>} : memref<128x128xf32, #tpu.memory_space<vmem>>, vector<1x16xf32>,
      %scan3A_146 = arith.constant 0 : i32
      scf.yield %scan3A_146 : i32
    }
    %scan3A_59 = arith.constant 1024 : i32
    %mul3A_60 = arith.constant 640 : i32
    %mul3A_61 = arith.muli %arg1, %mul3A_60 : i32
    %add3A_62 = arith.constant 0 : i32
    %add3A_63 = arith.addi %mul3A_61, %add3A_62 : i32
    "tpu.region"() ({
      %run_scoped3A = tpu.sem_alloc : memref<!tpu.dma_semaphore, #tpu.memory_space<semaphore_mem>>
      %dma_start3A_108 = arith.constant 0 : i32
      %dma_start3A_109 = tpu.memref_slice %arg12[%add3A_63, %dma_start3A_108] : memref<10240x128xf32, #tpu.memory_space<vmem_shared>> -> memref<128x128xf32, #tpu.memory_space<vmem_shared>>
      %dma_start3A_110 = arith.constant 0 : i32
      %dma_start3A_111 = tpu.memref_slice %arg12[%add3A_63, %dma_start3A_110] : memref<10240x128xf32, #tpu.memory_space<vmem_shared>> -> memref<128x128xf32, #tpu.memory_space<vmem_shared>>
      tpu.enqueue_dma source(%arg10 : memref<128x128xf32, #tpu.memory_space<vmem>>) target(%dma_start3A_111 : memref<128x128xf32, #tpu.memory_space<vmem_shared>>) target_semaphore(%run_scoped3A : memref<!tpu.dma_semaphore, #tpu.memory_space<semaphore_mem>>)
      %dma_wait3A_112 = arith.constant 0 : i32
      %dma_wait3A_113 = tpu.memref_slice %arg12[%add3A_63, %dma_wait3A_112] : memref<10240x128xf32, #tpu.memory_space<vmem_shared>> -> memref<128x128xf32, #tpu.memory_space<vmem_shared>>
      %dma_wait3A_114 = arith.constant 0 : i32
      %dma_wait3A_115 = tpu.memref_slice %arg12[%add3A_63, %dma_wait3A_114] : memref<10240x128xf32, #tpu.memory_space<vmem_shared>> -> memref<128x128xf32, #tpu.memory_space<vmem_shared>>
      tpu.wait_dma2 semaphore(%run_scoped3A : memref<!tpu.dma_semaphore, #tpu.memory_space<semaphore_mem>>) src(%arg10 : memref<128x128xf32, #tpu.memory_space<vmem>>) dst(%dma_wait3A_115 : memref<128x128xf32, #tpu.memory_space<vmem_shared>>)
      tpu.yield
    }) : () -> ()
    %mul3A_64 = arith.constant 640 : i32
    %mul3A_65 = arith.muli %arg1, %mul3A_64 : i32
    %add3A_66 = arith.constant 128 : i32
    %add3A_67 = arith.addi %mul3A_65, %add3A_66 : i32
    "tpu.region"() ({
      %run_scoped3A = tpu.sem_alloc : memref<!tpu.dma_semaphore, #tpu.memory_space<semaphore_mem>>
      %dma_start3A_108 = arith.constant 0 : i32
      %dma_start3A_109 = tpu.memref_slice %arg12[%add3A_67, %dma_start3A_108] : memref<10240x128xf32, #tpu.memory_space<vmem_shared>> -> memref<128x128xf32, #tpu.memory_space<vmem_shared>>
      %dma_start3A_110 = arith.constant 0 : i32
      %dma_start3A_111 = tpu.memref_slice %arg12[%add3A_67, %dma_start3A_110] : memref<10240x128xf32, #tpu.memory_space<vmem_shared>> -> memref<128x128xf32, #tpu.memory_space<vmem_shared>>
      tpu.enqueue_dma source(%arg10 : memref<128x128xf32, #tpu.memory_space<vmem>>) target(%dma_start3A_111 : memref<128x128xf32, #tpu.memory_space<vmem_shared>>) target_semaphore(%run_scoped3A : memref<!tpu.dma_semaphore, #tpu.memory_space<semaphore_mem>>)
      %dma_wait3A_112 = arith.constant 0 : i32
      %dma_wait3A_113 = tpu.memref_slice %arg12[%add3A_67, %dma_wait3A_112] : memref<10240x128xf32, #tpu.memory_space<vmem_shared>> -> memref<128x128xf32, #tpu.memory_space<vmem_shared>>
      %dma_wait3A_114 = arith.constant 0 : i32
      %dma_wait3A_115 = tpu.memref_slice %arg12[%add3A_67, %dma_wait3A_114] : memref<10240x128xf32, #tpu.memory_space<vmem_shared>> -> memref<128x128xf32, #tpu.memory_space<vmem_shared>>
      tpu.wait_dma2 semaphore(%run_scoped3A : memref<!tpu.dma_semaphore, #tpu.memory_space<semaphore_mem>>) src(%arg10 : memref<128x128xf32, #tpu.memory_space<vmem>>) dst(%dma_wait3A_115 : memref<128x128xf32, #tpu.memory_space<vmem_shared>>)
      tpu.yield
    }) : () -> ()
    %mul3A_68 = arith.constant 640 : i32
    %mul3A_69 = arith.muli %arg1, %mul3A_68 : i32
    %add3A_70 = arith.constant 256 : i32
    %add3A_71 = arith.addi %mul3A_69, %add3A_70 : i32
    "tpu.region"() ({
      %run_scoped3A = tpu.sem_alloc : memref<!tpu.dma_semaphore, #tpu.memory_space<semaphore_mem>>
      %dma_start3A_108 = arith.constant 0 : i32
      %dma_start3A_109 = tpu.memref_slice %arg12[%add3A_71, %dma_start3A_108] : memref<10240x128xf32, #tpu.memory_space<vmem_shared>> -> memref<128x128xf32, #tpu.memory_space<vmem_shared>>
      %dma_start3A_110 = arith.constant 0 : i32
      %dma_start3A_111 = tpu.memref_slice %arg12[%add3A_71, %dma_start3A_110] : memref<10240x128xf32, #tpu.memory_space<vmem_shared>> -> memref<128x128xf32, #tpu.memory_space<vmem_shared>>
      tpu.enqueue_dma source(%arg10 : memref<128x128xf32, #tpu.memory_space<vmem>>) target(%dma_start3A_111 : memref<128x128xf32, #tpu.memory_space<vmem_shared>>) target_semaphore(%run_scoped3A : memref<!tpu.dma_semaphore, #tpu.memory_space<semaphore_mem>>)
      %dma_wait3A_112 = arith.constant 0 : i32
      %dma_wait3A_113 = tpu.memref_slice %arg12[%add3A_71, %dma_wait3A_112] : memref<10240x128xf32, #tpu.memory_space<vmem_shared>> -> memref<128x128xf32, #tpu.memory_space<vmem_shared>>
      %dma_wait3A_114 = arith.constant 0 : i32
      %dma_wait3A_115 = tpu.memref_slice %arg12[%add3A_71, %dma_wait3A_114] : memref<10240x128xf32, #tpu.memory_space<vmem_shared>> -> memref<128x128xf32, #tpu.memory_space<vmem_shared>>
      tpu.wait_dma2 semaphore(%run_scoped3A : memref<!tpu.dma_semaphore, #tpu.memory_space<semaphore_mem>>) src(%arg10 : memref<128x128xf32, #tpu.memory_space<vmem>>) dst(%dma_wait3A_115 : memref<128x128xf32, #tpu.memory_space<vmem_shared>>)
      tpu.yield
    }) : () -> ()
    %mul3A_72 = arith.constant 640 : i32
    %mul3A_73 = arith.muli %arg1, %mul3A_72 : i32
    %add3A_74 = arith.constant 384 : i32
    %add3A_75 = arith.addi %mul3A_73, %add3A_74 : i32
    "tpu.region"() ({
      %run_scoped3A = tpu.sem_alloc : memref<!tpu.dma_semaphore, #tpu.memory_space<semaphore_mem>>
      %dma_start3A_108 = arith.constant 0 : i32
      %dma_start3A_109 = tpu.memref_slice %arg12[%add3A_75, %dma_start3A_108] : memref<10240x128xf32, #tpu.memory_space<vmem_shared>> -> memref<128x128xf32, #tpu.memory_space<vmem_shared>>
      %dma_start3A_110 = arith.constant 0 : i32
      %dma_start3A_111 = tpu.memref_slice %arg12[%add3A_75, %dma_start3A_110] : memref<10240x128xf32, #tpu.memory_space<vmem_shared>> -> memref<128x128xf32, #tpu.memory_space<vmem_shared>>
      tpu.enqueue_dma source(%arg10 : memref<128x128xf32, #tpu.memory_space<vmem>>) target(%dma_start3A_111 : memref<128x128xf32, #tpu.memory_space<vmem_shared>>) target_semaphore(%run_scoped3A : memref<!tpu.dma_semaphore, #tpu.memory_space<semaphore_mem>>)
      %dma_wait3A_112 = arith.constant 0 : i32
      %dma_wait3A_113 = tpu.memref_slice %arg12[%add3A_75, %dma_wait3A_112] : memref<10240x128xf32, #tpu.memory_space<vmem_shared>> -> memref<128x128xf32, #tpu.memory_space<vmem_shared>>
      %dma_wait3A_114 = arith.constant 0 : i32
      %dma_wait3A_115 = tpu.memref_slice %arg12[%add3A_75, %dma_wait3A_114] : memref<10240x128xf32, #tpu.memory_space<vmem_shared>> -> memref<128x128xf32, #tpu.memory_space<vmem_shared>>
      tpu.wait_dma2 semaphore(%run_scoped3A : memref<!tpu.dma_semaphore, #tpu.memory_space<semaphore_mem>>) src(%arg10 : memref<128x128xf32, #tpu.memory_space<vmem>>) dst(%dma_wait3A_115 : memref<128x128xf32, #tpu.memory_space<vmem_shared>>)
      tpu.yield
    }) : () -> ()
    %mul3A_76 = arith.constant 640 : i32
    %mul3A_77 = arith.muli %arg1, %mul3A_76 : i32
    %add3A_78 = arith.constant 512 : i32
    %add3A_79 = arith.addi %mul3A_77, %add3A_78 : i32
    "tpu.region"() ({
      %run_scoped3A = tpu.sem_alloc : memref<!tpu.dma_semaphore, #tpu.memory_space<semaphore_mem>>
      %dma_start3A_108 = arith.constant 0 : i32
      %dma_start3A_109 = tpu.memref_slice %arg12[%add3A_79, %dma_start3A_108] : memref<10240x128xf32, #tpu.memory_space<vmem_shared>> -> memref<128x128xf32, #tpu.memory_space<vmem_shared>>
      %dma_start3A_110 = arith.constant 0 : i32
      %dma_start3A_111 = tpu.memref_slice %arg12[%add3A_79, %dma_start3A_110] : memref<10240x128xf32, #tpu.memory_space<vmem_shared>> -> memref<128x128xf32, #tpu.memory_space<vmem_shared>>
      tpu.enqueue_dma source(%arg10 : memref<128x128xf32, #tpu.memory_space<vmem>>) target(%dma_start3A_111 : memref<128x128xf32, #tpu.memory_space<vmem_shared>>) target_semaphore(%run_scoped3A : memref<!tpu.dma_semaphore, #tpu.memory_space<semaphore_mem>>)
      %dma_wait3A_112 = arith.constant 0 : i32
      %dma_wait3A_113 = tpu.memref_slice %arg12[%add3A_79, %dma_wait3A_112] : memref<10240x128xf32, #tpu.memory_space<vmem_shared>> -> memref<128x128xf32, #tpu.memory_space<vmem_shared>>
      %dma_wait3A_114 = arith.constant 0 : i32
      %dma_wait3A_115 = tpu.memref_slice %arg12[%add3A_79, %dma_wait3A_114] : memref<10240x128xf32, #tpu.memory_space<vmem_shared>> -> memref<128x128xf32, #tpu.memory_space<vmem_shared>>
      tpu.wait_dma2 semaphore(%run_scoped3A : memref<!tpu.dma_semaphore, #tpu.memory_space<semaphore_mem>>) src(%arg10 : memref<128x128xf32, #tpu.memory_space<vmem>>) dst(%dma_wait3A_115 : memref<128x128xf32, #tpu.memory_space<vmem_shared>>)
      tpu.yield
    }) : () -> ()
    %dma_start3A_80 = arith.constant 0 : i32
    %dma_start3A_81 = arith.constant 0 : i32
    %dma_start3A_82 = tpu.memref_slice %arg8[%dma_start3A_80, %dma_start3A_81] : memref<80x128xi32, #tpu.memory_space<vmem>> -> memref<1x128xi32, #tpu.memory_space<vmem>>
    %dma_start3A_83 = tpu.memref_squeeze %dma_start3A_82 : memref<1x128xi32, #tpu.memory_space<vmem>> -> memref<128xi32, #tpu.memory_space<vmem>>
    %dma_start3A_84 = arith.constant 0 : i32
    %dma_start3A_85 = arith.constant 0 : i32
    %dma_start3A_86 = tpu.memref_slice %arg3[%dma_start3A_84, %dma_start3A_85] : memref<10240x128xf32, #tpu.memory_space<hbm>> -> memref<10240x128xf32, #tpu.memory_space<hbm>>
    tpu.enqueue_indirect_dma source(%dma_start3A_86 : memref<10240x128xf32, #tpu.memory_space<hbm>>) target(%arg10 : memref<128x128xf32, #tpu.memory_space<vmem>>) offsets(%dma_start3A_83 : memref<128xi32, #tpu.memory_space<vmem>>) semaphore(%arg13 : memref<!tpu.dma_semaphore, #tpu.memory_space<semaphore_mem>>)
    %barrier3A_87 = arith.constant 0 : index
    tpu.barrier barrier_id(%barrier3A_87)
    %scan3A_88 = arith.constant 0 : i32
    %scan3A_89 = arith.constant 0 : i32
    %scan3A_90 = arith.constant 5 : i32
    %scan3A_91 = arith.addi %scan3A_89, %scan3A_90 : i32
    %scan3A_92 = arith.constant 1 : i32
    %scan3A_93 = scf.for %scan3A_108 = %scan3A_89 to %scan3A_91 step %scan3A_92 iter_args(%scan3A_109 = %scan3A_88) -> (i32)  : i32 {
      %jit3A = arith.constant 2 : i32
      %eq3A = arith.constant 0 : i32
      %eq3A_110 = arith.cmpi eq, %jit3A, %eq3A : i32
      %jit3A_111 = arith.constant 1 : i32
      %select_n3A = arith.select %eq3A_110, %jit3A_111, %jit3A : i32
      %rem3A = arith.remsi %scan3A_108, %select_n3A : i32
      %ne3A = arith.constant 0 : i32
      %ne3A_112 = arith.cmpi ne, %rem3A, %ne3A : i32
      %lt3A = arith.constant 0 : i32
      %lt3A_113 = arith.cmpi slt, %rem3A, %lt3A : i32
      %lt3A_114 = arith.constant 0 : i32
      %lt3A_115 = arith.cmpi slt, %select_n3A, %lt3A_114 : i32
      %ne3A_116 = arith.xori %lt3A_113, %lt3A_115 : i1
      %and3A = arith.andi %ne3A_116, %ne3A_112 : i1
      %add3A_117 = arith.addi %rem3A, %select_n3A : i32
      %select_n3A_118 = arith.select %and3A, %add3A_117, %rem3A : i32
      %mul3A_119 = arith.constant 16 : i32
      %mul3A_120 = arith.muli %scan3A_108, %mul3A_119 : i32
      "tpu.region"() ({
        %run_scoped3A = tpu.sem_alloc : memref<!tpu.dma_semaphore, #tpu.memory_space<semaphore_mem>>
        %dma_start3A_129 = arith.constant 0 : i32
        %dma_start3A_130 = arith.constant 0 : i32
        %dma_start3A_131 = tpu.memref_slice %arg9[%select_n3A_118, %dma_start3A_129, %dma_start3A_130] : memref<2x16x128xi32, #tpu.memory_space<vmem>> -> memref<1x16x128xi32, #tpu.memory_space<vmem>>
        %dma_start3A_132 = tpu.memref_squeeze %dma_start3A_131 : memref<1x16x128xi32, #tpu.memory_space<vmem>> -> memref<16x128xi32, #tpu.memory_space<vmem>>
        %dma_start3A_133 = arith.constant 0 : i32
        %dma_start3A_134 = tpu.memref_slice %arg5[%add3A, %mul3A_120, %dma_start3A_133] : memref<32x80x128xi32, #tpu.memory_space<hbm>> -> memref<1x16x128xi32, #tpu.memory_space<hbm>>
        %dma_start3A_135 = tpu.memref_squeeze %dma_start3A_134 : memref<1x16x128xi32, #tpu.memory_space<hbm>> -> memref<16x128xi32, #tpu.memory_space<hbm>>
        %dma_start3A_136 = arith.constant 0 : i32
        %dma_start3A_137 = arith.constant 0 : i32
        %dma_start3A_138 = tpu.memref_slice %arg9[%select_n3A_118, %dma_start3A_136, %dma_start3A_137] : memref<2x16x128xi32, #tpu.memory_space<vmem>> -> memref<1x16x128xi32, #tpu.memory_space<vmem>>
        %dma_start3A_139 = tpu.memref_squeeze %dma_start3A_138 : memref<1x16x128xi32, #tpu.memory_space<vmem>> -> memref<16x128xi32, #tpu.memory_space<vmem>>
        %dma_start3A_140 = arith.constant 0 : i32
        %dma_start3A_141 = tpu.memref_slice %arg5[%add3A, %mul3A_120, %dma_start3A_140] : memref<32x80x128xi32, #tpu.memory_space<hbm>> -> memref<1x16x128xi32, #tpu.memory_space<hbm>>
        %dma_start3A_142 = tpu.memref_squeeze %dma_start3A_141 : memref<1x16x128xi32, #tpu.memory_space<hbm>> -> memref<16x128xi32, #tpu.memory_space<hbm>>
        tpu.enqueue_dma source(%dma_start3A_142 : memref<16x128xi32, #tpu.memory_space<hbm>>) target(%dma_start3A_139 : memref<16x128xi32, #tpu.memory_space<vmem>>) target_semaphore(%run_scoped3A : memref<!tpu.dma_semaphore, #tpu.memory_space<semaphore_mem>>)
        %dma_wait3A_143 = arith.constant 0 : i32
        %dma_wait3A_144 = arith.constant 0 : i32
        %dma_wait3A_145 = tpu.memref_slice %arg9[%select_n3A_118, %dma_wait3A_143, %dma_wait3A_144] : memref<2x16x128xi32, #tpu.memory_space<vmem>> -> memref<1x16x128xi32, #tpu.memory_space<vmem>>
        %dma_wait3A_146 = tpu.memref_squeeze %dma_wait3A_145 : memref<1x16x128xi32, #tpu.memory_space<vmem>> -> memref<16x128xi32, #tpu.memory_space<vmem>>
        %dma_wait3A_147 = arith.constant 0 : i32
        %dma_wait3A_148 = tpu.memref_slice %arg5[%add3A, %mul3A_120, %dma_wait3A_147] : memref<32x80x128xi32, #tpu.memory_space<hbm>> -> memref<1x16x128xi32, #tpu.memory_space<hbm>>
        %dma_wait3A_149 = tpu.memref_squeeze %dma_wait3A_148 : memref<1x16x128xi32, #tpu.memory_space<hbm>> -> memref<16x128xi32, #tpu.memory_space<hbm>>
        %dma_wait3A_150 = arith.constant 0 : i32
        %dma_wait3A_151 = arith.constant 0 : i32
        %dma_wait3A_152 = tpu.memref_slice %arg9[%select_n3A_118, %dma_wait3A_150, %dma_wait3A_151] : memref<2x16x128xi32, #tpu.memory_space<vmem>> -> memref<1x16x128xi32, #tpu.memory_space<vmem>>
        %dma_wait3A_153 = tpu.memref_squeeze %dma_wait3A_152 : memref<1x16x128xi32, #tpu.memory_space<vmem>> -> memref<16x128xi32, #tpu.memory_space<vmem>>
        %dma_wait3A_154 = arith.constant 0 : i32
        %dma_wait3A_155 = tpu.memref_slice %arg5[%add3A, %mul3A_120, %dma_wait3A_154] : memref<32x80x128xi32, #tpu.memory_space<hbm>> -> memref<1x16x128xi32, #tpu.memory_space<hbm>>
        %dma_wait3A_156 = tpu.memref_squeeze %dma_wait3A_155 : memref<1x16x128xi32, #tpu.memory_space<hbm>> -> memref<16x128xi32, #tpu.memory_space<hbm>>
        tpu.wait_dma2 semaphore(%run_scoped3A : memref<!tpu.dma_semaphore, #tpu.memory_space<semaphore_mem>>) src(%dma_wait3A_156 : memref<16x128xi32, #tpu.memory_space<hbm>>) dst(%dma_wait3A_153 : memref<16x128xi32, #tpu.memory_space<vmem>>)
        tpu.yield
      }) : () -> ()
      %scan3A_121 = arith.constant 0 : i32
      %scan3A_122 = arith.constant 0 : i32
      %scan3A_123 = arith.constant 8 : i32
      %scan3A_124 = arith.addi %scan3A_122, %scan3A_123 : i32
      %scan3A_125 = arith.constant 1 : i32
      %scan3A_126 = scf.for %scan3A_129 = %scan3A_122 to %scan3A_124 step %scan3A_125 iter_args(%scan3A_130 = %scan3A_121) -> (i32)  : i32 {
        %mul3A_131 = arith.constant 16 : i32
        %mul3A_132 = arith.muli %scan3A_108, %mul3A_131 : i32
        %mul3A_133 = arith.constant 2 : i32
        %mul3A_134 = arith.muli %mul3A_133, %scan3A_129 : i32
        %add3A_135 = arith.addi %mul3A_132, %mul3A_134 : i32
        %add3A_136 = arith.constant 1 : i32
        %add3A_137 = arith.addi %add3A_135, %add3A_136 : i32
        %dma_wait3A_138 = arith.constant 0 : i32
        %dma_wait3A_139 = tpu.memref_slice %arg8[%add3A_135, %dma_wait3A_138] : memref<80x128xi32, #tpu.memory_space<vmem>> -> memref<1x128xi32, #tpu.memory_space<vmem>>
        %dma_wait3A_140 = tpu.memref_squeeze %dma_wait3A_139 : memref<1x128xi32, #tpu.memory_space<vmem>> -> memref<128xi32, #tpu.memory_space<vmem>>
        %dma_wait3A_141 = arith.constant 0 : i32
        %dma_wait3A_142 = arith.constant 0 : i32
        %dma_wait3A_143 = tpu.memref_slice %arg3[%dma_wait3A_141, %dma_wait3A_142] : memref<10240x128xf32, #tpu.memory_space<hbm>> -> memref<10240x128xf32, #tpu.memory_space<hbm>>
        tpu.wait_indirect_dma semaphore(%arg13 : memref<!tpu.dma_semaphore, #tpu.memory_space<semaphore_mem>>) src(%dma_wait3A_143 : memref<10240x128xf32, #tpu.memory_space<hbm>>) dst(%arg10 : memref<128x128xf32, #tpu.memory_space<vmem>>)
        %mul3A_144 = arith.constant 2 : i32
        %mul3A_145 = arith.muli %mul3A_144, %scan3A_129 : i32
        %dma_start3A_146 = arith.constant 0 : i32
        %dma_start3A_147 = tpu.memref_slice %arg9[%select_n3A_118, %mul3A_145, %dma_start3A_146] : memref<2x16x128xi32, #tpu.memory_space<vmem>> -> memref<1x1x128xi32, #tpu.memory_space<vmem>>
        %dma_start3A_148 = tpu.memref_squeeze %dma_start3A_147 : memref<1x1x128xi32, #tpu.memory_space<vmem>> -> memref<128xi32, #tpu.memory_space<vmem>>
        %dma_start3A_149 = arith.constant 0 : i32
        %dma_start3A_150 = arith.constant 0 : i32
        %dma_start3A_151 = tpu.memref_slice %arg12[%dma_start3A_149, %dma_start3A_150] : memref<10240x128xf32, #tpu.memory_space<vmem_shared>> -> memref<10240x128xf32, #tpu.memory_space<vmem_shared>>
        tpu.enqueue_indirect_dma source(%arg10 : memref<128x128xf32, #tpu.memory_space<vmem>>) target(%dma_start3A_151 : memref<10240x128xf32, #tpu.memory_space<vmem_shared>>) offsets(%dma_start3A_148 : memref<128xi32, #tpu.memory_space<vmem>>) semaphore(%arg15 : memref<!tpu.dma_semaphore, #tpu.memory_space<semaphore_mem>>) {add = true}
        %gt3A = arith.constant 0 : i32
        %gt3A_152 = arith.cmpi sgt, %add3A_135, %gt3A : i32
        %convert_element_type3A = arith.extui %gt3A_152 : i1 to i32
        %cond3A = arith.constant 0 : i32
        %cond3A_153 = arith.cmpi ne, %convert_element_type3A, %cond3A : i32
        scf.if %cond3A_153 {
          %mul3A_192 = arith.constant 2 : i32
          %mul3A_193 = arith.muli %mul3A_192, %scan3A_129 : i32
          %dma_wait3A_194 = arith.constant 0 : i32
          %dma_wait3A_195 = tpu.memref_slice %arg9[%select_n3A_118, %mul3A_193, %dma_wait3A_194] : memref<2x16x128xi32, #tpu.memory_space<vmem>> -> memref<1x1x128xi32, #tpu.memory_space<vmem>>
          %dma_wait3A_196 = tpu.memref_squeeze %dma_wait3A_195 : memref<1x1x128xi32, #tpu.memory_space<vmem>> -> memref<128xi32, #tpu.memory_space<vmem>>
          %dma_wait3A_197 = arith.constant 0 : i32
          %dma_wait3A_198 = arith.constant 0 : i32
          %dma_wait3A_199 = tpu.memref_slice %arg12[%dma_wait3A_197, %dma_wait3A_198] : memref<10240x128xf32, #tpu.memory_space<vmem_shared>> -> memref<10240x128xf32, #tpu.memory_space<vmem_shared>>
          tpu.wait_indirect_dma semaphore(%arg16 : memref<!tpu.dma_semaphore, #tpu.memory_space<semaphore_mem>>) src(%arg11 : memref<128x128xf32, #tpu.memory_space<vmem>>) dst(%dma_wait3A_199 : memref<10240x128xf32, #tpu.memory_space<vmem_shared>>)
        } else {
        }
        %dma_start3A_154 = arith.constant 0 : i32
        %dma_start3A_155 = tpu.memref_slice %arg8[%add3A_137, %dma_start3A_154] : memref<80x128xi32, #tpu.memory_space<vmem>> -> memref<1x128xi32, #tpu.memory_space<vmem>>
        %dma_start3A_156 = tpu.memref_squeeze %dma_start3A_155 : memref<1x128xi32, #tpu.memory_space<vmem>> -> memref<128xi32, #tpu.memory_space<vmem>>
        %dma_start3A_157 = arith.constant 0 : i32
        %dma_start3A_158 = arith.constant 0 : i32
        %dma_start3A_159 = tpu.memref_slice %arg3[%dma_start3A_157, %dma_start3A_158] : memref<10240x128xf32, #tpu.memory_space<hbm>> -> memref<10240x128xf32, #tpu.memory_space<hbm>>
        tpu.enqueue_indirect_dma source(%dma_start3A_159 : memref<10240x128xf32, #tpu.memory_space<hbm>>) target(%arg11 : memref<128x128xf32, #tpu.memory_space<vmem>>) offsets(%dma_start3A_156 : memref<128xi32, #tpu.memory_space<vmem>>) semaphore(%arg14 : memref<!tpu.dma_semaphore, #tpu.memory_space<semaphore_mem>>)
        %dma_wait3A_160 = arith.constant 0 : i32
        %dma_wait3A_161 = tpu.memref_slice %arg8[%add3A_137, %dma_wait3A_160] : memref<80x128xi32, #tpu.memory_space<vmem>> -> memref<1x128xi32, #tpu.memory_space<vmem>>
        %dma_wait3A_162 = tpu.memref_squeeze %dma_wait3A_161 : memref<1x128xi32, #tpu.memory_space<vmem>> -> memref<128xi32, #tpu.memory_space<vmem>>
        %dma_wait3A_163 = arith.constant 0 : i32
        %dma_wait3A_164 = arith.constant 0 : i32
        %dma_wait3A_165 = tpu.memref_slice %arg3[%dma_wait3A_163, %dma_wait3A_164] : memref<10240x128xf32, #tpu.memory_space<hbm>> -> memref<10240x128xf32, #tpu.memory_space<hbm>>
        tpu.wait_indirect_dma semaphore(%arg14 : memref<!tpu.dma_semaphore, #tpu.memory_space<semaphore_mem>>) src(%dma_wait3A_165 : memref<10240x128xf32, #tpu.memory_space<hbm>>) dst(%arg11 : memref<128x128xf32, #tpu.memory_space<vmem>>)
        %mul3A_166 = arith.constant 2 : i32
        %mul3A_167 = arith.muli %mul3A_166, %scan3A_129 : i32
        %add3A_168 = arith.constant 1 : i32
        %add3A_169 = arith.addi %mul3A_167, %add3A_168 : i32
        %dma_start3A_170 = arith.constant 0 : i32
        %dma_start3A_171 = tpu.memref_slice %arg9[%select_n3A_118, %add3A_169, %dma_start3A_170] : memref<2x16x128xi32, #tpu.memory_space<vmem>> -> memref<1x1x128xi32, #tpu.memory_space<vmem>>
        %dma_start3A_172 = tpu.memref_squeeze %dma_start3A_171 : memref<1x1x128xi32, #tpu.memory_space<vmem>> -> memref<128xi32, #tpu.memory_space<vmem>>
        %dma_start3A_173 = arith.constant 0 : i32
        %dma_start3A_174 = arith.constant 0 : i32
        %dma_start3A_175 = tpu.memref_slice %arg12[%dma_start3A_173, %dma_start3A_174] : memref<10240x128xf32, #tpu.memory_space<vmem_shared>> -> memref<10240x128xf32, #tpu.memory_space<vmem_shared>>
        tpu.enqueue_indirect_dma source(%arg11 : memref<128x128xf32, #tpu.memory_space<vmem>>) target(%dma_start3A_175 : memref<10240x128xf32, #tpu.memory_space<vmem_shared>>) offsets(%dma_start3A_172 : memref<128xi32, #tpu.memory_space<vmem>>) semaphore(%arg16 : memref<!tpu.dma_semaphore, #tpu.memory_space<semaphore_mem>>) {add = true}
        %mul3A_176 = arith.constant 2 : i32
        %mul3A_177 = arith.muli %mul3A_176, %scan3A_129 : i32
        %dma_wait3A_178 = arith.constant 0 : i32
        %dma_wait3A_179 = tpu.memref_slice %arg9[%select_n3A_118, %mul3A_177, %dma_wait3A_178] : memref<2x16x128xi32, #tpu.memory_space<vmem>> -> memref<1x1x128xi32, #tpu.memory_space<vmem>>
        %dma_wait3A_180 = tpu.memref_squeeze %dma_wait3A_179 : memref<1x1x128xi32, #tpu.memory_space<vmem>> -> memref<128xi32, #tpu.memory_space<vmem>>
        %dma_wait3A_181 = arith.constant 0 : i32
        %dma_wait3A_182 = arith.constant 0 : i32
        %dma_wait3A_183 = tpu.memref_slice %arg12[%dma_wait3A_181, %dma_wait3A_182] : memref<10240x128xf32, #tpu.memory_space<vmem_shared>> -> memref<10240x128xf32, #tpu.memory_space<vmem_shared>>
        tpu.wait_indirect_dma semaphore(%arg15 : memref<!tpu.dma_semaphore, #tpu.memory_space<semaphore_mem>>) src(%arg10 : memref<128x128xf32, #tpu.memory_space<vmem>>) dst(%dma_wait3A_183 : memref<10240x128xf32, #tpu.memory_space<vmem_shared>>)
        %add3A_184 = arith.constant 1 : i32
        %add3A_185 = arith.addi %add3A_137, %add3A_184 : i32
        %lt3A_186 = arith.constant 80 : i32
        %lt3A_187 = arith.cmpi slt, %add3A_185, %lt3A_186 : i32
        %convert_element_type3A_188 = arith.extui %lt3A_187 : i1 to i32
        %cond3A_189 = arith.constant 0 : i32
        %cond3A_190 = arith.cmpi ne, %convert_element_type3A_188, %cond3A_189 : i32
        scf.if %cond3A_190 {
          %add3A_192 = arith.constant 1 : i32
          %add3A_193 = arith.addi %add3A_137, %add3A_192 : i32
          %dma_start3A_194 = arith.constant 0 : i32
          %dma_start3A_195 = tpu.memref_slice %arg8[%add3A_193, %dma_start3A_194] : memref<80x128xi32, #tpu.memory_space<vmem>> -> memref<1x128xi32, #tpu.memory_space<vmem>>
          %dma_start3A_196 = tpu.memref_squeeze %dma_start3A_195 : memref<1x128xi32, #tpu.memory_space<vmem>> -> memref<128xi32, #tpu.memory_space<vmem>>
          %dma_start3A_197 = arith.constant 0 : i32
          %dma_start3A_198 = arith.constant 0 : i32
          %dma_start3A_199 = tpu.memref_slice %arg3[%dma_start3A_197, %dma_start3A_198] : memref<10240x128xf32, #tpu.memory_space<hbm>> -> memref<10240x128xf32, #tpu.memory_space<hbm>>
          tpu.enqueue_indirect_dma source(%dma_start3A_199 : memref<10240x128xf32, #tpu.memory_space<hbm>>) target(%arg10 : memref<128x128xf32, #tpu.memory_space<vmem>>) offsets(%dma_start3A_196 : memref<128xi32, #tpu.memory_space<vmem>>) semaphore(%arg13 : memref<!tpu.dma_semaphore, #tpu.memory_space<semaphore_mem>>)
        } else {
        }
        %scan3A_191 = arith.constant 0 : i32
        scf.yield %scan3A_191 : i32
      }
      %scan3A_127 = arith.constant 8 : i32
      %scan3A_128 = arith.constant 0 : i32
      scf.yield %scan3A_128 : i32
    }
    %scan3A_94 = arith.constant 5 : i32
    %dma_wait3A_95 = arith.constant 0 : i32
    %dma_wait3A_96 = arith.constant 0 : i32
    %dma_wait3A_97 = arith.constant 0 : i32
    %dma_wait3A_98 = tpu.memref_slice %arg9[%dma_wait3A_95, %dma_wait3A_96, %dma_wait3A_97] : memref<2x16x128xi32, #tpu.memory_space<vmem>> -> memref<1x1x128xi32, #tpu.memory_space<vmem>>
    %dma_wait3A_99 = tpu.memref_squeeze %dma_wait3A_98 : memref<1x1x128xi32, #tpu.memory_space<vmem>> -> memref<128xi32, #tpu.memory_space<vmem>>
    %dma_wait3A_100 = arith.constant 0 : i32
    %dma_wait3A_101 = arith.constant 0 : i32
    %dma_wait3A_102 = tpu.memref_slice %arg12[%dma_wait3A_100, %dma_wait3A_101] : memref<10240x128xf32, #tpu.memory_space<vmem_shared>> -> memref<10240x128xf32, #tpu.memory_space<vmem_shared>>
    tpu.wait_indirect_dma semaphore(%arg16 : memref<!tpu.dma_semaphore, #tpu.memory_space<semaphore_mem>>) src(%arg11 : memref<128x128xf32, #tpu.memory_space<vmem>>) dst(%dma_wait3A_102 : memref<10240x128xf32, #tpu.memory_space<vmem_shared>>)
    %barrier3A_103 = arith.constant 0 : index
    tpu.barrier barrier_id(%barrier3A_103)
    %mul3A_104 = arith.constant 640 : i32
    %mul3A_105 = arith.muli %arg1, %mul3A_104 : i32
    %mul3A_106 = arith.constant 640 : i32
    %mul3A_107 = arith.muli %arg1, %mul3A_106 : i32
    "tpu.region"() ({
      %run_scoped3A = tpu.sem_alloc : memref<!tpu.dma_semaphore, #tpu.memory_space<semaphore_mem>>
      %dma_start3A_108 = arith.constant 0 : i32
      %dma_start3A_109 = tpu.memref_slice %arg7[%arg0, %mul3A_107, %dma_start3A_108] : memref<2x10240x128xf32, #tpu.memory_space<hbm>> -> memref<1x640x128xf32, #tpu.memory_space<hbm>>
      %dma_start3A_110 = tpu.memref_squeeze %dma_start3A_109 : memref<1x640x128xf32, #tpu.memory_space<hbm>> -> memref<640x128xf32, #tpu.memory_space<hbm>>
      %dma_start3A_111 = arith.constant 0 : i32
      %dma_start3A_112 = tpu.memref_slice %arg12[%mul3A_105, %dma_start3A_111] : memref<10240x128xf32, #tpu.memory_space<vmem_shared>> -> memref<640x128xf32, #tpu.memory_space<vmem_shared>>
      tpu.enqueue_dma source(%dma_start3A_112 : memref<640x128xf32, #tpu.memory_space<vmem_shared>>) target(%dma_start3A_110 : memref<640x128xf32, #tpu.memory_space<hbm>>) target_semaphore(%run_scoped3A : memref<!tpu.dma_semaphore, #tpu.memory_space<semaphore_mem>>)
      %dma_wait3A_113 = arith.constant 0 : i32
      %dma_wait3A_114 = tpu.memref_slice %arg7[%arg0, %mul3A_107, %dma_wait3A_113] : memref<2x10240x128xf32, #tpu.memory_space<hbm>> -> memref<1x640x128xf32, #tpu.memory_space<hbm>>
      %dma_wait3A_115 = tpu.memref_squeeze %dma_wait3A_114 : memref<1x640x128xf32, #tpu.memory_space<hbm>> -> memref<640x128xf32, #tpu.memory_space<hbm>>
      %dma_wait3A_116 = arith.constant 0 : i32
      %dma_wait3A_117 = tpu.memref_slice %arg12[%mul3A_105, %dma_wait3A_116] : memref<10240x128xf32, #tpu.memory_space<vmem_shared>> -> memref<640x128xf32, #tpu.memory_space<vmem_shared>>
      tpu.wait_dma2 semaphore(%run_scoped3A : memref<!tpu.dma_semaphore, #tpu.memory_space<semaphore_mem>>) src(%dma_wait3A_117 : memref<640x128xf32, #tpu.memory_space<vmem_shared>>) dst(%dma_wait3A_115 : memref<640x128xf32, #tpu.memory_space<hbm>>)
      tpu.yield
    }) : () -> ()
    return
  }
}

#map = affine_map<(d0, d1) -> (0, 0)>
#map1 = affine_map<(d0, d1) -> (0, 0, 0)>
module attributes {stable_mosaic.version = 14 : i64} {
  func.func @_seg_body(%arg0: i32, %arg1: i32, %arg2: memref<10240x128xf32, #tpu.memory_space<hbm>>, %arg3: memref<10240x128xf32, #tpu.memory_space<hbm>>, %arg4: memref<32x80x128xi32, #tpu.memory_space<hbm>>, %arg5: memref<32x80x128xi32, #tpu.memory_space<hbm>>, %arg6: memref<2x10240x128xf32, #tpu.memory_space<hbm>>, %arg7: memref<2x10240x128xf32, #tpu.memory_space<hbm>>, %arg8: memref<80x128xi32, #tpu.memory_space<vmem>>, %arg9: memref<2x16x128xi32, #tpu.memory_space<vmem>>, %arg10: memref<128x128xf32, #tpu.memory_space<vmem>>, %arg11: memref<128x128xf32, #tpu.memory_space<vmem>>, %arg12: memref<10240x128xf32, #tpu.memory_space<vmem_shared>>, %arg13: memref<!tpu.dma_semaphore, #tpu.memory_space<semaphore_mem>>, %arg14: memref<!tpu.dma_semaphore, #tpu.memory_space<semaphore_mem>>, %arg15: memref<!tpu.dma_semaphore, #tpu.memory_space<semaphore_mem>>, %arg16: memref<!tpu.dma_semaphore, #tpu.memory_space<semaphore_mem>>) attributes {dimension_semantics = [#tpu.dimension_semantics<core_parallel>, #tpu.dimension_semantics<subcore_parallel>], iteration_bounds = array<i64: 2, 16>, scalar_prefetch = 0 : i64, scratch_operands = 9 : i64, tpu.core_type = #tpu.core_type<sc_vector_subcore>, window_params = [{transform_indices = #map}, {transform_indices = #map}, {transform_indices = #map1}, {transform_indices = #map1}, {transform_indices = #map1}, {transform_indices = #map1}]} {
    %mul3A = arith.constant 2 : i32
    %mul3A_0 = arith.muli %arg1, %mul3A : i32
    %add3A = arith.addi %mul3A_0, %arg0 : i32
    %broadcast_in_dim3A = arith.constant 0.000000e+00 : f32
    %broadcast_in_dim3A_1 = vector.broadcast %broadcast_in_dim3A : f32 to vector<16xf32>
    "tpu.region"() ({
      %run_scoped3A = tpu.sem_alloc : memref<!tpu.dma_semaphore, #tpu.memory_space<semaphore_mem>>
      %dma_start3A_108 = arith.constant 0 : i32
      %dma_start3A_109 = arith.constant 0 : i32
      %dma_start3A_110 = tpu.memref_slice %arg4[%add3A, %dma_start3A_108, %dma_start3A_109] : memref<32x80x128xi32, #tpu.memory_space<hbm>> -> memref<1x80x128xi32, #tpu.memory_space<hbm>>
      %dma_start3A_111 = tpu.memref_squeeze %dma_start3A_110 : memref<1x80x128xi32, #tpu.memory_space<hbm>> -> memref<80x128xi32, #tpu.memory_space<hbm>>
      %dma_start3A_112 = arith.constant 0 : i32
      %dma_start3A_113 = arith.constant 0 : i32
      %dma_start3A_114 = tpu.memref_slice %arg4[%add3A, %dma_start3A_112, %dma_start3A_113] : memref<32x80x128xi32, #tpu.memory_space<hbm>> -> memref<1x80x128xi32, #tpu.memory_space<hbm>>
      %dma_start3A_115 = tpu.memref_squeeze %dma_start3A_114 : memref<1x80x128xi32, #tpu.memory_space<hbm>> -> memref<80x128xi32, #tpu.memory_space<hbm>>
      tpu.enqueue_dma source(%dma_start3A_115 : memref<80x128xi32, #tpu.memory_space<hbm>>) target(%arg8 : memref<80x128xi32, #tpu.memory_space<vmem>>) target_semaphore(%run_scoped3A : memref<!tpu.dma_semaphore, #tpu.memory_space<semaphore_mem>>)
      %dma_wait3A_116 = arith.constant 0 : i32
      %dma_wait3A_117 = arith.constant 0 : i32
      %dma_wait3A_118 = tpu.memref_slice %arg4[%add3A, %dma_wait3A_116, %dma_wait3A_117] : memref<32x80x128xi32, #tpu.memory_space<hbm>> -> memref<1x80x128xi32, #tpu.memory_space<hbm>>
      %dma_wait3A_119 = tpu.memref_squeeze %dma_wait3A_118 : memref<1x80x128xi32, #tpu.memory_space<hbm>> -> memref<80x128xi32, #tpu.memory_space<hbm>>
      %dma_wait3A_120 = arith.constant 0 : i32
      %dma_wait3A_121 = arith.constant 0 : i32
      %dma_wait3A_122 = tpu.memref_slice %arg4[%add3A, %dma_wait3A_120, %dma_wait3A_121] : memref<32x80x128xi32, #tpu.memory_space<hbm>> -> memref<1x80x128xi32, #tpu.memory_space<hbm>>
      %dma_wait3A_123 = tpu.memref_squeeze %dma_wait3A_122 : memref<1x80x128xi32, #tpu.memory_space<hbm>> -> memref<80x128xi32, #tpu.memory_space<hbm>>
      tpu.wait_dma2 semaphore(%run_scoped3A : memref<!tpu.dma_semaphore, #tpu.memory_space<semaphore_mem>>) src(%dma_wait3A_123 : memref<80x128xi32, #tpu.memory_space<hbm>>) dst(%arg8 : memref<80x128xi32, #tpu.memory_space<vmem>>)
      tpu.yield
    }) : () -> ()
    %scan3A = arith.constant 0 : i32
    %scan3A_2 = arith.constant 0 : i32
    %scan3A_3 = arith.constant 1024 : i32
    %scan3A_4 = arith.addi %scan3A_2, %scan3A_3 : i32
    %scan3A_5 = arith.constant 1 : i32
    %scan3A_6 = scf.for %scan3A_108 = %scan3A_2 to %scan3A_4 step %scan3A_5 iter_args(%scan3A_109 = %scan3A) -> (i32)  : i32 {
      %jit3A = arith.constant 8 : i32
      %div3A = arith.divsi %scan3A_108, %jit3A : i32
      %sign3A = arith.constant 0 : i32
      %sign3A_110 = arith.cmpi sgt, %scan3A_108, %sign3A : i32
      %sign3A_111 = arith.extui %sign3A_110 : i1 to i32
      %sign3A_112 = arith.constant 0 : i32
      %sign3A_113 = arith.cmpi slt, %scan3A_108, %sign3A_112 : i32
      %sign3A_114 = arith.extui %sign3A_113 : i1 to i32
      %sign3A_115 = arith.subi %sign3A_111, %sign3A_114 : i32
      %sign3A_116 = arith.constant 0 : i32
      %sign3A_117 = arith.cmpi sgt, %jit3A, %sign3A_116 : i32
      %sign3A_118 = arith.extui %sign3A_117 : i1 to i32
      %sign3A_119 = arith.constant 0 : i32
      %sign3A_120 = arith.cmpi slt, %jit3A, %sign3A_119 : i32
      %sign3A_121 = arith.extui %sign3A_120 : i1 to i32
      %sign3A_122 = arith.subi %sign3A_118, %sign3A_121 : i32
      %ne3A = arith.cmpi ne, %sign3A_115, %sign3A_122 : i32
      %rem3A = arith.remsi %scan3A_108, %jit3A : i32
      %ne3A_123 = arith.constant 0 : i32
      %ne3A_124 = arith.cmpi ne, %rem3A, %ne3A_123 : i32
      %and3A = arith.andi %ne3A, %ne3A_124 : i1
      %sub3A = arith.constant 1 : i32
      %sub3A_125 = arith.subi %div3A, %sub3A : i32
      %select_n3A = arith.select %and3A, %sub3A_125, %div3A : i32
      %jit3A_126 = arith.constant 8 : i32
      %eq3A = arith.constant 0 : i32
      %eq3A_127 = arith.cmpi eq, %jit3A_126, %eq3A : i32
      %jit3A_128 = arith.constant 1 : i32
      %select_n3A_129 = arith.select %eq3A_127, %jit3A_128, %jit3A_126 : i32
      %rem3A_130 = arith.remsi %scan3A_108, %select_n3A_129 : i32
      %ne3A_131 = arith.constant 0 : i32
      %ne3A_132 = arith.cmpi ne, %rem3A_130, %ne3A_131 : i32
      %lt3A = arith.constant 0 : i32
      %lt3A_133 = arith.cmpi slt, %rem3A_130, %lt3A : i32
      %lt3A_134 = arith.constant 0 : i32
      %lt3A_135 = arith.cmpi slt, %select_n3A_129, %lt3A_134 : i32
      %ne3A_136 = arith.xori %lt3A_133, %lt3A_135 : i1
      %and3A_137 = arith.andi %ne3A_136, %ne3A_132 : i1
      %add3A_138 = arith.addi %rem3A_130, %select_n3A_129 : i32
      %select_n3A_139 = arith.select %and3A_137, %add3A_138, %rem3A_130 : i32
      %mul3A_140 = arith.constant 16 : i32
      %mul3A_141 = arith.muli %select_n3A_139, %mul3A_140 : i32
      %swap3A = arith.index_cast %select_n3A : i32 to index
      %swap3A_142 = arith.index_cast %mul3A_141 : i32 to index
      %swap3A_143 = tpu.vector_load %arg10[%swap3A, %swap3A_142] {strides = array<i32>} : memref<128x128xf32, #tpu.memory_space<vmem>>, vector<1x16xf32>,
      %swap3A_144 = vector.shape_cast %swap3A_143 : vector<1x16xf32> to vector<16xf32>
      %swap3A_145 = vector.shape_cast %broadcast_in_dim3A_1 : vector<16xf32> to vector<1x16xf32>
      tpu.vector_store %arg10[%swap3A, %swap3A_142], %swap3A_145 {strides = array<i32>} : memref<128x128xf32, #tpu.memory_space<vmem>>, vector<1x16xf32>,
      %scan3A_146 = arith.constant 0 : i32
      scf.yield %scan3A_146 : i32
    }
    %scan3A_7 = arith.constant 1024 : i32
    %mul3A_8 = arith.constant 640 : i32
    %mul3A_9 = arith.muli %arg1, %mul3A_8 : i32
    %add3A_10 = arith.constant 0 : i32
    %add3A_11 = arith.addi %mul3A_9, %add3A_10 : i32
    "tpu.region"() ({
      %run_scoped3A = tpu.sem_alloc : memref<!tpu.dma_semaphore, #tpu.memory_space<semaphore_mem>>
      %dma_start3A_108 = arith.constant 0 : i32
      %dma_start3A_109 = tpu.memref_slice %arg12[%add3A_11, %dma_start3A_108] : memref<10240x128xf32, #tpu.memory_space<vmem_shared>> -> memref<128x128xf32, #tpu.memory_space<vmem_shared>>
      %dma_start3A_110 = arith.constant 0 : i32
      %dma_start3A_111 = tpu.memref_slice %arg12[%add3A_11, %dma_start3A_110] : memref<10240x128xf32, #tpu.memory_space<vmem_shared>> -> memref<128x128xf32, #tpu.memory_space<vmem_shared>>
      tpu.enqueue_dma source(%arg10 : memref<128x128xf32, #tpu.memory_space<vmem>>) target(%dma_start3A_111 : memref<128x128xf32, #tpu.memory_space<vmem_shared>>) target_semaphore(%run_scoped3A : memref<!tpu.dma_semaphore, #tpu.memory_space<semaphore_mem>>)
      %dma_wait3A_112 = arith.constant 0 : i32
      %dma_wait3A_113 = tpu.memref_slice %arg12[%add3A_11, %dma_wait3A_112] : memref<10240x128xf32, #tpu.memory_space<vmem_shared>> -> memref<128x128xf32, #tpu.memory_space<vmem_shared>>
      %dma_wait3A_114 = arith.constant 0 : i32
      %dma_wait3A_115 = tpu.memref_slice %arg12[%add3A_11, %dma_wait3A_114] : memref<10240x128xf32, #tpu.memory_space<vmem_shared>> -> memref<128x128xf32, #tpu.memory_space<vmem_shared>>
      tpu.wait_dma2 semaphore(%run_scoped3A : memref<!tpu.dma_semaphore, #tpu.memory_space<semaphore_mem>>) src(%arg10 : memref<128x128xf32, #tpu.memory_space<vmem>>) dst(%dma_wait3A_115 : memref<128x128xf32, #tpu.memory_space<vmem_shared>>)
      tpu.yield
    }) : () -> ()
    %mul3A_12 = arith.constant 640 : i32
    %mul3A_13 = arith.muli %arg1, %mul3A_12 : i32
    %add3A_14 = arith.constant 128 : i32
    %add3A_15 = arith.addi %mul3A_13, %add3A_14 : i32
    "tpu.region"() ({
      %run_scoped3A = tpu.sem_alloc : memref<!tpu.dma_semaphore, #tpu.memory_space<semaphore_mem>>
      %dma_start3A_108 = arith.constant 0 : i32
      %dma_start3A_109 = tpu.memref_slice %arg12[%add3A_15, %dma_start3A_108] : memref<10240x128xf32, #tpu.memory_space<vmem_shared>> -> memref<128x128xf32, #tpu.memory_space<vmem_shared>>
      %dma_start3A_110 = arith.constant 0 : i32
      %dma_start3A_111 = tpu.memref_slice %arg12[%add3A_15, %dma_start3A_110] : memref<10240x128xf32, #tpu.memory_space<vmem_shared>> -> memref<128x128xf32, #tpu.memory_space<vmem_shared>>
      tpu.enqueue_dma source(%arg10 : memref<128x128xf32, #tpu.memory_space<vmem>>) target(%dma_start3A_111 : memref<128x128xf32, #tpu.memory_space<vmem_shared>>) target_semaphore(%run_scoped3A : memref<!tpu.dma_semaphore, #tpu.memory_space<semaphore_mem>>)
      %dma_wait3A_112 = arith.constant 0 : i32
      %dma_wait3A_113 = tpu.memref_slice %arg12[%add3A_15, %dma_wait3A_112] : memref<10240x128xf32, #tpu.memory_space<vmem_shared>> -> memref<128x128xf32, #tpu.memory_space<vmem_shared>>
      %dma_wait3A_114 = arith.constant 0 : i32
      %dma_wait3A_115 = tpu.memref_slice %arg12[%add3A_15, %dma_wait3A_114] : memref<10240x128xf32, #tpu.memory_space<vmem_shared>> -> memref<128x128xf32, #tpu.memory_space<vmem_shared>>
      tpu.wait_dma2 semaphore(%run_scoped3A : memref<!tpu.dma_semaphore, #tpu.memory_space<semaphore_mem>>) src(%arg10 : memref<128x128xf32, #tpu.memory_space<vmem>>) dst(%dma_wait3A_115 : memref<128x128xf32, #tpu.memory_space<vmem_shared>>)
      tpu.yield
    }) : () -> ()
    %mul3A_16 = arith.constant 640 : i32
    %mul3A_17 = arith.muli %arg1, %mul3A_16 : i32
    %add3A_18 = arith.constant 256 : i32
    %add3A_19 = arith.addi %mul3A_17, %add3A_18 : i32
    "tpu.region"() ({
      %run_scoped3A = tpu.sem_alloc : memref<!tpu.dma_semaphore, #tpu.memory_space<semaphore_mem>>
      %dma_start3A_108 = arith.constant 0 : i32
      %dma_start3A_109 = tpu.memref_slice %arg12[%add3A_19, %dma_start3A_108] : memref<10240x128xf32, #tpu.memory_space<vmem_shared>> -> memref<128x128xf32, #tpu.memory_space<vmem_shared>>
      %dma_start3A_110 = arith.constant 0 : i32
      %dma_start3A_111 = tpu.memref_slice %arg12[%add3A_19, %dma_start3A_110] : memref<10240x128xf32, #tpu.memory_space<vmem_shared>> -> memref<128x128xf32, #tpu.memory_space<vmem_shared>>
      tpu.enqueue_dma source(%arg10 : memref<128x128xf32, #tpu.memory_space<vmem>>) target(%dma_start3A_111 : memref<128x128xf32, #tpu.memory_space<vmem_shared>>) target_semaphore(%run_scoped3A : memref<!tpu.dma_semaphore, #tpu.memory_space<semaphore_mem>>)
      %dma_wait3A_112 = arith.constant 0 : i32
      %dma_wait3A_113 = tpu.memref_slice %arg12[%add3A_19, %dma_wait3A_112] : memref<10240x128xf32, #tpu.memory_space<vmem_shared>> -> memref<128x128xf32, #tpu.memory_space<vmem_shared>>
      %dma_wait3A_114 = arith.constant 0 : i32
      %dma_wait3A_115 = tpu.memref_slice %arg12[%add3A_19, %dma_wait3A_114] : memref<10240x128xf32, #tpu.memory_space<vmem_shared>> -> memref<128x128xf32, #tpu.memory_space<vmem_shared>>
      tpu.wait_dma2 semaphore(%run_scoped3A : memref<!tpu.dma_semaphore, #tpu.memory_space<semaphore_mem>>) src(%arg10 : memref<128x128xf32, #tpu.memory_space<vmem>>) dst(%dma_wait3A_115 : memref<128x128xf32, #tpu.memory_space<vmem_shared>>)
      tpu.yield
    }) : () -> ()
    %mul3A_20 = arith.constant 640 : i32
    %mul3A_21 = arith.muli %arg1, %mul3A_20 : i32
    %add3A_22 = arith.constant 384 : i32
    %add3A_23 = arith.addi %mul3A_21, %add3A_22 : i32
    "tpu.region"() ({
      %run_scoped3A = tpu.sem_alloc : memref<!tpu.dma_semaphore, #tpu.memory_space<semaphore_mem>>
      %dma_start3A_108 = arith.constant 0 : i32
      %dma_start3A_109 = tpu.memref_slice %arg12[%add3A_23, %dma_start3A_108] : memref<10240x128xf32, #tpu.memory_space<vmem_shared>> -> memref<128x128xf32, #tpu.memory_space<vmem_shared>>
      %dma_start3A_110 = arith.constant 0 : i32
      %dma_start3A_111 = tpu.memref_slice %arg12[%add3A_23, %dma_start3A_110] : memref<10240x128xf32, #tpu.memory_space<vmem_shared>> -> memref<128x128xf32, #tpu.memory_space<vmem_shared>>
      tpu.enqueue_dma source(%arg10 : memref<128x128xf32, #tpu.memory_space<vmem>>) target(%dma_start3A_111 : memref<128x128xf32, #tpu.memory_space<vmem_shared>>) target_semaphore(%run_scoped3A : memref<!tpu.dma_semaphore, #tpu.memory_space<semaphore_mem>>)
      %dma_wait3A_112 = arith.constant 0 : i32
      %dma_wait3A_113 = tpu.memref_slice %arg12[%add3A_23, %dma_wait3A_112] : memref<10240x128xf32, #tpu.memory_space<vmem_shared>> -> memref<128x128xf32, #tpu.memory_space<vmem_shared>>
      %dma_wait3A_114 = arith.constant 0 : i32
      %dma_wait3A_115 = tpu.memref_slice %arg12[%add3A_23, %dma_wait3A_114] : memref<10240x128xf32, #tpu.memory_space<vmem_shared>> -> memref<128x128xf32, #tpu.memory_space<vmem_shared>>
      tpu.wait_dma2 semaphore(%run_scoped3A : memref<!tpu.dma_semaphore, #tpu.memory_space<semaphore_mem>>) src(%arg10 : memref<128x128xf32, #tpu.memory_space<vmem>>) dst(%dma_wait3A_115 : memref<128x128xf32, #tpu.memory_space<vmem_shared>>)
      tpu.yield
    }) : () -> ()
    %mul3A_24 = arith.constant 640 : i32
    %mul3A_25 = arith.muli %arg1, %mul3A_24 : i32
    %add3A_26 = arith.constant 512 : i32
    %add3A_27 = arith.addi %mul3A_25, %add3A_26 : i32
    "tpu.region"() ({
      %run_scoped3A = tpu.sem_alloc : memref<!tpu.dma_semaphore, #tpu.memory_space<semaphore_mem>>
      %dma_start3A_108 = arith.constant 0 : i32
      %dma_start3A_109 = tpu.memref_slice %arg12[%add3A_27, %dma_start3A_108] : memref<10240x128xf32, #tpu.memory_space<vmem_shared>> -> memref<128x128xf32, #tpu.memory_space<vmem_shared>>
      %dma_start3A_110 = arith.constant 0 : i32
      %dma_start3A_111 = tpu.memref_slice %arg12[%add3A_27, %dma_start3A_110] : memref<10240x128xf32, #tpu.memory_space<vmem_shared>> -> memref<128x128xf32, #tpu.memory_space<vmem_shared>>
      tpu.enqueue_dma source(%arg10 : memref<128x128xf32, #tpu.memory_space<vmem>>) target(%dma_start3A_111 : memref<128x128xf32, #tpu.memory_space<vmem_shared>>) target_semaphore(%run_scoped3A : memref<!tpu.dma_semaphore, #tpu.memory_space<semaphore_mem>>)
      %dma_wait3A_112 = arith.constant 0 : i32
      %dma_wait3A_113 = tpu.memref_slice %arg12[%add3A_27, %dma_wait3A_112] : memref<10240x128xf32, #tpu.memory_space<vmem_shared>> -> memref<128x128xf32, #tpu.memory_space<vmem_shared>>
      %dma_wait3A_114 = arith.constant 0 : i32
      %dma_wait3A_115 = tpu.memref_slice %arg12[%add3A_27, %dma_wait3A_114] : memref<10240x128xf32, #tpu.memory_space<vmem_shared>> -> memref<128x128xf32, #tpu.memory_space<vmem_shared>>
      tpu.wait_dma2 semaphore(%run_scoped3A : memref<!tpu.dma_semaphore, #tpu.memory_space<semaphore_mem>>) src(%arg10 : memref<128x128xf32, #tpu.memory_space<vmem>>) dst(%dma_wait3A_115 : memref<128x128xf32, #tpu.memory_space<vmem_shared>>)
      tpu.yield
    }) : () -> ()
    %dma_start3A = arith.constant 0 : i32
    %dma_start3A_28 = arith.constant 0 : i32
    %dma_start3A_29 = tpu.memref_slice %arg8[%dma_start3A, %dma_start3A_28] : memref<80x128xi32, #tpu.memory_space<vmem>> -> memref<1x128xi32, #tpu.memory_space<vmem>>
    %dma_start3A_30 = tpu.memref_squeeze %dma_start3A_29 : memref<1x128xi32, #tpu.memory_space<vmem>> -> memref<128xi32, #tpu.memory_space<vmem>>
    %dma_start3A_31 = arith.constant 0 : i32
    %dma_start3A_32 = arith.constant 0 : i32
    %dma_start3A_33 = tpu.memref_slice %arg2[%dma_start3A_31, %dma_start3A_32] : memref<10240x128xf32, #tpu.memory_space<hbm>> -> memref<10240x128xf32, #tpu.memory_space<hbm>>
    tpu.enqueue_indirect_dma source(%dma_start3A_33 : memref<10240x128xf32, #tpu.memory_space<hbm>>) target(%arg10 : memref<128x128xf32, #tpu.memory_space<vmem>>) offsets(%dma_start3A_30 : memref<128xi32, #tpu.memory_space<vmem>>) semaphore(%arg13 : memref<!tpu.dma_semaphore, #tpu.memory_space<semaphore_mem>>)
    %barrier3A = arith.constant 0 : index
    tpu.barrier barrier_id(%barrier3A)
    %scan3A_34 = arith.constant 0 : i32
    %scan3A_35 = arith.constant 0 : i32
    %scan3A_36 = arith.constant 5 : i32
    %scan3A_37 = arith.addi %scan3A_35, %scan3A_36 : i32
    %scan3A_38 = arith.constant 1 : i32
    %scan3A_39 = scf.for %scan3A_108 = %scan3A_35 to %scan3A_37 step %scan3A_38 iter_args(%scan3A_109 = %scan3A_34) -> (i32)  : i32 {
      %jit3A = arith.constant 2 : i32
      %eq3A = arith.constant 0 : i32
      %eq3A_110 = arith.cmpi eq, %jit3A, %eq3A : i32
      %jit3A_111 = arith.constant 1 : i32
      %select_n3A = arith.select %eq3A_110, %jit3A_111, %jit3A : i32
      %rem3A = arith.remsi %scan3A_108, %select_n3A : i32
      %ne3A = arith.constant 0 : i32
      %ne3A_112 = arith.cmpi ne, %rem3A, %ne3A : i32
      %lt3A = arith.constant 0 : i32
      %lt3A_113 = arith.cmpi slt, %rem3A, %lt3A : i32
      %lt3A_114 = arith.constant 0 : i32
      %lt3A_115 = arith.cmpi slt, %select_n3A, %lt3A_114 : i32
      %ne3A_116 = arith.xori %lt3A_113, %lt3A_115 : i1
      %and3A = arith.andi %ne3A_116, %ne3A_112 : i1
      %add3A_117 = arith.addi %rem3A, %select_n3A : i32
      %select_n3A_118 = arith.select %and3A, %add3A_117, %rem3A : i32
      %mul3A_119 = arith.constant 16 : i32
      %mul3A_120 = arith.muli %scan3A_108, %mul3A_119 : i32
      "tpu.region"() ({
        %run_scoped3A = tpu.sem_alloc : memref<!tpu.dma_semaphore, #tpu.memory_space<semaphore_mem>>
        %dma_start3A_129 = arith.constant 0 : i32
        %dma_start3A_130 = arith.constant 0 : i32
        %dma_start3A_131 = tpu.memref_slice %arg9[%select_n3A_118, %dma_start3A_129, %dma_start3A_130] : memref<2x16x128xi32, #tpu.memory_space<vmem>> -> memref<1x16x128xi32, #tpu.memory_space<vmem>>
        %dma_start3A_132 = tpu.memref_squeeze %dma_start3A_131 : memref<1x16x128xi32, #tpu.memory_space<vmem>> -> memref<16x128xi32, #tpu.memory_space<vmem>>
        %dma_start3A_133 = arith.constant 0 : i32
        %dma_start3A_134 = tpu.memref_slice %arg5[%add3A, %mul3A_120, %dma_start3A_133] : memref<32x80x128xi32, #tpu.memory_space<hbm>> -> memref<1x16x128xi32, #tpu.memory_space<hbm>>
        %dma_start3A_135 = tpu.memref_squeeze %dma_start3A_134 : memref<1x16x128xi32, #tpu.memory_space<hbm>> -> memref<16x128xi32, #tpu.memory_space<hbm>>
        %dma_start3A_136 = arith.constant 0 : i32
        %dma_start3A_137 = arith.constant 0 : i32
        %dma_start3A_138 = tpu.memref_slice %arg9[%select_n3A_118, %dma_start3A_136, %dma_start3A_137] : memref<2x16x128xi32, #tpu.memory_space<vmem>> -> memref<1x16x128xi32, #tpu.memory_space<vmem>>
        %dma_start3A_139 = tpu.memref_squeeze %dma_start3A_138 : memref<1x16x128xi32, #tpu.memory_space<vmem>> -> memref<16x128xi32, #tpu.memory_space<vmem>>
        %dma_start3A_140 = arith.constant 0 : i32
        %dma_start3A_141 = tpu.memref_slice %arg5[%add3A, %mul3A_120, %dma_start3A_140] : memref<32x80x128xi32, #tpu.memory_space<hbm>> -> memref<1x16x128xi32, #tpu.memory_space<hbm>>
        %dma_start3A_142 = tpu.memref_squeeze %dma_start3A_141 : memref<1x16x128xi32, #tpu.memory_space<hbm>> -> memref<16x128xi32, #tpu.memory_space<hbm>>
        tpu.enqueue_dma source(%dma_start3A_142 : memref<16x128xi32, #tpu.memory_space<hbm>>) target(%dma_start3A_139 : memref<16x128xi32, #tpu.memory_space<vmem>>) target_semaphore(%run_scoped3A : memref<!tpu.dma_semaphore, #tpu.memory_space<semaphore_mem>>)
        %dma_wait3A_143 = arith.constant 0 : i32
        %dma_wait3A_144 = arith.constant 0 : i32
        %dma_wait3A_145 = tpu.memref_slice %arg9[%select_n3A_118, %dma_wait3A_143, %dma_wait3A_144] : memref<2x16x128xi32, #tpu.memory_space<vmem>> -> memref<1x16x128xi32, #tpu.memory_space<vmem>>
        %dma_wait3A_146 = tpu.memref_squeeze %dma_wait3A_145 : memref<1x16x128xi32, #tpu.memory_space<vmem>> -> memref<16x128xi32, #tpu.memory_space<vmem>>
        %dma_wait3A_147 = arith.constant 0 : i32
        %dma_wait3A_148 = tpu.memref_slice %arg5[%add3A, %mul3A_120, %dma_wait3A_147] : memref<32x80x128xi32, #tpu.memory_space<hbm>> -> memref<1x16x128xi32, #tpu.memory_space<hbm>>
        %dma_wait3A_149 = tpu.memref_squeeze %dma_wait3A_148 : memref<1x16x128xi32, #tpu.memory_space<hbm>> -> memref<16x128xi32, #tpu.memory_space<hbm>>
        %dma_wait3A_150 = arith.constant 0 : i32
        %dma_wait3A_151 = arith.constant 0 : i32
        %dma_wait3A_152 = tpu.memref_slice %arg9[%select_n3A_118, %dma_wait3A_150, %dma_wait3A_151] : memref<2x16x128xi32, #tpu.memory_space<vmem>> -> memref<1x16x128xi32, #tpu.memory_space<vmem>>
        %dma_wait3A_153 = tpu.memref_squeeze %dma_wait3A_152 : memref<1x16x128xi32, #tpu.memory_space<vmem>> -> memref<16x128xi32, #tpu.memory_space<vmem>>
        %dma_wait3A_154 = arith.constant 0 : i32
        %dma_wait3A_155 = tpu.memref_slice %arg5[%add3A, %mul3A_120, %dma_wait3A_154] : memref<32x80x128xi32, #tpu.memory_space<hbm>> -> memref<1x16x128xi32, #tpu.memory_space<hbm>>
        %dma_wait3A_156 = tpu.memref_squeeze %dma_wait3A_155 : memref<1x16x128xi32, #tpu.memory_space<hbm>> -> memref<16x128xi32, #tpu.memory_space<hbm>>
        tpu.wait_dma2 semaphore(%run_scoped3A : memref<!tpu.dma_semaphore, #tpu.memory_space<semaphore_mem>>) src(%dma_wait3A_156 : memref<16x128xi32, #tpu.memory_space<hbm>>) dst(%dma_wait3A_153 : memref<16x128xi32, #tpu.memory_space<vmem>>)
        tpu.yield
      }) : () -> ()
      %scan3A_121 = arith.constant 0 : i32
      %scan3A_122 = arith.constant 0 : i32
      %scan3A_123 = arith.constant 8 : i32
      %scan3A_124 = arith.addi %scan3A_122, %scan3A_123 : i32
      %scan3A_125 = arith.constant 1 : i32
      %scan3A_126 = scf.for %scan3A_129 = %scan3A_122 to %scan3A_124 step %scan3A_125 iter_args(%scan3A_130 = %scan3A_121) -> (i32)  : i32 {
        %mul3A_131 = arith.constant 16 : i32
        %mul3A_132 = arith.muli %scan3A_108, %mul3A_131 : i32
        %mul3A_133 = arith.constant 2 : i32
        %mul3A_134 = arith.muli %mul3A_133, %scan3A_129 : i32
        %add3A_135 = arith.addi %mul3A_132, %mul3A_134 : i32
        %add3A_136 = arith.constant 1 : i32
        %add3A_137 = arith.addi %add3A_135, %add3A_136 : i32
        %dma_wait3A_138 = arith.constant 0 : i32
        %dma_wait3A_139 = tpu.memref_slice %arg8[%add3A_135, %dma_wait3A_138] : memref<80x128xi32, #tpu.memory_space<vmem>> -> memref<1x128xi32, #tpu.memory_space<vmem>>
        %dma_wait3A_140 = tpu.memref_squeeze %dma_wait3A_139 : memref<1x128xi32, #tpu.memory_space<vmem>> -> memref<128xi32, #tpu.memory_space<vmem>>
        %dma_wait3A_141 = arith.constant 0 : i32
        %dma_wait3A_142 = arith.constant 0 : i32
        %dma_wait3A_143 = tpu.memref_slice %arg2[%dma_wait3A_141, %dma_wait3A_142] : memref<10240x128xf32, #tpu.memory_space<hbm>> -> memref<10240x128xf32, #tpu.memory_space<hbm>>
        tpu.wait_indirect_dma semaphore(%arg13 : memref<!tpu.dma_semaphore, #tpu.memory_space<semaphore_mem>>) src(%dma_wait3A_143 : memref<10240x128xf32, #tpu.memory_space<hbm>>) dst(%arg10 : memref<128x128xf32, #tpu.memory_space<vmem>>)
        %mul3A_144 = arith.constant 2 : i32
        %mul3A_145 = arith.muli %mul3A_144, %scan3A_129 : i32
        %dma_start3A_146 = arith.constant 0 : i32
        %dma_start3A_147 = tpu.memref_slice %arg9[%select_n3A_118, %mul3A_145, %dma_start3A_146] : memref<2x16x128xi32, #tpu.memory_space<vmem>> -> memref<1x1x128xi32, #tpu.memory_space<vmem>>
        %dma_start3A_148 = tpu.memref_squeeze %dma_start3A_147 : memref<1x1x128xi32, #tpu.memory_space<vmem>> -> memref<128xi32, #tpu.memory_space<vmem>>
        %dma_start3A_149 = arith.constant 0 : i32
        %dma_start3A_150 = arith.constant 0 : i32
        %dma_start3A_151 = tpu.memref_slice %arg12[%dma_start3A_149, %dma_start3A_150] : memref<10240x128xf32, #tpu.memory_space<vmem_shared>> -> memref<10240x128xf32, #tpu.memory_space<vmem_shared>>
        tpu.enqueue_indirect_dma source(%arg10 : memref<128x128xf32, #tpu.memory_space<vmem>>) target(%dma_start3A_151 : memref<10240x128xf32, #tpu.memory_space<vmem_shared>>) offsets(%dma_start3A_148 : memref<128xi32, #tpu.memory_space<vmem>>) semaphore(%arg15 : memref<!tpu.dma_semaphore, #tpu.memory_space<semaphore_mem>>) {add = true}
        %gt3A = arith.constant 0 : i32
        %gt3A_152 = arith.cmpi sgt, %add3A_135, %gt3A : i32
        %convert_element_type3A = arith.extui %gt3A_152 : i1 to i32
        %cond3A = arith.constant 0 : i32
        %cond3A_153 = arith.cmpi ne, %convert_element_type3A, %cond3A : i32
        scf.if %cond3A_153 {
          %mul3A_192 = arith.constant 2 : i32
          %mul3A_193 = arith.muli %mul3A_192, %scan3A_129 : i32
          %dma_wait3A_194 = arith.constant 0 : i32
          %dma_wait3A_195 = tpu.memref_slice %arg9[%select_n3A_118, %mul3A_193, %dma_wait3A_194] : memref<2x16x128xi32, #tpu.memory_space<vmem>> -> memref<1x1x128xi32, #tpu.memory_space<vmem>>
          %dma_wait3A_196 = tpu.memref_squeeze %dma_wait3A_195 : memref<1x1x128xi32, #tpu.memory_space<vmem>> -> memref<128xi32, #tpu.memory_space<vmem>>
          %dma_wait3A_197 = arith.constant 0 : i32
          %dma_wait3A_198 = arith.constant 0 : i32
          %dma_wait3A_199 = tpu.memref_slice %arg12[%dma_wait3A_197, %dma_wait3A_198] : memref<10240x128xf32, #tpu.memory_space<vmem_shared>> -> memref<10240x128xf32, #tpu.memory_space<vmem_shared>>
          tpu.wait_indirect_dma semaphore(%arg16 : memref<!tpu.dma_semaphore, #tpu.memory_space<semaphore_mem>>) src(%arg11 : memref<128x128xf32, #tpu.memory_space<vmem>>) dst(%dma_wait3A_199 : memref<10240x128xf32, #tpu.memory_space<vmem_shared>>)
        } else {
        }
        %dma_start3A_154 = arith.constant 0 : i32
        %dma_start3A_155 = tpu.memref_slice %arg8[%add3A_137, %dma_start3A_154] : memref<80x128xi32, #tpu.memory_space<vmem>> -> memref<1x128xi32, #tpu.memory_space<vmem>>
        %dma_start3A_156 = tpu.memref_squeeze %dma_start3A_155 : memref<1x128xi32, #tpu.memory_space<vmem>> -> memref<128xi32, #tpu.memory_space<vmem>>
        %dma_start3A_157 = arith.constant 0 : i32
        %dma_start3A_158 = arith.constant 0 : i32
        %dma_start3A_159 = tpu.memref_slice %arg2[%dma_start3A_157, %dma_start3A_158] : memref<10240x128xf32, #tpu.memory_space<hbm>> -> memref<10240x128xf32, #tpu.memory_space<hbm>>
        tpu.enqueue_indirect_dma source(%dma_start3A_159 : memref<10240x128xf32, #tpu.memory_space<hbm>>) target(%arg11 : memref<128x128xf32, #tpu.memory_space<vmem>>) offsets(%dma_start3A_156 : memref<128xi32, #tpu.memory_space<vmem>>) semaphore(%arg14 : memref<!tpu.dma_semaphore, #tpu.memory_space<semaphore_mem>>)
        %dma_wait3A_160 = arith.constant 0 : i32
        %dma_wait3A_161 = tpu.memref_slice %arg8[%add3A_137, %dma_wait3A_160] : memref<80x128xi32, #tpu.memory_space<vmem>> -> memref<1x128xi32, #tpu.memory_space<vmem>>
        %dma_wait3A_162 = tpu.memref_squeeze %dma_wait3A_161 : memref<1x128xi32, #tpu.memory_space<vmem>> -> memref<128xi32, #tpu.memory_space<vmem>>
        %dma_wait3A_163 = arith.constant 0 : i32
        %dma_wait3A_164 = arith.constant 0 : i32
        %dma_wait3A_165 = tpu.memref_slice %arg2[%dma_wait3A_163, %dma_wait3A_164] : memref<10240x128xf32, #tpu.memory_space<hbm>> -> memref<10240x128xf32, #tpu.memory_space<hbm>>
        tpu.wait_indirect_dma semaphore(%arg14 : memref<!tpu.dma_semaphore, #tpu.memory_space<semaphore_mem>>) src(%dma_wait3A_165 : memref<10240x128xf32, #tpu.memory_space<hbm>>) dst(%arg11 : memref<128x128xf32, #tpu.memory_space<vmem>>)
        %mul3A_166 = arith.constant 2 : i32
        %mul3A_167 = arith.muli %mul3A_166, %scan3A_129 : i32
        %add3A_168 = arith.constant 1 : i32
        %add3A_169 = arith.addi %mul3A_167, %add3A_168 : i32
        %dma_start3A_170 = arith.constant 0 : i32
        %dma_start3A_171 = tpu.memref_slice %arg9[%select_n3A_118, %add3A_169, %dma_start3A_170] : memref<2x16x128xi32, #tpu.memory_space<vmem>> -> memref<1x1x128xi32, #tpu.memory_space<vmem>>
        %dma_start3A_172 = tpu.memref_squeeze %dma_start3A_171 : memref<1x1x128xi32, #tpu.memory_space<vmem>> -> memref<128xi32, #tpu.memory_space<vmem>>
        %dma_start3A_173 = arith.constant 0 : i32
        %dma_start3A_174 = arith.constant 0 : i32
        %dma_start3A_175 = tpu.memref_slice %arg12[%dma_start3A_173, %dma_start3A_174] : memref<10240x128xf32, #tpu.memory_space<vmem_shared>> -> memref<10240x128xf32, #tpu.memory_space<vmem_shared>>
        tpu.enqueue_indirect_dma source(%arg11 : memref<128x128xf32, #tpu.memory_space<vmem>>) target(%dma_start3A_175 : memref<10240x128xf32, #tpu.memory_space<vmem_shared>>) offsets(%dma_start3A_172 : memref<128xi32, #tpu.memory_space<vmem>>) semaphore(%arg16 : memref<!tpu.dma_semaphore, #tpu.memory_space<semaphore_mem>>) {add = true}
        %mul3A_176 = arith.constant 2 : i32
        %mul3A_177 = arith.muli %mul3A_176, %scan3A_129 : i32
        %dma_wait3A_178 = arith.constant 0 : i32
        %dma_wait3A_179 = tpu.memref_slice %arg9[%select_n3A_118, %mul3A_177, %dma_wait3A_178] : memref<2x16x128xi32, #tpu.memory_space<vmem>> -> memref<1x1x128xi32, #tpu.memory_space<vmem>>
        %dma_wait3A_180 = tpu.memref_squeeze %dma_wait3A_179 : memref<1x1x128xi32, #tpu.memory_space<vmem>> -> memref<128xi32, #tpu.memory_space<vmem>>
        %dma_wait3A_181 = arith.constant 0 : i32
        %dma_wait3A_182 = arith.constant 0 : i32
        %dma_wait3A_183 = tpu.memref_slice %arg12[%dma_wait3A_181, %dma_wait3A_182] : memref<10240x128xf32, #tpu.memory_space<vmem_shared>> -> memref<10240x128xf32, #tpu.memory_space<vmem_shared>>
        tpu.wait_indirect_dma semaphore(%arg15 : memref<!tpu.dma_semaphore, #tpu.memory_space<semaphore_mem>>) src(%arg10 : memref<128x128xf32, #tpu.memory_space<vmem>>) dst(%dma_wait3A_183 : memref<10240x128xf32, #tpu.memory_space<vmem_shared>>)
        %add3A_184 = arith.constant 1 : i32
        %add3A_185 = arith.addi %add3A_137, %add3A_184 : i32
        %lt3A_186 = arith.constant 80 : i32
        %lt3A_187 = arith.cmpi slt, %add3A_185, %lt3A_186 : i32
        %convert_element_type3A_188 = arith.extui %lt3A_187 : i1 to i32
        %cond3A_189 = arith.constant 0 : i32
        %cond3A_190 = arith.cmpi ne, %convert_element_type3A_188, %cond3A_189 : i32
        scf.if %cond3A_190 {
          %add3A_192 = arith.constant 1 : i32
          %add3A_193 = arith.addi %add3A_137, %add3A_192 : i32
          %dma_start3A_194 = arith.constant 0 : i32
          %dma_start3A_195 = tpu.memref_slice %arg8[%add3A_193, %dma_start3A_194] : memref<80x128xi32, #tpu.memory_space<vmem>> -> memref<1x128xi32, #tpu.memory_space<vmem>>
          %dma_start3A_196 = tpu.memref_squeeze %dma_start3A_195 : memref<1x128xi32, #tpu.memory_space<vmem>> -> memref<128xi32, #tpu.memory_space<vmem>>
          %dma_start3A_197 = arith.constant 0 : i32
          %dma_start3A_198 = arith.constant 0 : i32
          %dma_start3A_199 = tpu.memref_slice %arg2[%dma_start3A_197, %dma_start3A_198] : memref<10240x128xf32, #tpu.memory_space<hbm>> -> memref<10240x128xf32, #tpu.memory_space<hbm>>
          tpu.enqueue_indirect_dma source(%dma_start3A_199 : memref<10240x128xf32, #tpu.memory_space<hbm>>) target(%arg10 : memref<128x128xf32, #tpu.memory_space<vmem>>) offsets(%dma_start3A_196 : memref<128xi32, #tpu.memory_space<vmem>>) semaphore(%arg13 : memref<!tpu.dma_semaphore, #tpu.memory_space<semaphore_mem>>)
        } else {
        }
        %scan3A_191 = arith.constant 0 : i32
        scf.yield %scan3A_191 : i32
      }
      %scan3A_127 = arith.constant 8 : i32
      %scan3A_128 = arith.constant 0 : i32
      scf.yield %scan3A_128 : i32
    }
    %scan3A_40 = arith.constant 5 : i32
    %dma_wait3A = arith.constant 0 : i32
    %dma_wait3A_41 = arith.constant 0 : i32
    %dma_wait3A_42 = arith.constant 0 : i32
    %dma_wait3A_43 = tpu.memref_slice %arg9[%dma_wait3A, %dma_wait3A_41, %dma_wait3A_42] : memref<2x16x128xi32, #tpu.memory_space<vmem>> -> memref<1x1x128xi32, #tpu.memory_space<vmem>>
    %dma_wait3A_44 = tpu.memref_squeeze %dma_wait3A_43 : memref<1x1x128xi32, #tpu.memory_space<vmem>> -> memref<128xi32, #tpu.memory_space<vmem>>
    %dma_wait3A_45 = arith.constant 0 : i32
    %dma_wait3A_46 = arith.constant 0 : i32
    %dma_wait3A_47 = tpu.memref_slice %arg12[%dma_wait3A_45, %dma_wait3A_46] : memref<10240x128xf32, #tpu.memory_space<vmem_shared>> -> memref<10240x128xf32, #tpu.memory_space<vmem_shared>>
    tpu.wait_indirect_dma semaphore(%arg16 : memref<!tpu.dma_semaphore, #tpu.memory_space<semaphore_mem>>) src(%arg11 : memref<128x128xf32, #tpu.memory_space<vmem>>) dst(%dma_wait3A_47 : memref<10240x128xf32, #tpu.memory_space<vmem_shared>>)
    %barrier3A_48 = arith.constant 0 : index
    tpu.barrier barrier_id(%barrier3A_48)
    %mul3A_49 = arith.constant 640 : i32
    %mul3A_50 = arith.muli %arg1, %mul3A_49 : i32
    %mul3A_51 = arith.constant 640 : i32
    %mul3A_52 = arith.muli %arg1, %mul3A_51 : i32
    "tpu.region"() ({
      %run_scoped3A = tpu.sem_alloc : memref<!tpu.dma_semaphore, #tpu.memory_space<semaphore_mem>>
      %dma_start3A_108 = arith.constant 0 : i32
      %dma_start3A_109 = tpu.memref_slice %arg6[%arg0, %mul3A_52, %dma_start3A_108] : memref<2x10240x128xf32, #tpu.memory_space<hbm>> -> memref<1x640x128xf32, #tpu.memory_space<hbm>>
      %dma_start3A_110 = tpu.memref_squeeze %dma_start3A_109 : memref<1x640x128xf32, #tpu.memory_space<hbm>> -> memref<640x128xf32, #tpu.memory_space<hbm>>
      %dma_start3A_111 = arith.constant 0 : i32
      %dma_start3A_112 = tpu.memref_slice %arg12[%mul3A_50, %dma_start3A_111] : memref<10240x128xf32, #tpu.memory_space<vmem_shared>> -> memref<640x128xf32, #tpu.memory_space<vmem_shared>>
      tpu.enqueue_dma source(%dma_start3A_112 : memref<640x128xf32, #tpu.memory_space<vmem_shared>>) target(%dma_start3A_110 : memref<640x128xf32, #tpu.memory_space<hbm>>) target_semaphore(%run_scoped3A : memref<!tpu.dma_semaphore, #tpu.memory_space<semaphore_mem>>)
      %dma_wait3A_113 = arith.constant 0 : i32
      %dma_wait3A_114 = tpu.memref_slice %arg6[%arg0, %mul3A_52, %dma_wait3A_113] : memref<2x10240x128xf32, #tpu.memory_space<hbm>> -> memref<1x640x128xf32, #tpu.memory_space<hbm>>
      %dma_wait3A_115 = tpu.memref_squeeze %dma_wait3A_114 : memref<1x640x128xf32, #tpu.memory_space<hbm>> -> memref<640x128xf32, #tpu.memory_space<hbm>>
      %dma_wait3A_116 = arith.constant 0 : i32
      %dma_wait3A_117 = tpu.memref_slice %arg12[%mul3A_50, %dma_wait3A_116] : memref<10240x128xf32, #tpu.memory_space<vmem_shared>> -> memref<640x128xf32, #tpu.memory_space<vmem_shared>>
      tpu.wait_dma2 semaphore(%run_scoped3A : memref<!tpu.dma_semaphore, #tpu.memory_space<semaphore_mem>>) src(%dma_wait3A_117 : memref<640x128xf32, #tpu.memory_space<vmem_shared>>) dst(%dma_wait3A_115 : memref<640x128xf32, #tpu.memory_space<hbm>>)
      tpu.yield
    }) : () -> ()
    %scan3A_53 = arith.constant 0 : i32
    %scan3A_54 = arith.constant 0 : i32
    %scan3A_55 = arith.constant 1024 : i32
    %scan3A_56 = arith.addi %scan3A_54, %scan3A_55 : i32
    %scan3A_57 = arith.constant 1 : i32
    %scan3A_58 = scf.for %scan3A_108 = %scan3A_54 to %scan3A_56 step %scan3A_57 iter_args(%scan3A_109 = %scan3A_53) -> (i32)  : i32 {
      %jit3A = arith.constant 8 : i32
      %div3A = arith.divsi %scan3A_108, %jit3A : i32
      %sign3A = arith.constant 0 : i32
      %sign3A_110 = arith.cmpi sgt, %scan3A_108, %sign3A : i32
      %sign3A_111 = arith.extui %sign3A_110 : i1 to i32
      %sign3A_112 = arith.constant 0 : i32
      %sign3A_113 = arith.cmpi slt, %scan3A_108, %sign3A_112 : i32
      %sign3A_114 = arith.extui %sign3A_113 : i1 to i32
      %sign3A_115 = arith.subi %sign3A_111, %sign3A_114 : i32
      %sign3A_116 = arith.constant 0 : i32
      %sign3A_117 = arith.cmpi sgt, %jit3A, %sign3A_116 : i32
      %sign3A_118 = arith.extui %sign3A_117 : i1 to i32
      %sign3A_119 = arith.constant 0 : i32
      %sign3A_120 = arith.cmpi slt, %jit3A, %sign3A_119 : i32
      %sign3A_121 = arith.extui %sign3A_120 : i1 to i32
      %sign3A_122 = arith.subi %sign3A_118, %sign3A_121 : i32
      %ne3A = arith.cmpi ne, %sign3A_115, %sign3A_122 : i32
      %rem3A = arith.remsi %scan3A_108, %jit3A : i32
      %ne3A_123 = arith.constant 0 : i32
      %ne3A_124 = arith.cmpi ne, %rem3A, %ne3A_123 : i32
      %and3A = arith.andi %ne3A, %ne3A_124 : i1
      %sub3A = arith.constant 1 : i32
      %sub3A_125 = arith.subi %div3A, %sub3A : i32
      %select_n3A = arith.select %and3A, %sub3A_125, %div3A : i32
      %jit3A_126 = arith.constant 8 : i32
      %eq3A = arith.constant 0 : i32
      %eq3A_127 = arith.cmpi eq, %jit3A_126, %eq3A : i32
      %jit3A_128 = arith.constant 1 : i32
      %select_n3A_129 = arith.select %eq3A_127, %jit3A_128, %jit3A_126 : i32
      %rem3A_130 = arith.remsi %scan3A_108, %select_n3A_129 : i32
      %ne3A_131 = arith.constant 0 : i32
      %ne3A_132 = arith.cmpi ne, %rem3A_130, %ne3A_131 : i32
      %lt3A = arith.constant 0 : i32
      %lt3A_133 = arith.cmpi slt, %rem3A_130, %lt3A : i32
      %lt3A_134 = arith.constant 0 : i32
      %lt3A_135 = arith.cmpi slt, %select_n3A_129, %lt3A_134 : i32
      %ne3A_136 = arith.xori %lt3A_133, %lt3A_135 : i1
      %and3A_137 = arith.andi %ne3A_136, %ne3A_132 : i1
      %add3A_138 = arith.addi %rem3A_130, %select_n3A_129 : i32
      %select_n3A_139 = arith.select %and3A_137, %add3A_138, %rem3A_130 : i32
      %mul3A_140 = arith.constant 16 : i32
      %mul3A_141 = arith.muli %select_n3A_139, %mul3A_140 : i32
      %swap3A = arith.index_cast %select_n3A : i32 to index
      %swap3A_142 = arith.index_cast %mul3A_141 : i32 to index
      %swap3A_143 = tpu.vector_load %arg10[%swap3A, %swap3A_142] {strides = array<i32>} : memref<128x128xf32, #tpu.memory_space<vmem>>, vector<1x16xf32>,
      %swap3A_144 = vector.shape_cast %swap3A_143 : vector<1x16xf32> to vector<16xf32>
      %swap3A_145 = vector.shape_cast %broadcast_in_dim3A_1 : vector<16xf32> to vector<1x16xf32>
      tpu.vector_store %arg10[%swap3A, %swap3A_142], %swap3A_145 {strides = array<i32>} : memref<128x128xf32, #tpu.memory_space<vmem>>, vector<1x16xf32>,
      %scan3A_146 = arith.constant 0 : i32
      scf.yield %scan3A_146 : i32
    }
    %scan3A_59 = arith.constant 1024 : i32
    %mul3A_60 = arith.constant 640 : i32
    %mul3A_61 = arith.muli %arg1, %mul3A_60 : i32
    %add3A_62 = arith.constant 0 : i32
    %add3A_63 = arith.addi %mul3A_61, %add3A_62 : i32
    "tpu.region"() ({
      %run_scoped3A = tpu.sem_alloc : memref<!tpu.dma_semaphore, #tpu.memory_space<semaphore_mem>>
      %dma_start3A_108 = arith.constant 0 : i32
      %dma_start3A_109 = tpu.memref_slice %arg12[%add3A_63, %dma_start3A_108] : memref<10240x128xf32, #tpu.memory_space<vmem_shared>> -> memref<128x128xf32, #tpu.memory_space<vmem_shared>>
      %dma_start3A_110 = arith.constant 0 : i32
      %dma_start3A_111 = tpu.memref_slice %arg12[%add3A_63, %dma_start3A_110] : memref<10240x128xf32, #tpu.memory_space<vmem_shared>> -> memref<128x128xf32, #tpu.memory_space<vmem_shared>>
      tpu.enqueue_dma source(%arg10 : memref<128x128xf32, #tpu.memory_space<vmem>>) target(%dma_start3A_111 : memref<128x128xf32, #tpu.memory_space<vmem_shared>>) target_semaphore(%run_scoped3A : memref<!tpu.dma_semaphore, #tpu.memory_space<semaphore_mem>>)
      %dma_wait3A_112 = arith.constant 0 : i32
      %dma_wait3A_113 = tpu.memref_slice %arg12[%add3A_63, %dma_wait3A_112] : memref<10240x128xf32, #tpu.memory_space<vmem_shared>> -> memref<128x128xf32, #tpu.memory_space<vmem_shared>>
      %dma_wait3A_114 = arith.constant 0 : i32
      %dma_wait3A_115 = tpu.memref_slice %arg12[%add3A_63, %dma_wait3A_114] : memref<10240x128xf32, #tpu.memory_space<vmem_shared>> -> memref<128x128xf32, #tpu.memory_space<vmem_shared>>
      tpu.wait_dma2 semaphore(%run_scoped3A : memref<!tpu.dma_semaphore, #tpu.memory_space<semaphore_mem>>) src(%arg10 : memref<128x128xf32, #tpu.memory_space<vmem>>) dst(%dma_wait3A_115 : memref<128x128xf32, #tpu.memory_space<vmem_shared>>)
      tpu.yield
    }) : () -> ()
    %mul3A_64 = arith.constant 640 : i32
    %mul3A_65 = arith.muli %arg1, %mul3A_64 : i32
    %add3A_66 = arith.constant 128 : i32
    %add3A_67 = arith.addi %mul3A_65, %add3A_66 : i32
    "tpu.region"() ({
      %run_scoped3A = tpu.sem_alloc : memref<!tpu.dma_semaphore, #tpu.memory_space<semaphore_mem>>
      %dma_start3A_108 = arith.constant 0 : i32
      %dma_start3A_109 = tpu.memref_slice %arg12[%add3A_67, %dma_start3A_108] : memref<10240x128xf32, #tpu.memory_space<vmem_shared>> -> memref<128x128xf32, #tpu.memory_space<vmem_shared>>
      %dma_start3A_110 = arith.constant 0 : i32
      %dma_start3A_111 = tpu.memref_slice %arg12[%add3A_67, %dma_start3A_110] : memref<10240x128xf32, #tpu.memory_space<vmem_shared>> -> memref<128x128xf32, #tpu.memory_space<vmem_shared>>
      tpu.enqueue_dma source(%arg10 : memref<128x128xf32, #tpu.memory_space<vmem>>) target(%dma_start3A_111 : memref<128x128xf32, #tpu.memory_space<vmem_shared>>) target_semaphore(%run_scoped3A : memref<!tpu.dma_semaphore, #tpu.memory_space<semaphore_mem>>)
      %dma_wait3A_112 = arith.constant 0 : i32
      %dma_wait3A_113 = tpu.memref_slice %arg12[%add3A_67, %dma_wait3A_112] : memref<10240x128xf32, #tpu.memory_space<vmem_shared>> -> memref<128x128xf32, #tpu.memory_space<vmem_shared>>
      %dma_wait3A_114 = arith.constant 0 : i32
      %dma_wait3A_115 = tpu.memref_slice %arg12[%add3A_67, %dma_wait3A_114] : memref<10240x128xf32, #tpu.memory_space<vmem_shared>> -> memref<128x128xf32, #tpu.memory_space<vmem_shared>>
      tpu.wait_dma2 semaphore(%run_scoped3A : memref<!tpu.dma_semaphore, #tpu.memory_space<semaphore_mem>>) src(%arg10 : memref<128x128xf32, #tpu.memory_space<vmem>>) dst(%dma_wait3A_115 : memref<128x128xf32, #tpu.memory_space<vmem_shared>>)
      tpu.yield
    }) : () -> ()
    %mul3A_68 = arith.constant 640 : i32
    %mul3A_69 = arith.muli %arg1, %mul3A_68 : i32
    %add3A_70 = arith.constant 256 : i32
    %add3A_71 = arith.addi %mul3A_69, %add3A_70 : i32
    "tpu.region"() ({
      %run_scoped3A = tpu.sem_alloc : memref<!tpu.dma_semaphore, #tpu.memory_space<semaphore_mem>>
      %dma_start3A_108 = arith.constant 0 : i32
      %dma_start3A_109 = tpu.memref_slice %arg12[%add3A_71, %dma_start3A_108] : memref<10240x128xf32, #tpu.memory_space<vmem_shared>> -> memref<128x128xf32, #tpu.memory_space<vmem_shared>>
      %dma_start3A_110 = arith.constant 0 : i32
      %dma_start3A_111 = tpu.memref_slice %arg12[%add3A_71, %dma_start3A_110] : memref<10240x128xf32, #tpu.memory_space<vmem_shared>> -> memref<128x128xf32, #tpu.memory_space<vmem_shared>>
      tpu.enqueue_dma source(%arg10 : memref<128x128xf32, #tpu.memory_space<vmem>>) target(%dma_start3A_111 : memref<128x128xf32, #tpu.memory_space<vmem_shared>>) target_semaphore(%run_scoped3A : memref<!tpu.dma_semaphore, #tpu.memory_space<semaphore_mem>>)
      %dma_wait3A_112 = arith.constant 0 : i32
      %dma_wait3A_113 = tpu.memref_slice %arg12[%add3A_71, %dma_wait3A_112] : memref<10240x128xf32, #tpu.memory_space<vmem_shared>> -> memref<128x128xf32, #tpu.memory_space<vmem_shared>>
      %dma_wait3A_114 = arith.constant 0 : i32
      %dma_wait3A_115 = tpu.memref_slice %arg12[%add3A_71, %dma_wait3A_114] : memref<10240x128xf32, #tpu.memory_space<vmem_shared>> -> memref<128x128xf32, #tpu.memory_space<vmem_shared>>
      tpu.wait_dma2 semaphore(%run_scoped3A : memref<!tpu.dma_semaphore, #tpu.memory_space<semaphore_mem>>) src(%arg10 : memref<128x128xf32, #tpu.memory_space<vmem>>) dst(%dma_wait3A_115 : memref<128x128xf32, #tpu.memory_space<vmem_shared>>)
      tpu.yield
    }) : () -> ()
    %mul3A_72 = arith.constant 640 : i32
    %mul3A_73 = arith.muli %arg1, %mul3A_72 : i32
    %add3A_74 = arith.constant 384 : i32
    %add3A_75 = arith.addi %mul3A_73, %add3A_74 : i32
    "tpu.region"() ({
      %run_scoped3A = tpu.sem_alloc : memref<!tpu.dma_semaphore, #tpu.memory_space<semaphore_mem>>
      %dma_start3A_108 = arith.constant 0 : i32
      %dma_start3A_109 = tpu.memref_slice %arg12[%add3A_75, %dma_start3A_108] : memref<10240x128xf32, #tpu.memory_space<vmem_shared>> -> memref<128x128xf32, #tpu.memory_space<vmem_shared>>
      %dma_start3A_110 = arith.constant 0 : i32
      %dma_start3A_111 = tpu.memref_slice %arg12[%add3A_75, %dma_start3A_110] : memref<10240x128xf32, #tpu.memory_space<vmem_shared>> -> memref<128x128xf32, #tpu.memory_space<vmem_shared>>
      tpu.enqueue_dma source(%arg10 : memref<128x128xf32, #tpu.memory_space<vmem>>) target(%dma_start3A_111 : memref<128x128xf32, #tpu.memory_space<vmem_shared>>) target_semaphore(%run_scoped3A : memref<!tpu.dma_semaphore, #tpu.memory_space<semaphore_mem>>)
      %dma_wait3A_112 = arith.constant 0 : i32
      %dma_wait3A_113 = tpu.memref_slice %arg12[%add3A_75, %dma_wait3A_112] : memref<10240x128xf32, #tpu.memory_space<vmem_shared>> -> memref<128x128xf32, #tpu.memory_space<vmem_shared>>
      %dma_wait3A_114 = arith.constant 0 : i32
      %dma_wait3A_115 = tpu.memref_slice %arg12[%add3A_75, %dma_wait3A_114] : memref<10240x128xf32, #tpu.memory_space<vmem_shared>> -> memref<128x128xf32, #tpu.memory_space<vmem_shared>>
      tpu.wait_dma2 semaphore(%run_scoped3A : memref<!tpu.dma_semaphore, #tpu.memory_space<semaphore_mem>>) src(%arg10 : memref<128x128xf32, #tpu.memory_space<vmem>>) dst(%dma_wait3A_115 : memref<128x128xf32, #tpu.memory_space<vmem_shared>>)
      tpu.yield
    }) : () -> ()
    %mul3A_76 = arith.constant 640 : i32
    %mul3A_77 = arith.muli %arg1, %mul3A_76 : i32
    %add3A_78 = arith.constant 512 : i32
    %add3A_79 = arith.addi %mul3A_77, %add3A_78 : i32
    "tpu.region"() ({
      %run_scoped3A = tpu.sem_alloc : memref<!tpu.dma_semaphore, #tpu.memory_space<semaphore_mem>>
      %dma_start3A_108 = arith.constant 0 : i32
      %dma_start3A_109 = tpu.memref_slice %arg12[%add3A_79, %dma_start3A_108] : memref<10240x128xf32, #tpu.memory_space<vmem_shared>> -> memref<128x128xf32, #tpu.memory_space<vmem_shared>>
      %dma_start3A_110 = arith.constant 0 : i32
      %dma_start3A_111 = tpu.memref_slice %arg12[%add3A_79, %dma_start3A_110] : memref<10240x128xf32, #tpu.memory_space<vmem_shared>> -> memref<128x128xf32, #tpu.memory_space<vmem_shared>>
      tpu.enqueue_dma source(%arg10 : memref<128x128xf32, #tpu.memory_space<vmem>>) target(%dma_start3A_111 : memref<128x128xf32, #tpu.memory_space<vmem_shared>>) target_semaphore(%run_scoped3A : memref<!tpu.dma_semaphore, #tpu.memory_space<semaphore_mem>>)
      %dma_wait3A_112 = arith.constant 0 : i32
      %dma_wait3A_113 = tpu.memref_slice %arg12[%add3A_79, %dma_wait3A_112] : memref<10240x128xf32, #tpu.memory_space<vmem_shared>> -> memref<128x128xf32, #tpu.memory_space<vmem_shared>>
      %dma_wait3A_114 = arith.constant 0 : i32
      %dma_wait3A_115 = tpu.memref_slice %arg12[%add3A_79, %dma_wait3A_114] : memref<10240x128xf32, #tpu.memory_space<vmem_shared>> -> memref<128x128xf32, #tpu.memory_space<vmem_shared>>
      tpu.wait_dma2 semaphore(%run_scoped3A : memref<!tpu.dma_semaphore, #tpu.memory_space<semaphore_mem>>) src(%arg10 : memref<128x128xf32, #tpu.memory_space<vmem>>) dst(%dma_wait3A_115 : memref<128x128xf32, #tpu.memory_space<vmem_shared>>)
      tpu.yield
    }) : () -> ()
    %dma_start3A_80 = arith.constant 0 : i32
    %dma_start3A_81 = arith.constant 0 : i32
    %dma_start3A_82 = tpu.memref_slice %arg8[%dma_start3A_80, %dma_start3A_81] : memref<80x128xi32, #tpu.memory_space<vmem>> -> memref<1x128xi32, #tpu.memory_space<vmem>>
    %dma_start3A_83 = tpu.memref_squeeze %dma_start3A_82 : memref<1x128xi32, #tpu.memory_space<vmem>> -> memref<128xi32, #tpu.memory_space<vmem>>
    %dma_start3A_84 = arith.constant 0 : i32
    %dma_start3A_85 = arith.constant 0 : i32
    %dma_start3A_86 = tpu.memref_slice %arg3[%dma_start3A_84, %dma_start3A_85] : memref<10240x128xf32, #tpu.memory_space<hbm>> -> memref<10240x128xf32, #tpu.memory_space<hbm>>
    tpu.enqueue_indirect_dma source(%dma_start3A_86 : memref<10240x128xf32, #tpu.memory_space<hbm>>) target(%arg10 : memref<128x128xf32, #tpu.memory_space<vmem>>) offsets(%dma_start3A_83 : memref<128xi32, #tpu.memory_space<vmem>>) semaphore(%arg13 : memref<!tpu.dma_semaphore, #tpu.memory_space<semaphore_mem>>)
    %barrier3A_87 = arith.constant 0 : index
    tpu.barrier barrier_id(%barrier3A_87)
    %scan3A_88 = arith.constant 0 : i32
    %scan3A_89 = arith.constant 0 : i32
    %scan3A_90 = arith.constant 5 : i32
    %scan3A_91 = arith.addi %scan3A_89, %scan3A_90 : i32
    %scan3A_92 = arith.constant 1 : i32
    %scan3A_93 = scf.for %scan3A_108 = %scan3A_89 to %scan3A_91 step %scan3A_92 iter_args(%scan3A_109 = %scan3A_88) -> (i32)  : i32 {
      %jit3A = arith.constant 2 : i32
      %eq3A = arith.constant 0 : i32
      %eq3A_110 = arith.cmpi eq, %jit3A, %eq3A : i32
      %jit3A_111 = arith.constant 1 : i32
      %select_n3A = arith.select %eq3A_110, %jit3A_111, %jit3A : i32
      %rem3A = arith.remsi %scan3A_108, %select_n3A : i32
      %ne3A = arith.constant 0 : i32
      %ne3A_112 = arith.cmpi ne, %rem3A, %ne3A : i32
      %lt3A = arith.constant 0 : i32
      %lt3A_113 = arith.cmpi slt, %rem3A, %lt3A : i32
      %lt3A_114 = arith.constant 0 : i32
      %lt3A_115 = arith.cmpi slt, %select_n3A, %lt3A_114 : i32
      %ne3A_116 = arith.xori %lt3A_113, %lt3A_115 : i1
      %and3A = arith.andi %ne3A_116, %ne3A_112 : i1
      %add3A_117 = arith.addi %rem3A, %select_n3A : i32
      %select_n3A_118 = arith.select %and3A, %add3A_117, %rem3A : i32
      %mul3A_119 = arith.constant 16 : i32
      %mul3A_120 = arith.muli %scan3A_108, %mul3A_119 : i32
      "tpu.region"() ({
        %run_scoped3A = tpu.sem_alloc : memref<!tpu.dma_semaphore, #tpu.memory_space<semaphore_mem>>
        %dma_start3A_129 = arith.constant 0 : i32
        %dma_start3A_130 = arith.constant 0 : i32
        %dma_start3A_131 = tpu.memref_slice %arg9[%select_n3A_118, %dma_start3A_129, %dma_start3A_130] : memref<2x16x128xi32, #tpu.memory_space<vmem>> -> memref<1x16x128xi32, #tpu.memory_space<vmem>>
        %dma_start3A_132 = tpu.memref_squeeze %dma_start3A_131 : memref<1x16x128xi32, #tpu.memory_space<vmem>> -> memref<16x128xi32, #tpu.memory_space<vmem>>
        %dma_start3A_133 = arith.constant 0 : i32
        %dma_start3A_134 = tpu.memref_slice %arg5[%add3A, %mul3A_120, %dma_start3A_133] : memref<32x80x128xi32, #tpu.memory_space<hbm>> -> memref<1x16x128xi32, #tpu.memory_space<hbm>>
        %dma_start3A_135 = tpu.memref_squeeze %dma_start3A_134 : memref<1x16x128xi32, #tpu.memory_space<hbm>> -> memref<16x128xi32, #tpu.memory_space<hbm>>
        %dma_start3A_136 = arith.constant 0 : i32
        %dma_start3A_137 = arith.constant 0 : i32
        %dma_start3A_138 = tpu.memref_slice %arg9[%select_n3A_118, %dma_start3A_136, %dma_start3A_137] : memref<2x16x128xi32, #tpu.memory_space<vmem>> -> memref<1x16x128xi32, #tpu.memory_space<vmem>>
        %dma_start3A_139 = tpu.memref_squeeze %dma_start3A_138 : memref<1x16x128xi32, #tpu.memory_space<vmem>> -> memref<16x128xi32, #tpu.memory_space<vmem>>
        %dma_start3A_140 = arith.constant 0 : i32
        %dma_start3A_141 = tpu.memref_slice %arg5[%add3A, %mul3A_120, %dma_start3A_140] : memref<32x80x128xi32, #tpu.memory_space<hbm>> -> memref<1x16x128xi32, #tpu.memory_space<hbm>>
        %dma_start3A_142 = tpu.memref_squeeze %dma_start3A_141 : memref<1x16x128xi32, #tpu.memory_space<hbm>> -> memref<16x128xi32, #tpu.memory_space<hbm>>
        tpu.enqueue_dma source(%dma_start3A_142 : memref<16x128xi32, #tpu.memory_space<hbm>>) target(%dma_start3A_139 : memref<16x128xi32, #tpu.memory_space<vmem>>) target_semaphore(%run_scoped3A : memref<!tpu.dma_semaphore, #tpu.memory_space<semaphore_mem>>)
        %dma_wait3A_143 = arith.constant 0 : i32
        %dma_wait3A_144 = arith.constant 0 : i32
        %dma_wait3A_145 = tpu.memref_slice %arg9[%select_n3A_118, %dma_wait3A_143, %dma_wait3A_144] : memref<2x16x128xi32, #tpu.memory_space<vmem>> -> memref<1x16x128xi32, #tpu.memory_space<vmem>>
        %dma_wait3A_146 = tpu.memref_squeeze %dma_wait3A_145 : memref<1x16x128xi32, #tpu.memory_space<vmem>> -> memref<16x128xi32, #tpu.memory_space<vmem>>
        %dma_wait3A_147 = arith.constant 0 : i32
        %dma_wait3A_148 = tpu.memref_slice %arg5[%add3A, %mul3A_120, %dma_wait3A_147] : memref<32x80x128xi32, #tpu.memory_space<hbm>> -> memref<1x16x128xi32, #tpu.memory_space<hbm>>
        %dma_wait3A_149 = tpu.memref_squeeze %dma_wait3A_148 : memref<1x16x128xi32, #tpu.memory_space<hbm>> -> memref<16x128xi32, #tpu.memory_space<hbm>>
        %dma_wait3A_150 = arith.constant 0 : i32
        %dma_wait3A_151 = arith.constant 0 : i32
        %dma_wait3A_152 = tpu.memref_slice %arg9[%select_n3A_118, %dma_wait3A_150, %dma_wait3A_151] : memref<2x16x128xi32, #tpu.memory_space<vmem>> -> memref<1x16x128xi32, #tpu.memory_space<vmem>>
        %dma_wait3A_153 = tpu.memref_squeeze %dma_wait3A_152 : memref<1x16x128xi32, #tpu.memory_space<vmem>> -> memref<16x128xi32, #tpu.memory_space<vmem>>
        %dma_wait3A_154 = arith.constant 0 : i32
        %dma_wait3A_155 = tpu.memref_slice %arg5[%add3A, %mul3A_120, %dma_wait3A_154] : memref<32x80x128xi32, #tpu.memory_space<hbm>> -> memref<1x16x128xi32, #tpu.memory_space<hbm>>
        %dma_wait3A_156 = tpu.memref_squeeze %dma_wait3A_155 : memref<1x16x128xi32, #tpu.memory_space<hbm>> -> memref<16x128xi32, #tpu.memory_space<hbm>>
        tpu.wait_dma2 semaphore(%run_scoped3A : memref<!tpu.dma_semaphore, #tpu.memory_space<semaphore_mem>>) src(%dma_wait3A_156 : memref<16x128xi32, #tpu.memory_space<hbm>>) dst(%dma_wait3A_153 : memref<16x128xi32, #tpu.memory_space<vmem>>)
        tpu.yield
      }) : () -> ()
      %scan3A_121 = arith.constant 0 : i32
      %scan3A_122 = arith.constant 0 : i32
      %scan3A_123 = arith.constant 8 : i32
      %scan3A_124 = arith.addi %scan3A_122, %scan3A_123 : i32
      %scan3A_125 = arith.constant 1 : i32
      %scan3A_126 = scf.for %scan3A_129 = %scan3A_122 to %scan3A_124 step %scan3A_125 iter_args(%scan3A_130 = %scan3A_121) -> (i32)  : i32 {
        %mul3A_131 = arith.constant 16 : i32
        %mul3A_132 = arith.muli %scan3A_108, %mul3A_131 : i32
        %mul3A_133 = arith.constant 2 : i32
        %mul3A_134 = arith.muli %mul3A_133, %scan3A_129 : i32
        %add3A_135 = arith.addi %mul3A_132, %mul3A_134 : i32
        %add3A_136 = arith.constant 1 : i32
        %add3A_137 = arith.addi %add3A_135, %add3A_136 : i32
        %dma_wait3A_138 = arith.constant 0 : i32
        %dma_wait3A_139 = tpu.memref_slice %arg8[%add3A_135, %dma_wait3A_138] : memref<80x128xi32, #tpu.memory_space<vmem>> -> memref<1x128xi32, #tpu.memory_space<vmem>>
        %dma_wait3A_140 = tpu.memref_squeeze %dma_wait3A_139 : memref<1x128xi32, #tpu.memory_space<vmem>> -> memref<128xi32, #tpu.memory_space<vmem>>
        %dma_wait3A_141 = arith.constant 0 : i32
        %dma_wait3A_142 = arith.constant 0 : i32
        %dma_wait3A_143 = tpu.memref_slice %arg3[%dma_wait3A_141, %dma_wait3A_142] : memref<10240x128xf32, #tpu.memory_space<hbm>> -> memref<10240x128xf32, #tpu.memory_space<hbm>>
        tpu.wait_indirect_dma semaphore(%arg13 : memref<!tpu.dma_semaphore, #tpu.memory_space<semaphore_mem>>) src(%dma_wait3A_143 : memref<10240x128xf32, #tpu.memory_space<hbm>>) dst(%arg10 : memref<128x128xf32, #tpu.memory_space<vmem>>)
        %mul3A_144 = arith.constant 2 : i32
        %mul3A_145 = arith.muli %mul3A_144, %scan3A_129 : i32
        %dma_start3A_146 = arith.constant 0 : i32
        %dma_start3A_147 = tpu.memref_slice %arg9[%select_n3A_118, %mul3A_145, %dma_start3A_146] : memref<2x16x128xi32, #tpu.memory_space<vmem>> -> memref<1x1x128xi32, #tpu.memory_space<vmem>>
        %dma_start3A_148 = tpu.memref_squeeze %dma_start3A_147 : memref<1x1x128xi32, #tpu.memory_space<vmem>> -> memref<128xi32, #tpu.memory_space<vmem>>
        %dma_start3A_149 = arith.constant 0 : i32
        %dma_start3A_150 = arith.constant 0 : i32
        %dma_start3A_151 = tpu.memref_slice %arg12[%dma_start3A_149, %dma_start3A_150] : memref<10240x128xf32, #tpu.memory_space<vmem_shared>> -> memref<10240x128xf32, #tpu.memory_space<vmem_shared>>
        tpu.enqueue_indirect_dma source(%arg10 : memref<128x128xf32, #tpu.memory_space<vmem>>) target(%dma_start3A_151 : memref<10240x128xf32, #tpu.memory_space<vmem_shared>>) offsets(%dma_start3A_148 : memref<128xi32, #tpu.memory_space<vmem>>) semaphore(%arg15 : memref<!tpu.dma_semaphore, #tpu.memory_space<semaphore_mem>>) {add = true}
        %gt3A = arith.constant 0 : i32
        %gt3A_152 = arith.cmpi sgt, %add3A_135, %gt3A : i32
        %convert_element_type3A = arith.extui %gt3A_152 : i1 to i32
        %cond3A = arith.constant 0 : i32
        %cond3A_153 = arith.cmpi ne, %convert_element_type3A, %cond3A : i32
        scf.if %cond3A_153 {
          %mul3A_192 = arith.constant 2 : i32
          %mul3A_193 = arith.muli %mul3A_192, %scan3A_129 : i32
          %dma_wait3A_194 = arith.constant 0 : i32
          %dma_wait3A_195 = tpu.memref_slice %arg9[%select_n3A_118, %mul3A_193, %dma_wait3A_194] : memref<2x16x128xi32, #tpu.memory_space<vmem>> -> memref<1x1x128xi32, #tpu.memory_space<vmem>>
          %dma_wait3A_196 = tpu.memref_squeeze %dma_wait3A_195 : memref<1x1x128xi32, #tpu.memory_space<vmem>> -> memref<128xi32, #tpu.memory_space<vmem>>
          %dma_wait3A_197 = arith.constant 0 : i32
          %dma_wait3A_198 = arith.constant 0 : i32
          %dma_wait3A_199 = tpu.memref_slice %arg12[%dma_wait3A_197, %dma_wait3A_198] : memref<10240x128xf32, #tpu.memory_space<vmem_shared>> -> memref<10240x128xf32, #tpu.memory_space<vmem_shared>>
          tpu.wait_indirect_dma semaphore(%arg16 : memref<!tpu.dma_semaphore, #tpu.memory_space<semaphore_mem>>) src(%arg11 : memref<128x128xf32, #tpu.memory_space<vmem>>) dst(%dma_wait3A_199 : memref<10240x128xf32, #tpu.memory_space<vmem_shared>>)
        } else {
        }
        %dma_start3A_154 = arith.constant 0 : i32
        %dma_start3A_155 = tpu.memref_slice %arg8[%add3A_137, %dma_start3A_154] : memref<80x128xi32, #tpu.memory_space<vmem>> -> memref<1x128xi32, #tpu.memory_space<vmem>>
        %dma_start3A_156 = tpu.memref_squeeze %dma_start3A_155 : memref<1x128xi32, #tpu.memory_space<vmem>> -> memref<128xi32, #tpu.memory_space<vmem>>
        %dma_start3A_157 = arith.constant 0 : i32
        %dma_start3A_158 = arith.constant 0 : i32
        %dma_start3A_159 = tpu.memref_slice %arg3[%dma_start3A_157, %dma_start3A_158] : memref<10240x128xf32, #tpu.memory_space<hbm>> -> memref<10240x128xf32, #tpu.memory_space<hbm>>
        tpu.enqueue_indirect_dma source(%dma_start3A_159 : memref<10240x128xf32, #tpu.memory_space<hbm>>) target(%arg11 : memref<128x128xf32, #tpu.memory_space<vmem>>) offsets(%dma_start3A_156 : memref<128xi32, #tpu.memory_space<vmem>>) semaphore(%arg14 : memref<!tpu.dma_semaphore, #tpu.memory_space<semaphore_mem>>)
        %dma_wait3A_160 = arith.constant 0 : i32
        %dma_wait3A_161 = tpu.memref_slice %arg8[%add3A_137, %dma_wait3A_160] : memref<80x128xi32, #tpu.memory_space<vmem>> -> memref<1x128xi32, #tpu.memory_space<vmem>>
        %dma_wait3A_162 = tpu.memref_squeeze %dma_wait3A_161 : memref<1x128xi32, #tpu.memory_space<vmem>> -> memref<128xi32, #tpu.memory_space<vmem>>
        %dma_wait3A_163 = arith.constant 0 : i32
        %dma_wait3A_164 = arith.constant 0 : i32
        %dma_wait3A_165 = tpu.memref_slice %arg3[%dma_wait3A_163, %dma_wait3A_164] : memref<10240x128xf32, #tpu.memory_space<hbm>> -> memref<10240x128xf32, #tpu.memory_space<hbm>>
        tpu.wait_indirect_dma semaphore(%arg14 : memref<!tpu.dma_semaphore, #tpu.memory_space<semaphore_mem>>) src(%dma_wait3A_165 : memref<10240x128xf32, #tpu.memory_space<hbm>>) dst(%arg11 : memref<128x128xf32, #tpu.memory_space<vmem>>)
        %mul3A_166 = arith.constant 2 : i32
        %mul3A_167 = arith.muli %mul3A_166, %scan3A_129 : i32
        %add3A_168 = arith.constant 1 : i32
        %add3A_169 = arith.addi %mul3A_167, %add3A_168 : i32
        %dma_start3A_170 = arith.constant 0 : i32
        %dma_start3A_171 = tpu.memref_slice %arg9[%select_n3A_118, %add3A_169, %dma_start3A_170] : memref<2x16x128xi32, #tpu.memory_space<vmem>> -> memref<1x1x128xi32, #tpu.memory_space<vmem>>
        %dma_start3A_172 = tpu.memref_squeeze %dma_start3A_171 : memref<1x1x128xi32, #tpu.memory_space<vmem>> -> memref<128xi32, #tpu.memory_space<vmem>>
        %dma_start3A_173 = arith.constant 0 : i32
        %dma_start3A_174 = arith.constant 0 : i32
        %dma_start3A_175 = tpu.memref_slice %arg12[%dma_start3A_173, %dma_start3A_174] : memref<10240x128xf32, #tpu.memory_space<vmem_shared>> -> memref<10240x128xf32, #tpu.memory_space<vmem_shared>>
        tpu.enqueue_indirect_dma source(%arg11 : memref<128x128xf32, #tpu.memory_space<vmem>>) target(%dma_start3A_175 : memref<10240x128xf32, #tpu.memory_space<vmem_shared>>) offsets(%dma_start3A_172 : memref<128xi32, #tpu.memory_space<vmem>>) semaphore(%arg16 : memref<!tpu.dma_semaphore, #tpu.memory_space<semaphore_mem>>) {add = true}
        %mul3A_176 = arith.constant 2 : i32
        %mul3A_177 = arith.muli %mul3A_176, %scan3A_129 : i32
        %dma_wait3A_178 = arith.constant 0 : i32
        %dma_wait3A_179 = tpu.memref_slice %arg9[%select_n3A_118, %mul3A_177, %dma_wait3A_178] : memref<2x16x128xi32, #tpu.memory_space<vmem>> -> memref<1x1x128xi32, #tpu.memory_space<vmem>>
        %dma_wait3A_180 = tpu.memref_squeeze %dma_wait3A_179 : memref<1x1x128xi32, #tpu.memory_space<vmem>> -> memref<128xi32, #tpu.memory_space<vmem>>
        %dma_wait3A_181 = arith.constant 0 : i32
        %dma_wait3A_182 = arith.constant 0 : i32
        %dma_wait3A_183 = tpu.memref_slice %arg12[%dma_wait3A_181, %dma_wait3A_182] : memref<10240x128xf32, #tpu.memory_space<vmem_shared>> -> memref<10240x128xf32, #tpu.memory_space<vmem_shared>>
        tpu.wait_indirect_dma semaphore(%arg15 : memref<!tpu.dma_semaphore, #tpu.memory_space<semaphore_mem>>) src(%arg10 : memref<128x128xf32, #tpu.memory_space<vmem>>) dst(%dma_wait3A_183 : memref<10240x128xf32, #tpu.memory_space<vmem_shared>>)
        %add3A_184 = arith.constant 1 : i32
        %add3A_185 = arith.addi %add3A_137, %add3A_184 : i32
        %lt3A_186 = arith.constant 80 : i32
        %lt3A_187 = arith.cmpi slt, %add3A_185, %lt3A_186 : i32
        %convert_element_type3A_188 = arith.extui %lt3A_187 : i1 to i32
        %cond3A_189 = arith.constant 0 : i32
        %cond3A_190 = arith.cmpi ne, %convert_element_type3A_188, %cond3A_189 : i32
        scf.if %cond3A_190 {
          %add3A_192 = arith.constant 1 : i32
          %add3A_193 = arith.addi %add3A_137, %add3A_192 : i32
          %dma_start3A_194 = arith.constant 0 : i32
          %dma_start3A_195 = tpu.memref_slice %arg8[%add3A_193, %dma_start3A_194] : memref<80x128xi32, #tpu.memory_space<vmem>> -> memref<1x128xi32, #tpu.memory_space<vmem>>
          %dma_start3A_196 = tpu.memref_squeeze %dma_start3A_195 : memref<1x128xi32, #tpu.memory_space<vmem>> -> memref<128xi32, #tpu.memory_space<vmem>>
          %dma_start3A_197 = arith.constant 0 : i32
          %dma_start3A_198 = arith.constant 0 : i32
          %dma_start3A_199 = tpu.memref_slice %arg3[%dma_start3A_197, %dma_start3A_198] : memref<10240x128xf32, #tpu.memory_space<hbm>> -> memref<10240x128xf32, #tpu.memory_space<hbm>>
          tpu.enqueue_indirect_dma source(%dma_start3A_199 : memref<10240x128xf32, #tpu.memory_space<hbm>>) target(%arg10 : memref<128x128xf32, #tpu.memory_space<vmem>>) offsets(%dma_start3A_196 : memref<128xi32, #tpu.memory_space<vmem>>) semaphore(%arg13 : memref<!tpu.dma_semaphore, #tpu.memory_space<semaphore_mem>>)
        } else {
        }
        %scan3A_191 = arith.constant 0 : i32
        scf.yield %scan3A_191 : i32
      }
      %scan3A_127 = arith.constant 8 : i32
      %scan3A_128 = arith.constant 0 : i32
      scf.yield %scan3A_128 : i32
    }
    %scan3A_94 = arith.constant 5 : i32
    %dma_wait3A_95 = arith.constant 0 : i32
    %dma_wait3A_96 = arith.constant 0 : i32
    %dma_wait3A_97 = arith.constant 0 : i32
    %dma_wait3A_98 = tpu.memref_slice %arg9[%dma_wait3A_95, %dma_wait3A_96, %dma_wait3A_97] : memref<2x16x128xi32, #tpu.memory_space<vmem>> -> memref<1x1x128xi32, #tpu.memory_space<vmem>>
    %dma_wait3A_99 = tpu.memref_squeeze %dma_wait3A_98 : memref<1x1x128xi32, #tpu.memory_space<vmem>> -> memref<128xi32, #tpu.memory_space<vmem>>
    %dma_wait3A_100 = arith.constant 0 : i32
    %dma_wait3A_101 = arith.constant 0 : i32
    %dma_wait3A_102 = tpu.memref_slice %arg12[%dma_wait3A_100, %dma_wait3A_101] : memref<10240x128xf32, #tpu.memory_space<vmem_shared>> -> memref<10240x128xf32, #tpu.memory_space<vmem_shared>>
    tpu.wait_indirect_dma semaphore(%arg16 : memref<!tpu.dma_semaphore, #tpu.memory_space<semaphore_mem>>) src(%arg11 : memref<128x128xf32, #tpu.memory_space<vmem>>) dst(%dma_wait3A_102 : memref<10240x128xf32, #tpu.memory_space<vmem_shared>>)
    %barrier3A_103 = arith.constant 0 : index
    tpu.barrier barrier_id(%barrier3A_103)
    %mul3A_104 = arith.constant 640 : i32
    %mul3A_105 = arith.muli %arg1, %mul3A_104 : i32
    %mul3A_106 = arith.constant 640 : i32
    %mul3A_107 = arith.muli %arg1, %mul3A_106 : i32
    "tpu.region"() ({
      %run_scoped3A = tpu.sem_alloc : memref<!tpu.dma_semaphore, #tpu.memory_space<semaphore_mem>>
      %dma_start3A_108 = arith.constant 0 : i32
      %dma_start3A_109 = tpu.memref_slice %arg7[%arg0, %mul3A_107, %dma_start3A_108] : memref<2x10240x128xf32, #tpu.memory_space<hbm>> -> memref<1x640x128xf32, #tpu.memory_space<hbm>>
      %dma_start3A_110 = tpu.memref_squeeze %dma_start3A_109 : memref<1x640x128xf32, #tpu.memory_space<hbm>> -> memref<640x128xf32, #tpu.memory_space<hbm>>
      %dma_start3A_111 = arith.constant 0 : i32
      %dma_start3A_112 = tpu.memref_slice %arg12[%mul3A_105, %dma_start3A_111] : memref<10240x128xf32, #tpu.memory_space<vmem_shared>> -> memref<640x128xf32, #tpu.memory_space<vmem_shared>>
      tpu.enqueue_dma source(%dma_start3A_112 : memref<640x128xf32, #tpu.memory_space<vmem_shared>>) target(%dma_start3A_110 : memref<640x128xf32, #tpu.memory_space<hbm>>) target_semaphore(%run_scoped3A : memref<!tpu.dma_semaphore, #tpu.memory_space<semaphore_mem>>)
      %dma_wait3A_113 = arith.constant 0 : i32
      %dma_wait3A_114 = tpu.memref_slice %arg7[%arg0, %mul3A_107, %dma_wait3A_113] : memref<2x10240x128xf32, #tpu.memory_space<hbm>> -> memref<1x640x128xf32, #tpu.memory_space<hbm>>
      %dma_wait3A_115 = tpu.memref_squeeze %dma_wait3A_114 : memref<1x640x128xf32, #tpu.memory_space<hbm>> -> memref<640x128xf32, #tpu.memory_space<hbm>>
      %dma_wait3A_116 = arith.constant 0 : i32
      %dma_wait3A_117 = tpu.memref_slice %arg12[%mul3A_105, %dma_wait3A_116] : memref<10240x128xf32, #tpu.memory_space<vmem_shared>> -> memref<640x128xf32, #tpu.memory_space<vmem_shared>>
      tpu.wait_dma2 semaphore(%run_scoped3A : memref<!tpu.dma_semaphore, #tpu.memory_space<semaphore_mem>>) src(%dma_wait3A_117 : memref<640x128xf32, #tpu.memory_space<vmem_shared>>) dst(%dma_wait3A_115 : memref<640x128xf32, #tpu.memory_space<hbm>>)
      tpu.yield
    }) : () -> ()
    return
  }
}

module attributes {stable_mosaic.version = 14 : i64} {
  func.func @_mm1_body(%arg0: i32, %arg1: memref<1024x128xf32, #tpu.memory_space<vmem>>, %arg2: memref<128x256xf32, #tpu.memory_space<vmem>>, %arg3: memref<1024x256xf32, #tpu.memory_space<vmem>>) attributes {dimension_semantics = [#tpu.dimension_semantics<arbitrary>], iteration_bounds = array<i64: 10>, scalar_prefetch = 0 : i64, scratch_operands = 0 : i64, tpu.core_type = #tpu.core_type<tc>, window_params = [{transform_indices = @transform_0, window_bounds = array<i64: 1024, 128>}, {pipeline_mode = #tpu.pipeline_mode<synchronous>, transform_indices = @transform_1, window_bounds = array<i64: 128, 256>}, {transform_indices = @transform_2, window_bounds = array<i64: 1024, 256>}]} {
    %get3A = arith.constant 0 : index
    %get3A_0 = arith.constant 0 : index
    %get3A_1 = vector.load %arg1[%get3A, %get3A_0] : memref<1024x128xf32, #tpu.memory_space<vmem>>, vector<1024x128xf32>
    %get3A_2 = arith.constant 0 : index
    %get3A_3 = arith.constant 0 : index
    %get3A_4 = vector.load %arg2[%get3A_2, %get3A_3] : memref<128x256xf32, #tpu.memory_space<vmem>>, vector<128x256xf32>
    %dot_general3A = arith.constant dense<0.000000e+00> : vector<1024x256xf32>
    %dot_general3A_5 = tpu.matmul %get3A_1, %get3A_4, %dot_general3A {dimension_numbers = #tpu.dot_dimension_numbers<[1], [0], [0], [1], [0, 0, 1, 1], [], []>, transpose_lhs_hint = false} : vector<1024x128xf32>, vector<128x256xf32>, vector<1024x256xf32> -> vector<1024x256xf32>
    %swap3A = arith.constant 0 : index
    %swap3A_6 = arith.constant 0 : index
    %swap3A_7 = vector.load %arg3[%swap3A, %swap3A_6] : memref<1024x256xf32, #tpu.memory_space<vmem>>, vector<1024x256xf32>
    tpu.vector_store %arg3[%swap3A, %swap3A_6], %dot_general3A_5 {strides = array<i32>} : memref<1024x256xf32, #tpu.memory_space<vmem>>, vector<1024x256xf32>,
    return
  }
  func.func @transform_0(%arg0: i32) -> (i32, i32) {
    %c0_i32 = arith.constant 0 : i32
    %c0_i32_0 = arith.constant 0 : i32
    return %arg0, %c0_i32 : i32, i32
  }
  func.func @transform_1(%arg0: i32) -> (i32, i32) {
    %c0_i32 = arith.constant 0 : i32
    %c0_i32_0 = arith.constant 0 : i32
    %c0_i32_1 = arith.constant 0 : i32
    return %c0_i32, %c0_i32_0 : i32, i32
  }
  func.func @transform_2(%arg0: i32) -> (i32, i32) {
    %c0_i32 = arith.constant 0 : i32
    %c0_i32_0 = arith.constant 0 : i32
    return %arg0, %c0_i32 : i32, i32
  }
}

module attributes {stable_mosaic.version = 14 : i64} {
  func.func @_prep_body(%arg0: i32, %arg1: memref<2x1024x128xf32, #tpu.memory_space<vmem>>, %arg2: memref<1024x256xf32, #tpu.memory_space<vmem>>, %arg3: memref<1024x1xf32, #tpu.memory_space<vmem>>, %arg4: memref<1024x128xf32, #tpu.memory_space<vmem>>, %arg5: memref<1024x128xf32, #tpu.memory_space<vmem>>) attributes {dimension_semantics = [#tpu.dimension_semantics<arbitrary>], iteration_bounds = array<i64: 10>, scalar_prefetch = 0 : i64, scratch_operands = 0 : i64, tpu.core_type = #tpu.core_type<tc>, window_params = [{transform_indices = @transform_0, window_bounds = array<i64: 2, 1024, 128>}, {transform_indices = @transform_1, window_bounds = array<i64: 1024, 256>}, {transform_indices = @transform_2, window_bounds = array<i64: 1024, 1>}, {transform_indices = @transform_3, window_bounds = array<i64: 1024, 128>}, {transform_indices = @transform_4, window_bounds = array<i64: 1024, 128>}]} {
    %get3A = arith.constant 0 : index
    %get3A_0 = arith.constant 0 : index
    %get3A_1 = arith.constant 0 : index
    %get3A_2 = vector.load %arg1[%get3A, %get3A_0, %get3A_1] : memref<2x1024x128xf32, #tpu.memory_space<vmem>>, vector<1x1024x128xf32>
    %get3A_3 = vector.shape_cast %get3A_2 : vector<1x1024x128xf32> to vector<1024x128xf32>
    %slice3A = vector.extract_strided_slice %get3A_3 {offsets = [0, 0], sizes = [1024, 1], strides = [1, 1]} : vector<1024x128xf32> to vector<1024x1xf32>
    %get3A_4 = arith.constant 1 : index
    %get3A_5 = arith.constant 0 : index
    %get3A_6 = arith.constant 0 : index
    %get3A_7 = vector.load %arg1[%get3A_4, %get3A_5, %get3A_6] : memref<2x1024x128xf32, #tpu.memory_space<vmem>>, vector<1x1024x128xf32>
    %get3A_8 = vector.shape_cast %get3A_7 : vector<1x1024x128xf32> to vector<1024x128xf32>
    %slice3A_9 = vector.extract_strided_slice %get3A_8 {offsets = [0, 0], sizes = [1024, 1], strides = [1, 1]} : vector<1024x128xf32> to vector<1024x1xf32>
    %add3A = arith.addf %slice3A, %slice3A_9 : vector<1024x1xf32>
    %add3A_10 = arith.constant 1.000000e+00 : f32
    %add3A_11 = vector.broadcast %add3A_10 : f32 to vector<1024x1xf32>
    %add3A_12 = arith.addf %add3A, %add3A_11 : vector<1024x1xf32>
    %sqrt3A = math.sqrt %add3A_12 : vector<1024x1xf32>
    %div3A = arith.constant 1.000000e+00 : f32
    %div3A_13 = vector.broadcast %div3A : f32 to vector<1024x1xf32>
    %div3A_14 = arith.divf %div3A_13, %sqrt3A : vector<1024x1xf32>
    %swap3A = arith.constant 0 : index
    %swap3A_15 = arith.constant 0 : index
    %swap3A_16 = vector.load %arg3[%swap3A, %swap3A_15] : memref<1024x1xf32, #tpu.memory_space<vmem>>, vector<1024x1xf32>
    tpu.vector_store %arg3[%swap3A, %swap3A_15], %div3A_14 {strides = array<i32>} : memref<1024x1xf32, #tpu.memory_space<vmem>>, vector<1024x1xf32>,
    %get3A_17 = arith.constant 0 : index
    %get3A_18 = arith.constant 0 : index
    %get3A_19 = vector.load %arg2[%get3A_17, %get3A_18] : memref<1024x256xf32, #tpu.memory_space<vmem>>, vector<1024x256xf32>
    %mul3A = vector.broadcast %div3A_14 : vector<1024x1xf32> to vector<1024x256xf32>
    %mul3A_20 = arith.mulf %get3A_19, %mul3A : vector<1024x256xf32>
    %slice3A_21 = vector.extract_strided_slice %mul3A_20 {offsets = [0, 0], sizes = [1024, 128], strides = [1, 1]} : vector<1024x256xf32> to vector<1024x128xf32>
    %swap3A_22 = arith.constant 0 : index
    %swap3A_23 = arith.constant 0 : index
    %swap3A_24 = vector.load %arg4[%swap3A_22, %swap3A_23] : memref<1024x128xf32, #tpu.memory_space<vmem>>, vector<1024x128xf32>
    tpu.vector_store %arg4[%swap3A_22, %swap3A_23], %slice3A_21 {strides = array<i32>} : memref<1024x128xf32, #tpu.memory_space<vmem>>, vector<1024x128xf32>,
    %slice3A_25 = vector.extract_strided_slice %mul3A_20 {offsets = [0, 128], sizes = [1024, 128], strides = [1, 1]} : vector<1024x256xf32> to vector<1024x128xf32>
    %swap3A_26 = arith.constant 0 : index
    %swap3A_27 = arith.constant 0 : index
    %swap3A_28 = vector.load %arg5[%swap3A_26, %swap3A_27] : memref<1024x128xf32, #tpu.memory_space<vmem>>, vector<1024x128xf32>
    tpu.vector_store %arg5[%swap3A_26, %swap3A_27], %slice3A_25 {strides = array<i32>} : memref<1024x128xf32, #tpu.memory_space<vmem>>, vector<1024x128xf32>,
    return
  }
  func.func @transform_0(%arg0: i32) -> (i32, i32, i32) {
    %c0_i32 = arith.constant 0 : i32
    %c0_i32_0 = arith.constant 0 : i32
    %c0_i32_1 = arith.constant 0 : i32
    return %c0_i32, %arg0, %c0_i32_0 : i32, i32, i32
  }
  func.func @transform_1(%arg0: i32) -> (i32, i32) {
    %c0_i32 = arith.constant 0 : i32
    %c0_i32_0 = arith.constant 0 : i32
    return %arg0, %c0_i32 : i32, i32
  }
  func.func @transform_2(%arg0: i32) -> (i32, i32) {
    %c0_i32 = arith.constant 0 : i32
    %c0_i32_0 = arith.constant 0 : i32
    return %arg0, %c0_i32 : i32, i32
  }
  func.func @transform_3(%arg0: i32) -> (i32, i32) {
    %c0_i32 = arith.constant 0 : i32
    %c0_i32_0 = arith.constant 0 : i32
    return %arg0, %c0_i32 : i32, i32
  }
  func.func @transform_4(%arg0: i32) -> (i32, i32) {
    %c0_i32 = arith.constant 0 : i32
    %c0_i32_0 = arith.constant 0 : i32
    return %arg0, %c0_i32 : i32, i32
  }
}

module attributes {stable_mosaic.version = 14 : i64} {
  func.func @_mid_body(%arg0: i32, %arg1: memref<2x1024x128xf32, #tpu.memory_space<vmem>>, %arg2: memref<2x1024x128xf32, #tpu.memory_space<vmem>>, %arg3: memref<1024x128xf32, #tpu.memory_space<vmem>>, %arg4: memref<1024x128xf32, #tpu.memory_space<vmem>>, %arg5: memref<1024x1xf32, #tpu.memory_space<vmem>>, %arg6: memref<1x256xf32, #tpu.memory_space<vmem>>, %arg7: memref<256x256xf32, #tpu.memory_space<vmem>>, %arg8: memref<1024x128xf32, #tpu.memory_space<vmem>>, %arg9: memref<1024x128xf32, #tpu.memory_space<vmem>>) attributes {dimension_semantics = [#tpu.dimension_semantics<arbitrary>], iteration_bounds = array<i64: 10>, scalar_prefetch = 0 : i64, scratch_operands = 0 : i64, tpu.core_type = #tpu.core_type<tc>, window_params = [{transform_indices = @transform_0, window_bounds = array<i64: 2, 1024, 128>}, {transform_indices = @transform_1, window_bounds = array<i64: 2, 1024, 128>}, {transform_indices = @transform_2, window_bounds = array<i64: 1024, 128>}, {transform_indices = @transform_3, window_bounds = array<i64: 1024, 128>}, {transform_indices = @transform_4, window_bounds = array<i64: 1024, 1>}, {pipeline_mode = #tpu.pipeline_mode<synchronous>, transform_indices = @transform_5, window_bounds = array<i64: 1, 256>}, {pipeline_mode = #tpu.pipeline_mode<synchronous>, transform_indices = @transform_6, window_bounds = array<i64: 256, 256>}, {transform_indices = @transform_7, window_bounds = array<i64: 1024, 128>}, {transform_indices = @transform_8, window_bounds = array<i64: 1024, 128>}]} {
    %get3A = arith.constant 0 : index
    %get3A_0 = arith.constant 0 : index
    %get3A_1 = arith.constant 0 : index
    %get3A_2 = vector.load %arg1[%get3A, %get3A_0, %get3A_1] : memref<2x1024x128xf32, #tpu.memory_space<vmem>>, vector<1x1024x128xf32>
    %get3A_3 = vector.shape_cast %get3A_2 : vector<1x1024x128xf32> to vector<1024x128xf32>
    %get3A_4 = arith.constant 1 : index
    %get3A_5 = arith.constant 0 : index
    %get3A_6 = arith.constant 0 : index
    %get3A_7 = vector.load %arg1[%get3A_4, %get3A_5, %get3A_6] : memref<2x1024x128xf32, #tpu.memory_space<vmem>>, vector<1x1024x128xf32>
    %get3A_8 = vector.shape_cast %get3A_7 : vector<1x1024x128xf32> to vector<1024x128xf32>
    %add3A = arith.addf %get3A_3, %get3A_8 : vector<1024x128xf32>
    %get3A_9 = arith.constant 0 : index
    %get3A_10 = arith.constant 0 : index
    %get3A_11 = vector.load %arg3[%get3A_9, %get3A_10] : memref<1024x128xf32, #tpu.memory_space<vmem>>, vector<1024x128xf32>
    %add3A_12 = arith.addf %add3A, %get3A_11 : vector<1024x128xf32>
    %get3A_13 = arith.constant 0 : index
    %get3A_14 = arith.constant 0 : index
    %get3A_15 = arith.constant 0 : index
    %get3A_16 = vector.load %arg2[%get3A_13, %get3A_14, %get3A_15] : memref<2x1024x128xf32, #tpu.memory_space<vmem>>, vector<1x1024x128xf32>
    %get3A_17 = vector.shape_cast %get3A_16 : vector<1x1024x128xf32> to vector<1024x128xf32>
    %get3A_18 = arith.constant 1 : index
    %get3A_19 = arith.constant 0 : index
    %get3A_20 = arith.constant 0 : index
    %get3A_21 = vector.load %arg2[%get3A_18, %get3A_19, %get3A_20] : memref<2x1024x128xf32, #tpu.memory_space<vmem>>, vector<1x1024x128xf32>
    %get3A_22 = vector.shape_cast %get3A_21 : vector<1x1024x128xf32> to vector<1024x128xf32>
    %add3A_23 = arith.addf %get3A_17, %get3A_22 : vector<1024x128xf32>
    %get3A_24 = arith.constant 0 : index
    %get3A_25 = arith.constant 0 : index
    %get3A_26 = vector.load %arg4[%get3A_24, %get3A_25] : memref<1024x128xf32, #tpu.memory_space<vmem>>, vector<1024x128xf32>
    %add3A_27 = arith.addf %add3A_23, %get3A_26 : vector<1024x128xf32>
    %concatenate3A = tpu.concatenate %add3A_12, %add3A_27 in 1 : vector<1024x128xf32>, vector<1024x128xf32> -> vector<1024x256xf32>
    %get3A_28 = arith.constant 0 : index
    %get3A_29 = arith.constant 0 : index
    %get3A_30 = vector.load %arg5[%get3A_28, %get3A_29] : memref<1024x1xf32, #tpu.memory_space<vmem>>, vector<1024x1xf32>
    %mul3A = vector.broadcast %get3A_30 : vector<1024x1xf32> to vector<1024x256xf32>
    %mul3A_31 = arith.mulf %concatenate3A, %mul3A : vector<1024x256xf32>
    %get3A_32 = arith.constant 0 : index
    %get3A_33 = arith.constant 0 : index
    %get3A_34 = vector.load %arg6[%get3A_32, %get3A_33] : memref<1x256xf32, #tpu.memory_space<vmem>>, vector<1x256xf32>
    %add3A_35 = vector.broadcast %get3A_34 : vector<1x256xf32> to vector<1024x256xf32>
    %add3A_36 = arith.addf %mul3A_31, %add3A_35 : vector<1024x256xf32>
    %max3A = arith.constant 0.000000e+00 : f32
    %max3A_37 = vector.broadcast %max3A : f32 to vector<1024x256xf32>
    %max3A_38 = arith.maximumf %add3A_36, %max3A_37 : vector<1024x256xf32>
    %get3A_39 = arith.constant 0 : index
    %get3A_40 = arith.constant 0 : index
    %get3A_41 = vector.load %arg7[%get3A_39, %get3A_40] : memref<256x256xf32, #tpu.memory_space<vmem>>, vector<256x256xf32>
    %dot_general3A = arith.constant dense<0.000000e+00> : vector<1024x256xf32>
    %dot_general3A_42 = tpu.matmul %max3A_38, %get3A_41, %dot_general3A {dimension_numbers = #tpu.dot_dimension_numbers<[1], [0], [0], [1], [0, 0, 1, 1], [], []>, transpose_lhs_hint = false} : vector<1024x256xf32>, vector<256x256xf32>, vector<1024x256xf32> -> vector<1024x256xf32>
    %get3A_43 = arith.constant 0 : index
    %get3A_44 = arith.constant 0 : index
    %get3A_45 = vector.load %arg5[%get3A_43, %get3A_44] : memref<1024x1xf32, #tpu.memory_space<vmem>>, vector<1024x1xf32>
    %mul3A_46 = vector.broadcast %get3A_45 : vector<1024x1xf32> to vector<1024x256xf32>
    %mul3A_47 = arith.mulf %dot_general3A_42, %mul3A_46 : vector<1024x256xf32>
    %slice3A = vector.extract_strided_slice %mul3A_47 {offsets = [0, 0], sizes = [1024, 128], strides = [1, 1]} : vector<1024x256xf32> to vector<1024x128xf32>
    %swap3A = arith.constant 0 : index
    %swap3A_48 = arith.constant 0 : index
    %swap3A_49 = vector.load %arg8[%swap3A, %swap3A_48] : memref<1024x128xf32, #tpu.memory_space<vmem>>, vector<1024x128xf32>
    tpu.vector_store %arg8[%swap3A, %swap3A_48], %slice3A {strides = array<i32>} : memref<1024x128xf32, #tpu.memory_space<vmem>>, vector<1024x128xf32>,
    %slice3A_50 = vector.extract_strided_slice %mul3A_47 {offsets = [0, 128], sizes = [1024, 128], strides = [1, 1]} : vector<1024x256xf32> to vector<1024x128xf32>
    %swap3A_51 = arith.constant 0 : index
    %swap3A_52 = arith.constant 0 : index
    %swap3A_53 = vector.load %arg9[%swap3A_51, %swap3A_52] : memref<1024x128xf32, #tpu.memory_space<vmem>>, vector<1024x128xf32>
    tpu.vector_store %arg9[%swap3A_51, %swap3A_52], %slice3A_50 {strides = array<i32>} : memref<1024x128xf32, #tpu.memory_space<vmem>>, vector<1024x128xf32>,
    return
  }
  func.func @transform_0(%arg0: i32) -> (i32, i32, i32) {
    %c0_i32 = arith.constant 0 : i32
    %c0_i32_0 = arith.constant 0 : i32
    %c0_i32_1 = arith.constant 0 : i32
    return %c0_i32, %arg0, %c0_i32_0 : i32, i32, i32
  }
  func.func @transform_1(%arg0: i32) -> (i32, i32, i32) {
    %c0_i32 = arith.constant 0 : i32
    %c0_i32_0 = arith.constant 0 : i32
    %c0_i32_1 = arith.constant 0 : i32
    return %c0_i32, %arg0, %c0_i32_0 : i32, i32, i32
  }
  func.func @transform_2(%arg0: i32) -> (i32, i32) {
    %c0_i32 = arith.constant 0 : i32
    %c0_i32_0 = arith.constant 0 : i32
    return %arg0, %c0_i32 : i32, i32
  }
  func.func @transform_3(%arg0: i32) -> (i32, i32) {
    %c0_i32 = arith.constant 0 : i32
    %c0_i32_0 = arith.constant 0 : i32
    return %arg0, %c0_i32 : i32, i32
  }
  func.func @transform_4(%arg0: i32) -> (i32, i32) {
    %c0_i32 = arith.constant 0 : i32
    %c0_i32_0 = arith.constant 0 : i32
    return %arg0, %c0_i32 : i32, i32
  }
  func.func @transform_5(%arg0: i32) -> (i32, i32) {
    %c0_i32 = arith.constant 0 : i32
    %c0_i32_0 = arith.constant 0 : i32
    %c0_i32_1 = arith.constant 0 : i32
    return %c0_i32, %c0_i32_0 : i32, i32
  }
  func.func @transform_6(%arg0: i32) -> (i32, i32) {
    %c0_i32 = arith.constant 0 : i32
    %c0_i32_0 = arith.constant 0 : i32
    %c0_i32_1 = arith.constant 0 : i32
    return %c0_i32, %c0_i32_0 : i32, i32
  }
  func.func @transform_7(%arg0: i32) -> (i32, i32) {
    %c0_i32 = arith.constant 0 : i32
    %c0_i32_0 = arith.constant 0 : i32
    return %arg0, %c0_i32 : i32, i32
  }
  func.func @transform_8(%arg0: i32) -> (i32, i32) {
    %c0_i32 = arith.constant 0 : i32
    %c0_i32_0 = arith.constant 0 : i32
    return %arg0, %c0_i32 : i32, i32
  }
}

module attributes {stable_mosaic.version = 14 : i64} {
  func.func @_head_body(%arg0: i32, %arg1: memref<2x1024x128xf32, #tpu.memory_space<vmem>>, %arg2: memref<2x1024x128xf32, #tpu.memory_space<vmem>>, %arg3: memref<1024x128xf32, #tpu.memory_space<vmem>>, %arg4: memref<1024x128xf32, #tpu.memory_space<vmem>>, %arg5: memref<1024x1xf32, #tpu.memory_space<vmem>>, %arg6: memref<1x256xf32, #tpu.memory_space<vmem>>, %arg7: memref<256x128xf32, #tpu.memory_space<vmem>>, %arg8: memref<1x128xf32, #tpu.memory_space<vmem>>, %arg9: memref<128x1xf32, #tpu.memory_space<vmem>>, %arg10: memref<1x1xf32, #tpu.memory_space<vmem>>, %arg11: memref<1024x1xf32, #tpu.memory_space<vmem>>) attributes {dimension_semantics = [#tpu.dimension_semantics<arbitrary>], iteration_bounds = array<i64: 10>, scalar_prefetch = 0 : i64, scratch_operands = 0 : i64, tpu.core_type = #tpu.core_type<tc>, window_params = [{transform_indices = @transform_0, window_bounds = array<i64: 2, 1024, 128>}, {transform_indices = @transform_1, window_bounds = array<i64: 2, 1024, 128>}, {transform_indices = @transform_2, window_bounds = array<i64: 1024, 128>}, {transform_indices = @transform_3, window_bounds = array<i64: 1024, 128>}, {transform_indices = @transform_4, window_bounds = array<i64: 1024, 1>}, {pipeline_mode = #tpu.pipeline_mode<synchronous>, transform_indices = @transform_5, window_bounds = array<i64: 1, 256>}, {pipeline_mode = #tpu.pipeline_mode<synchronous>, transform_indices = @transform_6, window_bounds = array<i64: 256, 128>}, {pipeline_mode = #tpu.pipeline_mode<synchronous>, transform_indices = @transform_7, window_bounds = array<i64: 1, 128>}, {pipeline_mode = #tpu.pipeline_mode<synchronous>, transform_indices = @transform_8, window_bounds = array<i64: 128, 1>}, {pipeline_mode = #tpu.pipeline_mode<synchronous>, transform_indices = @transform_9, window_bounds = array<i64: 1, 1>}, {transform_indices = @transform_10, window_bounds = array<i64: 1024, 1>}]} {
    %get3A = arith.constant 0 : index
    %get3A_0 = arith.constant 0 : index
    %get3A_1 = arith.constant 0 : index
    %get3A_2 = vector.load %arg1[%get3A, %get3A_0, %get3A_1] : memref<2x1024x128xf32, #tpu.memory_space<vmem>>, vector<1x1024x128xf32>
    %get3A_3 = vector.shape_cast %get3A_2 : vector<1x1024x128xf32> to vector<1024x128xf32>
    %get3A_4 = arith.constant 1 : index
    %get3A_5 = arith.constant 0 : index
    %get3A_6 = arith.constant 0 : index
    %get3A_7 = vector.load %arg1[%get3A_4, %get3A_5, %get3A_6] : memref<2x1024x128xf32, #tpu.memory_space<vmem>>, vector<1x1024x128xf32>
    %get3A_8 = vector.shape_cast %get3A_7 : vector<1x1024x128xf32> to vector<1024x128xf32>
    %add3A = arith.addf %get3A_3, %get3A_8 : vector<1024x128xf32>
    %get3A_9 = arith.constant 0 : index
    %get3A_10 = arith.constant 0 : index
    %get3A_11 = vector.load %arg3[%get3A_9, %get3A_10] : memref<1024x128xf32, #tpu.memory_space<vmem>>, vector<1024x128xf32>
    %add3A_12 = arith.addf %add3A, %get3A_11 : vector<1024x128xf32>
    %get3A_13 = arith.constant 0 : index
    %get3A_14 = arith.constant 0 : index
    %get3A_15 = arith.constant 0 : index
    %get3A_16 = vector.load %arg2[%get3A_13, %get3A_14, %get3A_15] : memref<2x1024x128xf32, #tpu.memory_space<vmem>>, vector<1x1024x128xf32>
    %get3A_17 = vector.shape_cast %get3A_16 : vector<1x1024x128xf32> to vector<1024x128xf32>
    %get3A_18 = arith.constant 1 : index
    %get3A_19 = arith.constant 0 : index
    %get3A_20 = arith.constant 0 : index
    %get3A_21 = vector.load %arg2[%get3A_18, %get3A_19, %get3A_20] : memref<2x1024x128xf32, #tpu.memory_space<vmem>>, vector<1x1024x128xf32>
    %get3A_22 = vector.shape_cast %get3A_21 : vector<1x1024x128xf32> to vector<1024x128xf32>
    %add3A_23 = arith.addf %get3A_17, %get3A_22 : vector<1024x128xf32>
    %get3A_24 = arith.constant 0 : index
    %get3A_25 = arith.constant 0 : index
    %get3A_26 = vector.load %arg4[%get3A_24, %get3A_25] : memref<1024x128xf32, #tpu.memory_space<vmem>>, vector<1024x128xf32>
    %add3A_27 = arith.addf %add3A_23, %get3A_26 : vector<1024x128xf32>
    %concatenate3A = tpu.concatenate %add3A_12, %add3A_27 in 1 : vector<1024x128xf32>, vector<1024x128xf32> -> vector<1024x256xf32>
    %get3A_28 = arith.constant 0 : index
    %get3A_29 = arith.constant 0 : index
    %get3A_30 = vector.load %arg5[%get3A_28, %get3A_29] : memref<1024x1xf32, #tpu.memory_space<vmem>>, vector<1024x1xf32>
    %mul3A = vector.broadcast %get3A_30 : vector<1024x1xf32> to vector<1024x256xf32>
    %mul3A_31 = arith.mulf %concatenate3A, %mul3A : vector<1024x256xf32>
    %get3A_32 = arith.constant 0 : index
    %get3A_33 = arith.constant 0 : index
    %get3A_34 = vector.load %arg6[%get3A_32, %get3A_33] : memref<1x256xf32, #tpu.memory_space<vmem>>, vector<1x256xf32>
    %add3A_35 = vector.broadcast %get3A_34 : vector<1x256xf32> to vector<1024x256xf32>
    %add3A_36 = arith.addf %mul3A_31, %add3A_35 : vector<1024x256xf32>
    %max3A = arith.constant 0.000000e+00 : f32
    %max3A_37 = vector.broadcast %max3A : f32 to vector<1024x256xf32>
    %max3A_38 = arith.maximumf %add3A_36, %max3A_37 : vector<1024x256xf32>
    %get3A_39 = arith.constant 0 : index
    %get3A_40 = arith.constant 0 : index
    %get3A_41 = vector.load %arg7[%get3A_39, %get3A_40] : memref<256x128xf32, #tpu.memory_space<vmem>>, vector<256x128xf32>
    %dot_general3A = arith.constant dense<0.000000e+00> : vector<1024x128xf32>
    %dot_general3A_42 = tpu.matmul %max3A_38, %get3A_41, %dot_general3A {dimension_numbers = #tpu.dot_dimension_numbers<[1], [0], [0], [1], [0, 0, 1, 1], [], []>, transpose_lhs_hint = false} : vector<1024x256xf32>, vector<256x128xf32>, vector<1024x128xf32> -> vector<1024x128xf32>
    %get3A_43 = arith.constant 0 : index
    %get3A_44 = arith.constant 0 : index
    %get3A_45 = vector.load %arg8[%get3A_43, %get3A_44] : memref<1x128xf32, #tpu.memory_space<vmem>>, vector<1x128xf32>
    %add3A_46 = vector.broadcast %get3A_45 : vector<1x128xf32> to vector<1024x128xf32>
    %add3A_47 = arith.addf %dot_general3A_42, %add3A_46 : vector<1024x128xf32>
    %max3A_48 = arith.constant 0.000000e+00 : f32
    %max3A_49 = vector.broadcast %max3A_48 : f32 to vector<1024x128xf32>
    %max3A_50 = arith.maximumf %add3A_47, %max3A_49 : vector<1024x128xf32>
    %get3A_51 = arith.constant 0 : index
    %get3A_52 = arith.constant 0 : index
    %get3A_53 = vector.load %arg9[%get3A_51, %get3A_52] : memref<128x1xf32, #tpu.memory_space<vmem>>, vector<128x1xf32>
    %dot_general3A_54 = arith.constant dense<0.000000e+00> : vector<1024x1xf32>
    %dot_general3A_55 = tpu.matmul %max3A_50, %get3A_53, %dot_general3A_54 {dimension_numbers = #tpu.dot_dimension_numbers<[1], [0], [0], [1], [0, 0, 1, 1], [], []>, transpose_lhs_hint = false} : vector<1024x128xf32>, vector<128x1xf32>, vector<1024x1xf32> -> vector<1024x1xf32>
    %get3A_56 = arith.constant 0 : index
    %get3A_57 = arith.constant 0 : index
    %get3A_58 = vector.load %arg10[%get3A_56, %get3A_57] : memref<1x1xf32, #tpu.memory_space<vmem>>, vector<1x1xf32>
    %add3A_59 = vector.broadcast %get3A_58 : vector<1x1xf32> to vector<1024x1xf32>
    %add3A_60 = arith.addf %dot_general3A_55, %add3A_59 : vector<1024x1xf32>
    %swap3A = arith.constant 0 : index
    %swap3A_61 = arith.constant 0 : index
    %swap3A_62 = vector.load %arg11[%swap3A, %swap3A_61] : memref<1024x1xf32, #tpu.memory_space<vmem>>, vector<1024x1xf32>
    tpu.vector_store %arg11[%swap3A, %swap3A_61], %add3A_60 {strides = array<i32>} : memref<1024x1xf32, #tpu.memory_space<vmem>>, vector<1024x1xf32>,
    return
  }
  func.func @transform_0(%arg0: i32) -> (i32, i32, i32) {
    %c0_i32 = arith.constant 0 : i32
    %c0_i32_0 = arith.constant 0 : i32
    %c0_i32_1 = arith.constant 0 : i32
    return %c0_i32, %arg0, %c0_i32_0 : i32, i32, i32
  }
  func.func @transform_1(%arg0: i32) -> (i32, i32, i32) {
    %c0_i32 = arith.constant 0 : i32
    %c0_i32_0 = arith.constant 0 : i32
    %c0_i32_1 = arith.constant 0 : i32
    return %c0_i32, %arg0, %c0_i32_0 : i32, i32, i32
  }
  func.func @transform_2(%arg0: i32) -> (i32, i32) {
    %c0_i32 = arith.constant 0 : i32
    %c0_i32_0 = arith.constant 0 : i32
    return %arg0, %c0_i32 : i32, i32
  }
  func.func @transform_3(%arg0: i32) -> (i32, i32) {
    %c0_i32 = arith.constant 0 : i32
    %c0_i32_0 = arith.constant 0 : i32
    return %arg0, %c0_i32 : i32, i32
  }
  func.func @transform_4(%arg0: i32) -> (i32, i32) {
    %c0_i32 = arith.constant 0 : i32
    %c0_i32_0 = arith.constant 0 : i32
    return %arg0, %c0_i32 : i32, i32
  }
  func.func @transform_5(%arg0: i32) -> (i32, i32) {
    %c0_i32 = arith.constant 0 : i32
    %c0_i32_0 = arith.constant 0 : i32
    %c0_i32_1 = arith.constant 0 : i32
    return %c0_i32, %c0_i32_0 : i32, i32
  }
  func.func @transform_6(%arg0: i32) -> (i32, i32) {
    %c0_i32 = arith.constant 0 : i32
    %c0_i32_0 = arith.constant 0 : i32
    %c0_i32_1 = arith.constant 0 : i32
    return %c0_i32, %c0_i32_0 : i32, i32
  }
  func.func @transform_7(%arg0: i32) -> (i32, i32) {
    %c0_i32 = arith.constant 0 : i32
    %c0_i32_0 = arith.constant 0 : i32
    %c0_i32_1 = arith.constant 0 : i32
    return %c0_i32, %c0_i32_0 : i32, i32
  }
  func.func @transform_8(%arg0: i32) -> (i32, i32) {
    %c0_i32 = arith.constant 0 : i32
    %c0_i32_0 = arith.constant 0 : i32
    %c0_i32_1 = arith.constant 0 : i32
    return %c0_i32, %c0_i32_0 : i32, i32
  }
  func.func @transform_9(%arg0: i32) -> (i32, i32) {
    %c0_i32 = arith.constant 0 : i32
    %c0_i32_0 = arith.constant 0 : i32
    %c0_i32_1 = arith.constant 0 : i32
    return %c0_i32, %c0_i32_0 : i32, i32
  }
  func.func @transform_10(%arg0: i32) -> (i32, i32) {
    %c0_i32 = arith.constant 0 : i32
    %c0_i32_0 = arith.constant 0 : i32
    return %arg0, %c0_i32 : i32, i32
  }
}

</mosaic_0001>

<sc_bundles>
// kernel: kernel.12.cloned.1.call-start
scs
__scs_entry_jumppad:
0x0: {  	(pc) =	sbr.rel $0x88, $3  }
0x1: {  	(tag) =	ssettag $0x0;
	lr =	simm.s32 $0x1  }
0x2: {  	[smem:$0x3F97] =	sst lr;
	_ =	strace $0xD0000000  }
0x3: {  	_ = 	snop  }
0x4: {  	_ = 	snop  }
0x5: {  	_ = 	snop  }
0x6: {  	_ = 	snop  }
0x7: {  	_ = 	snop  }
__scs_overlays_trampoline_lowered:
0x8: {  	[smem:$0x3FA6] =	sst s0  }
0x9: {  	[smem:$0x3FA7] =	sst s1  }
0xa: {  	[smem:$0x3FA8] =	sst s2  }
0xb: {  	[smem:$0x3FA9] =	sst s3  }
0xc: {  	[smem:$0x3FAA] =	sst s4  }
0xd: {  	[smem:$0x3FAB] =	sst s5  }
0xe: {  	[smem:$0x3FAC] =	sst s6  }
0xf: {  	[smem:$0x3FAD] =	sst s7  }
0x10: {  	[smem:$0x3FAE] =	sst s8  }
0x11: {  	[smem:$0x3FAF] =	sst s9;
	s0 =	simm.s32 @!p0 $0x0  }
0x12: {  	s1 =	sld [smem:$0x3F95];
	s0 =	simm.s32 @p0 $0x1  }
0x13: {  	[smem:$0x3FB0] =	sst s0;
	s0 =	simm.s32 @!p1 $0x0  }
0x14: {  	s2 =	sld [smem:$0x3F94];
	s0 =	simm.s32 @p1 $0x1  }
0x15: {  	[smem:$0x3FB1] =	sst s0;
	s0 =	simm.s32 @!p2 $0x0  }
0x16: {  	s3 =	sld [smem:$0x3FDB];
	s0 =	simm.s32 @p2 $0x1  }
0x17: {  	s4 =	simm.s32 $0x1BF5;
	[smem:$0x3FB3] =	sst s0  }
0x18: {  	s0 =	sld [smem:$0x3F96];
	_ =	swait.ge [sflag:s4], $0x0  }
0x19: {  	s7 =	sld [smem:$0x3F97]  }
0x1a: {  	s8 =	sadd.s32 $0xFFFFE003, lr  }
0x1b: {  	s9 =	sadd.s32 $0xFFFFFEF7, lr;
	s5 =	simm.s32 $0xFFFFFFFF;
	p2 =	slt.u32 s8, $0xFFFFF086  }
0x1c: {  	p1 =	slt.u32 s9, $0xF7A;
	s5 =	simm.s32 @!p2 $0x0  }
0x1d: {  	s5 =	simm.s32 @p1 $0x1;
	p0 =	seq.s32 s7, s2  }
0x1e: {  	s7 =	smul.u32 @!p0 $0xF7A, s2;
	p2 =	seq.s32 @!p0 s5, $0x0  }
0x1f: {  	s9 =	smul.u32 $0xF7A, s1;
	s8 =	simm.s32 @!p0 $0x1BF5;
	p2 =	por !p2, p0  }
0x20: {  	[sflag:s8] =	ssyncset.s32 @!p0 $0xFFFFF086;
	s6 =	sadd.s32 @!p0 s3, s7;
	s7 =	simm.s32 @!p0 $0x108  }
0x21: {  	s3 =	sadd.s32 s3, s9;
	s6 =	sadd.s32 @!p0 $0x88, s6;
	s7 =	simm.s32 @p2 $0x1082  }
0x22: {  	[simem:s7], [sflag:s8] =	dma.local @!p0 [hbm:s6], $0xF7A  }
0x23: {  	s9 =	sor.u32 $0xD0000000, s2;
	s6 =	simm.s32 $0x108;
	_ =	swait.ge @!p0 [sflag:s8], $0x0  }
0x24: {  	s3 =	sadd.s32 $0x88, s3;
	s6 =	simm.s32 @!p1 $0x1082;
	[sflag:s4] =	ssyncset.s32 $0xFFFFF086  }
0x25: {  	[simem:s6], [sflag:s4] =	dma.local [hbm:s3], $0xF7A  }
0x26: {  	[smem:$0x3F97] =	sst s1;
	(tag) =	ssettag s2;
	_ =	strace s9  }
0x27: {  	s1 =	sld [smem:$0x3FA7]  }
0x28: {  	s2 =	sld [smem:$0x3FA8]  }
0x29: {  	s4 =	sld [smem:$0x3FAA]  }
0x2a: {  	p0 =	seq.s32 s5, $0x0;
	s5 =	sld [smem:$0x3FAB]  }
0x2b: {  	s6 =	sld [smem:$0x3FAC]  }
0x2c: {  	s7 =	sld [smem:$0x3FAD]  }
0x2d: {  	s3 =	simm.s32 $0x108;
	s8 =	sld [smem:$0x3FAE]  }
0x2e: {  	s3 =	simm.s32 @!p0 $0x1082;
	s9 =	sld [smem:$0x3FAF]  }
0x2f: {  	lr =	sadd.s32 s0, s3;
	s0 =	sld [smem:$0x3FA6]  }
0x30: {  	s3 =	sld [smem:$0x3FA9]  }
0x31: {  	[smem:$0x3FB2] =	sst s10  }
0x32: {  	s10 =	sld [smem:$0x3FB0];
	_ =	sdelay $0x3  }
0x33: {  	p0 =	seq.s32 s10, $0x1;
	s10 =	sld [smem:$0x3FB2];
	_ =	sdelay $0x3  }
0x34: {  	[smem:$0x3FB2] =	sst s10  }
0x35: {  	s10 =	sld [smem:$0x3FB1];
	_ =	sdelay $0x3  }
0x36: {  	p1 =	seq.s32 s10, $0x1;
	s10 =	sld [smem:$0x3FB2];
	_ =	sdelay $0x3  }
0x37: {  	[smem:$0x3FB2] =	sst s10  }
0x38: {  	s10 =	sld [smem:$0x3FB3]  }
0x39: {  	_ = 	snop;
	(pc) =	sbr.ind lr, $3  }
0x3a: {  	_ = 	snop  }
0x3b: {  	_ = 	snop  }
0x3c: {  	p2 =	seq.s32 s10, $0x1;
	s10 =	sld [smem:$0x3FB2]  }
0x3d: {  	_ =	shalt  }
0x3e: {  	_ =	shalt  }
0x3f: {  	_ =	shalt  }
0x40: {  	_ =	shalt  }
0x41: {  	_ =	shalt  }
0x42: {  	_ =	shalt  }
0x43: {  	_ =	shalt  }
0x44: {  	_ =	shalt  }
0x45: {  	_ =	shalt  }
0x46: {  	_ =	shalt  }
0x47: {  	_ =	shalt  }
0x48: {  	_ =	shalt  }
0x49: {  	_ =	shalt  }
0x4a: {  	_ =	shalt  }
0x4b: {  	_ =	shalt  }
0x4c: {  	_ =	shalt  }
0x4d: {  	_ =	shalt  }
0x4e: {  	_ =	shalt  }
0x4f: {  	_ =	shalt  }
0x50: {  	_ =	shalt  }
0x51: {  	_ =	shalt  }
0x52: {  	_ =	shalt  }
0x53: {  	_ =	shalt  }
0x54: {  	_ =	shalt  }
0x55: {  	_ =	shalt  }
0x56: {  	_ =	shalt  }
0x57: {  	_ =	shalt  }
0x58: {  	_ =	shalt  }
0x59: {  	_ =	shalt  }
0x5a: {  	_ =	shalt  }
0x5b: {  	_ =	shalt  }
0x5c: {  	_ =	shalt  }
0x5d: {  	_ =	shalt  }
0x5e: {  	_ =	shalt  }
0x5f: {  	_ =	shalt  }
0x60: {  	_ =	shalt  }
0x61: {  	_ =	shalt  }
0x62: {  	_ =	shalt  }
0x63: {  	_ =	shalt  }
0x64: {  	_ =	shalt  }
0x65: {  	_ =	shalt  }
0x66: {  	_ =	shalt  }
0x67: {  	_ =	shalt  }
0x68: {  	_ =	shalt  }
0x69: {  	_ =	shalt  }
0x6a: {  	_ =	shalt  }
0x6b: {  	_ =	shalt  }
0x6c: {  	_ =	shalt  }
0x6d: {  	_ =	shalt  }
0x6e: {  	_ =	shalt  }
0x6f: {  	_ =	shalt  }
0x70: {  	_ =	shalt  }
0x71: {  	_ =	shalt  }
0x72: {  	_ =	shalt  }
0x73: {  	_ =	shalt  }
0x74: {  	_ =	shalt  }
0x75: {  	_ =	shalt  }
0x76: {  	_ =	shalt  }
0x77: {  	_ =	shalt  }
0x78: {  	_ =	shalt  }
0x79: {  	_ =	shalt  }
0x7a: {  	_ =	shalt  }
0x7b: {  	_ =	shalt  }
0x7c: {  	_ =	shalt  }
0x7d: {  	_ =	shalt  }
0x7e: {  	_ =	shalt  }
0x7f: {  	_ =	shalt  }
0x80: {  	_ =	shalt  }
0x81: {  	_ =	shalt  }
0x82: {  	_ =	shalt  }
0x83: {  	_ =	shalt  }
0x84: {  	_ =	shalt  }
0x85: {  	_ =	shalt  }
0x86: {  	_ =	shalt  }
0x87: {  	_ =	shalt  }
.Lfunc_end0:
.L_simem_size_0:
called_computation.1_lowered:
.L_overlay_start_0:
0x88: {  	s2 =	sld [smem:$0x3FD9]  }
0x89: {  	s3 =	sld [smem:$0x3FFE];
	_ =	sdelay $0x1  }
0x8a: {  	s1 =	srdreg.scid  }
0x8b: {  	s0 =	sand.u32 $0x1, s1  }
0x8c: {  	s16 =	sshll.u32 s0, $0xA;
	s2 =	sadd.s32 s3, s2  }
0x8d: {  	s2 =	sadd.s32 s2, s16  }
0x8e: {  	[smem:$0x3FBE] =	sst s2  }
0x8f: {  	_ = 	snop  }
0x90: {  	(tm) =	ssettm $0x1  }
0x91: {  	s17 =	sld [smem:$0x3FFB];
	_ =	sdelay $0x3  }
0x92: {  	_ =	strace s17  }
0x93: {  	s2 =	sld [smem:$0x3FFC];
	_ =	sdelay $0x3  }
0x94: {  	_ =	strace s2  }
0x95: {  	s2 =	sld [smem:$0x3FFD];
	_ =	sdelay $0x3  }
0x96: {  	_ =	strace s2  }
0x97: {  	_ =	strace $0x8FFFFFFF  }
0x98: {  	s18 =	sld [smem:$0x3FDB];
	_ =	sdelay $0x1  }
0x99: {  	s19 =	simm.s32 $_scs_section_size  }
0x9a: {  	s4 =	simm.s32 $_size__tile_overlayer_lowered;
	s5 =	simm.s32 $_tile_overlayer_lowered  }
0x9b: {  	s22 =	simm.s32 $0x1BFF;
	s21 =	sshll.u32 s5, $0x1;
	s2 =	sadd.s32 s19, s18  }
0x9c: {  	s6 =	simm.s32 $0x0;
	s20 =	sshll.u32 s4, $0x1;
	s4 =	sadd.s32 s21, s2  }
0x9d: {  	[timem:s6], [sflag:s22] =	dma.local [hbm:s4], s20  }
0x9e: {  	_ =	swait.ge [sflag:s22], s20  }
0x9f: {  	s3 =	ssub.s32 $0x0, s20;
	[sflag:s22] =	ssyncset.done $0x0  }
0xa0: {  	[sflag:s22] =	ssyncadd.s32 s3;
	_ =	sdelay $0x1  }
0xa1: {  	s23 =	simm.s32 $0x1B8B  }
0xa2: {  	_ =	swait.ge [sflag:s23], $0x1  }
0xa3: {  	[sflag:s23] =	ssyncset.done $0x0  }
0xa4: {  	s25 =	simm.s32 $0x1B8E;
	s24 =	sld [smem:$0x3FFE];
	[sflag:s23] =	ssyncadd.s32 $0xFFFFFFFF  }
0xa5: {  	s26 =	simm.s32 $execute0_lowered;
	[smem:$0x3FD2] =	sst s25  }
0xa6: {  	s4 =	sshll.u32 s26, $0x1;
	_ =	strace $0x80000049;
	[dreg:$0x1] =	wrdreg $0xFFFFFFFF  }
0xa7: {  	s28 =	simm.s32 $_size_execute0_lowered;
	s2 =	sadd.s32 s2, s4;
	[dreg:$0x0] =	wrdreg $0x0  }
0xa8: {  	s4 =	sshll.u32 s28, $0x1;
	[dreg:$0x2] =	wrdreg s2  }
0xa9: {  	[dreg:$0x3] =	wrdreg s4  }
0xaa: {  	[dreg:$0x4] =	wrdreg $0xC0  }
0xab: {  	_ =	task [dreg:s6], $0x5FFFF  }
0xac: {  	[dreg:$0x1] =	wrdreg $0xFFFFFFFF  }
0xad: {  	[dreg:$0x0] =	wrdreg $0x60  }
0xae: {  	[dreg:$0x2] =	wrdreg s24  }
0xaf: {  	[dreg:$0x3] =	wrdreg $0xB8000  }
0xb0: {  	[dreg:$0x4] =	wrdreg $0x9  }
0xb1: {  	_ =	task.clear_ibuf [dreg:s6], $0x5FFFF;
	_ =	strace $0x90000049  }
0xb2: {  	s29 =	simm.s32 $0x9;
	_ =	strace $0x8000004B  }
0xb3: {  	_ =	swait.ge [sflag:s29], $0x1  }
0xb4: {  	[sflag:s29] =	ssyncadd.s32 $0xFFFFFFFF  }
0xb5: {  	_ =	strace $0x9000004B  }
0xb6: {  	_ =	sfence  }
0xb7: {  	s30 =	sld [smem:$0x0];
	_ =	sdelay $0x2  }
0xb8: {  	s31 =	sshll.u32 s1, $0xD;
	s1 =	sshrl.u32 s1, $0x2  }
0xb9: {  	s3 =	sand.u32 $0x4000, s31;
	s1 =	sadd.s32 s1, s30  }
0xba: {  	s0 =	sor.u32 s3, s0;
	s1 =	sshll.u32 s1, $0x11  }
0xbb: {  	s0 =	sor.u32 s1, s0  }
0xbc: {  	s0 =	sadd.s32 $0x8F2B, s0  }
0xbd: {  	[sflag:s0] =	ssyncadd.remote.s32 $0x1  }
0xbe: {  	_ =	sfence.sel $0xFFFF  }
0xbf: {  	[dreg:$0x0] =	wrdreg $0xFFFFFFFF;
	(pc) =	sbr.abs _section_cstart, $3  }
0xc0: {  	[dreg:$0x1] =	wrdreg $0xFFFFFFFF  }
0xc1: {  	_ =	task.clear_ibuf [dreg:s6], $0x2FFFF;
	_ =	strace $0x9FFFFFFF  }
0xc2: {  	(tm) =	ssettm $0x7FFFFFFF  }
0xc3: {  	_ =	shalt  }
tec
execute0_lowered:
.L_overlay_start_1:
0x0: {  	(tag) =	ssettag $0x1  }
0x1: {  	s0 =	srdreg.scid;
	s1 =	rddreg [dreg:$0x0]  }
0x2: {  	s9 =	stileid.u32;
	s2 =	rddreg [dreg:$0x1];
	s5 =	simm.s32 $0x0  }
0x3: {  	s17 =	simm.s32 $0x5;
	s18 =	simm.s32 $0x3800;
	s19 =	simm.s32 $0x80  }
0x4: {  	s20 =	simm.s32 $0x1;
	s21 =	simm.s32 $0x7800;
	s22 =	simm.s32 $0x2  }
0x5: {  	s0 =	sand.u32 $0x1, s0;
	s3 =	sshll.u32 s9, $0x1;
	s8 =	smul.u32 $0x14000, s9  }
0x6: {  	[smem:$0x7FF] =	sst s5;
	s5 =	sadd.s32 $0x19600, s1;
	s9 =	smul.u32 $0x50000, s9  }
0x7: {  	s6 =	sadd.s32 $0x41600, s1;
	s3 =	sor.u32 s0, s3;
	s23 =	smul.u32 $0x140000, s0  }
0x8: {  	_ =	strace $0x8000004A;
	s0 =	ssub.s32 $0x2, s0;
	s4 =	smul.u32 $0x2800, s3  }
0x9: {  	s24 =	sshrl.u32 s9, $0x2;
	s25 =	sshrl.u32 s0, $0x1;
	s3 =	sadd.s32 s8, s23  }
0xa: {  	s8 =	sadd.s32 s24, s2;
	s0 =	ssub.s32 s0, s25;
	s23 =	simm.s32 $0x3  }
0xb: {  	s7 =	sshrl.u32 s4, $0x3;
	s3 =	sshrl.u32 s3, $0x3;
	s28 =	sadd.s32 $0xC000, s8  }
0xc: {  	s29 =	sadd.s32 $0x10000, s8;
	s0 =	smax.u32 s0, $0x1;
	[dreg:$0x4] =	wrdreg s28  }
0xd: {  	s10 =	sadd.s32 s7, s1;
	s7 =	sadd.s32 $0xF600, s1;
	[dreg:$0x5] =	wrdreg s29  }
0xe: {  	s1 =	sadd.s32 s3, s1;
	[dreg:$0x8] =	wrdreg s0;
	s26 =	sadd.s32 $0x5600, s10  }
0xf: {  	s24 =	simm.s32 $0x4;
	s30 =	sadd.s32 $0x91600, s1;
	[dreg:$0x3] =	wrdreg s26  }
0x10: {  	s25 =	simm.s32 $0x0;
	s1 =	sadd.s32 $0xE1600, s1;
	[dreg:$0x6] =	wrdreg s30  }
0x11: {  	v0 =	vimm.f32 $0.0e+00;
	s11 =	sadd.s32 $0x4000, s8;
	s31 =	sadd.s32 $0x8000, s8;
	[dreg:$0x7] =	wrdreg s1  }
.LBB2_1:
0x12: {  	s1 =	simm.s32 $0x0;
	s0 =	rddreg [dreg:$0x3]  }
0x13: {  	[tilespmem:s1], [sflag:$0x5] =	stream.linear.gather [hbm4b:s0+s1], $0x2800, $0x38;
	[tilespmem:$0x1F800] =	vst v63  }
0x14: {  	s30 =	sand.u32 $0xFE00, s1;
	s1 =	sand.u32 $0x70, s1;
	_ =	swait.ge [sflag:s17], $0x2800  }
0x15: {  	s0 =	simm.s32 $0x40;
	s3 =	sshrl.u32 s30, $0x2;
	[sflag:s17] =	ssyncset.done $0x0  }
0x16: {  	s3 =	sor.u32 s1, s3;
	s1 =	simm.s32 $0x0;
	[sflag:s17] =	ssyncadd.s32 $0xFFFFD800  }
.LBB2_2:
0x17: {  	p0 =	sne.s32 s0, $0xFFC0  }
0x18: {  	[tilespmem:s3+$0x3800] =	vst v0;
	s1 =	sadd.s32 $0x10, s1;
	s3 =	smov.u32 s0;
	s0 =	sadd.s32 $0x40, s0  }
.Ltmp0:
0x19: {  	(pc) =	sbr.rel @p0 .LBB2_2-.Ltmp0, $4  }
0x1a: {  	_ = 	snop  }
0x1b: {  	s3 =	sand.u32 $0xFE00, s3  }
0x1c: {  	s9 =	sand.u32 $0x70, s1;
	s3 =	sshrl.u32 s3, $0x2  }
0x1d: {  	s3 =	sor.u32 s9, s3  }
0x1e: {  	[tilespmem:s3+$0x3800] =	vst v0  }
0x1f: {  	[spmem:s8] =	stream.linear.scatter [tilespmem:s18], [sflag:$0x5], $0x4000, $0x38;
	[tilespmem:$0x1F800] =	vst v63  }
0x20: {  	_ =	swait.ge [sflag:s17], $0x4000  }
0x21: {  	[sflag:s17] =	ssyncset.done $0x0  }
0x22: {  	[sflag:s17] =	ssyncadd.s32 $0xFFFFC000  }
0x23: {  	[spmem:s11] =	stream.linear.scatter [tilespmem:s18], [sflag:$0x5], $0x4000, $0x38;
	[tilespmem:$0x1F800] =	vst v63  }
0x24: {  	_ =	swait.ge [sflag:s17], $0x4000  }
0x25: {  	[sflag:s17] =	ssyncset.done $0x0  }
0x26: {  	[sflag:s17] =	ssyncadd.s32 $0xFFFFC000  }
0x27: {  	[spmem:s31] =	stream.linear.scatter [tilespmem:s18], [sflag:$0x5], $0x4000, $0x38;
	[tilespmem:$0x1F800] =	vst v63  }
0x28: {  	_ =	swait.ge [sflag:s17], $0x4000  }
0x29: {  	[sflag:s17] =	ssyncset.done $0x0  }
0x2a: {  	s0 =	rddreg [dreg:$0x4];
	[sflag:s17] =	ssyncadd.s32 $0xFFFFC000  }
0x2b: {  	[spmem:s0] =	stream.linear.scatter [tilespmem:s18], [sflag:$0x5], $0x4000, $0x38;
	[tilespmem:$0x1F800] =	vst v63  }
0x2c: {  	_ =	swait.ge [sflag:s17], $0x4000  }
0x2d: {  	[sflag:s17] =	ssyncset.done $0x0  }
0x2e: {  	s26 =	rddreg [dreg:$0x5];
	[sflag:s17] =	ssyncadd.s32 $0xFFFFC000  }
0x2f: {  	[spmem:s26] =	stream.linear.scatter [tilespmem:s18], [sflag:$0x5], $0x4000, $0x38;
	[tilespmem:$0x1F800] =	vst v63  }
0x30: {  	_ =	swait.ge [sflag:s17], $0x4000  }
0x31: {  	p0 =	por $0x0, $0x0;
	s28 =	simm.s32 $0x0;
	[sflag:s17] =	ssyncset.done $0x0  }
0x32: {  	s29 =	simm.s32 $0x0;
	s26 =	simm.s32 $0x0;
	[sflag:s17] =	ssyncadd.s32 $0xFFFFC000  }
0x33: {  	[tilespmem:s18], [sflag:$0x1] =	stream.indirect.gather [hbm4b:s5+s19], $0x80, s26, s19, $0xb8;
	[tilespmem:$0x1F800] =	vst v63  }
0x34: {  	s30 =	simm.s32 $0x0;
	s1 =	simm.s32 $0x0;
	[bflag:$0x0] =	sbarrier.arrive $0xFFFF  }
.LBB2_4:
0x35: {  	s0 =	sshll.u32 s1, $0xB  }
0x36: {  	s3 =	sadd.s32 s4, s0  }
0x37: {  	s0 =	sand.u32 $0x800, s0;
	s3 =	sshrl.u32 s3, $0x3  }
0x38: {  	s0 =	sadd.s32 $0x2800, s0;
	s3 =	sadd.s32 s7, s3  }
0x39: {  	[tilespmem:s0], [sflag:$0x5] =	stream.linear.gather [hbm4b:s3+s26], $0x800, $0x38;
	[tilespmem:$0x1F800] =	vst v63  }
0x3a: {  	_ =	swait.ge [sflag:s17], $0x800  }
0x3b: {  	s0 =	simm.s32 $0x1;
	[sflag:s17] =	ssyncset.done $0x0  }
0x3c: {  	s0 =	simm.s32 @!p0 $0x0;
	[sflag:s17] =	ssyncadd.s32 $0xFFFFF800  }
0x3d: {  	s0 =	sshll.u32 s0, $0xB;
	_ =	swait.ge [sflag:s20], $0x4000  }
0x3e: {  	p1 =	seq.s32 s29, $0x0;
	s0 =	sadd.s32 $0x2800, s0;
	[sflag:s20] =	ssyncset.done $0x0  }
0x3f: {  	s9 =	simm.s32 @!p1 $0x4;
	s16 =	sadd.s32 $0x0, s0;
	[sflag:s20] =	ssyncadd.s32 $0xFFFFC000  }
0x40: {  	[spmem:s2] =	stream.indirect.scatter.add.f32 [tilespmem:s18], [sflag:$0x3], $0x80, s16, s19, $0xb8;
	[tilespmem:$0x1F800] =	vst v63  }
0x41: {  	_ =	swait.ge @!p1 [sflag:s9], $0x4000  }
0x42: {  	s10 =	sadd.s32 $0x0, s30;
	[sflag:s9] =	ssyncset.done @!p1 $0x0  }
0x43: {  	s10 =	sadd.s32 $0x80, s10;
	[sflag:s9] =	ssyncadd.s32 @!p1 $0xFFFFC000  }
0x44: {  	[tilespmem:s21], [sflag:$0x2] =	stream.indirect.gather [hbm4b:s5+s19], $0x80, s10, s19, $0xb8;
	[tilespmem:$0x1F800] =	vst v63  }
0x45: {  	_ =	swait.ge [sflag:s22], $0x4000  }
0x46: {  	p2 =	sgt.u32 s28, $0x4D;
	[sflag:s22] =	ssyncset.done $0x0  }
0x47: {  	s14 =	sadd.s32 $0x2, s28;
	s3 =	sadd.s32 $0x80, s16;
	[sflag:s22] =	ssyncadd.s32 $0xFFFFC000  }
0x48: {  	[spmem:s2] =	stream.indirect.scatter.add.f32 [tilespmem:s21], [sflag:$0x4], $0x80, s3, s19, $0xb8;
	[tilespmem:$0x1F800] =	vst v63  }
0x49: {  	s15 =	simm.s32 @!p2 $0x3800;
	s16 =	simm.s32 @!p2 $0x80;
	_ =	swait.ge [sflag:s23], $0x4000  }
0x4a: {  	s9 =	simm.s32 $0x400;
	s3 =	sadd.s32 @!p2 $0x0, s30;
	[sflag:s23] =	ssyncset.done $0x0  }
.LBB2_5:
0x4b: {  	[sflag:s23] =	ssyncadd.s32 $0xFFFFC000  }
0x4c: {  	s3 =	sadd.s32 @!p2 $0x100, s3;
	s10 =	smov.u32 s9;
	s9 =	sadd.s32 $0x400, s9  }
0x4d: {  	[tilespmem:s15], [sflag:$0x1] =	stream.indirect.gather @!p2 [hbm4b:s5+s16], $0x80, s3, s16, $0xb8;
	[tilespmem:$0x1F800] =	vst v63  }
0x4e: {  	s3 =	sshra.s32 s10, $0x2;
	p1 =	sne.s32 s9, $0x2000;
	_ =	swait.ge [sflag:s20], $0x4000  }
0x4f: {  	p2 =	seq.s32 s29, s10;
	s15 =	sadd.s32 s3, s0;
	[sflag:s20] =	ssyncset.done $0x0  }
0x50: {  	s16 =	simm.s32 @!p2 $0x4;
	s3 =	sadd.s32 s3, s30;
	[sflag:s20] =	ssyncadd.s32 $0xFFFFC000  }
0x51: {  	[spmem:s2] =	stream.indirect.scatter.add.f32 [tilespmem:s18], [sflag:$0x3], $0x80, s15, s19, $0xb8;
	[tilespmem:$0x1F800] =	vst v63  }
0x52: {  	_ =	swait.ge @!p2 [sflag:s16], $0x4000  }
0x53: {  	s3 =	sadd.s32 $0x80, s3;
	[sflag:s16] =	ssyncset.done @!p2 $0x0  }
0x54: {  	[sflag:s16] =	ssyncadd.s32 @!p2 $0xFFFFC000  }
0x55: {  	[tilespmem:s21], [sflag:$0x2] =	stream.indirect.gather [hbm4b:s5+s19], $0x80, s3, s19, $0xb8;
	[tilespmem:$0x1F800] =	vst v63  }
0x56: {  	_ =	swait.ge [sflag:s22], $0x4000  }
.Ltmp1:
0x57: {  	s3 =	sadd.s32 $0x80, s15;
	[sflag:s22] =	ssyncset.done $0x0;
	(pc) =	sbr.rel @p1 .LBB2_5-.Ltmp1, $4  }
0x58: {  	p2 =	sgt.u32 s14, $0x4D;
	s14 =	sadd.s32 $0x2, s14;
	[sflag:s22] =	ssyncadd.s32 $0xFFFFC000  }
0x59: {  	[spmem:s2] =	stream.indirect.scatter.add.f32 [tilespmem:s21], [sflag:$0x4], $0x80, s3, s19, $0xb8;
	[tilespmem:$0x1F800] =	vst v63  }
0x5a: {  	s15 =	simm.s32 @!p2 $0x3800;
	s3 =	sshra.s32 @!p2 s10, $0x2;
	_ =	swait.ge [sflag:s23], $0x4000  }
0x5b: {  	s16 =	simm.s32 @!p2 $0x80;
	s3 =	sadd.s32 @!p2 s3, s30;
	[sflag:s23] =	ssyncset.done $0x0  }
0x5c: {  	s1 =	sadd.s32 $0x1, s1  }
0x5d: {  	p1 =	sne.s32 s1, $0x5  }
.Ltmp2:
0x5e: {  	_ = 	snop;
	(pc) =	sbr.rel @p1 .LBB2_4-.Ltmp2, $4  }
0x5f: {  	_ = 	snop  }
0x60: {  	[sflag:s23] =	ssyncadd.s32 $0xFFFFC000;
	s0 =	sadd.s32 @!p2 $0x100, s3;
	p0 =	por !p0, !p0  }
0x61: {  	s30 =	sadd.s32 $0x800, s30;
	s29 =	sadd.s32 $0xFFFFE000, s29;
	s28 =	sadd.s32 $0x10, s28  }
0x62: {  	[tilespmem:s15], [sflag:$0x1] =	stream.indirect.gather @!p2 [hbm4b:s5+s16], $0x80, s0, s16, $0xb8;
	[tilespmem:$0x1F800] =	vst v63  }
0x63: {  	_ =	swait.ge [sflag:s24], $0x4000  }
0x64: {  	[sflag:s24] =	ssyncset.done $0x0  }
0x65: {  	s0 =	stileid.u32;
	[sflag:s24] =	ssyncadd.s32 $0xFFFFC000  }
0x66: {  	s28 =	sshrl.u32 s8, $0x3;
	s0 =	sshll.u32 s0, $0x6;
	[bflag:$0x0] =	sbarrier.arrive $0xFFFF  }
0x67: {  	s26 =	sor.u32 $0x1C05, s0;
	s0 =	simm.s32 $0x0;
	s30 =	rddreg [dreg:$0x6]  }
0x68: {  	[hbm:s30], [sflag:s26] =	dma.local [spmem:s28], $0x2800  }
0x69: {  	s1 =	sand.u32 $0xFE00, s0;
	_ =	swait.ge [sflag:s17], $0x2800  }
0x6a: {  	s3 =	sand.u32 $0x70, s0;
	s9 =	sshrl.u32 s1, $0x2;
	[sflag:s17] =	ssyncset.done $0x0  }
0x6b: {  	s1 =	simm.s32 $0x40;
	s3 =	sor.u32 s3, s9;
	[sflag:s17] =	ssyncadd.s32 $0xFFFFD800  }
.LBB2_8:
0x6c: {  	p0 =	sne.s32 s1, $0xFFC0  }
0x6d: {  	[tilespmem:s3+$0x3800] =	vst v0;
	s0 =	sadd.s32 $0x10, s0;
	s3 =	smov.u32 s1;
	s1 =	sadd.s32 $0x40, s1  }
.Ltmp3:
0x6e: {  	(pc) =	sbr.rel @p0 .LBB2_8-.Ltmp3, $4  }
0x6f: {  	_ = 	snop  }
0x70: {  	s3 =	sand.u32 $0xFE00, s3  }
0x71: {  	s9 =	sand.u32 $0x70, s0;
	s3 =	sshrl.u32 s3, $0x2  }
0x72: {  	s3 =	sor.u32 s9, s3  }
0x73: {  	[tilespmem:s3+$0x3800] =	vst v0  }
0x74: {  	[spmem:s8] =	stream.linear.scatter [tilespmem:s18], [sflag:$0x5], $0x4000, $0x38;
	[tilespmem:$0x1F800] =	vst v63  }
0x75: {  	_ =	swait.ge [sflag:s17], $0x4000  }
0x76: {  	[sflag:s17] =	ssyncset.done $0x0  }
0x77: {  	[sflag:s17] =	ssyncadd.s32 $0xFFFFC000  }
0x78: {  	[spmem:s11] =	stream.linear.scatter [tilespmem:s18], [sflag:$0x5], $0x4000, $0x38;
	[tilespmem:$0x1F800] =	vst v63  }
0x79: {  	_ =	swait.ge [sflag:s17], $0x4000  }
0x7a: {  	[sflag:s17] =	ssyncset.done $0x0  }
0x7b: {  	[sflag:s17] =	ssyncadd.s32 $0xFFFFC000  }
0x7c: {  	[spmem:s31] =	stream.linear.scatter [tilespmem:s18], [sflag:$0x5], $0x4000, $0x38;
	[tilespmem:$0x1F800] =	vst v63  }
0x7d: {  	_ =	swait.ge [sflag:s17], $0x4000  }
0x7e: {  	[sflag:s17] =	ssyncset.done $0x0  }
0x7f: {  	s0 =	rddreg [dreg:$0x4];
	[sflag:s17] =	ssyncadd.s32 $0xFFFFC000  }
0x80: {  	[spmem:s0] =	stream.linear.scatter [tilespmem:s18], [sflag:$0x5], $0x4000, $0x38;
	[tilespmem:$0x1F800] =	vst v63  }
0x81: {  	_ =	swait.ge [sflag:s17], $0x4000  }
0x82: {  	[sflag:s17] =	ssyncset.done $0x0  }
0x83: {  	s16 =	rddreg [dreg:$0x5];
	[sflag:s17] =	ssyncadd.s32 $0xFFFFC000  }
0x84: {  	[spmem:s16] =	stream.linear.scatter [tilespmem:s18], [sflag:$0x5], $0x4000, $0x38;
	[tilespmem:$0x1F800] =	vst v63  }
0x85: {  	s12 =	smov.u32 s11;
	s13 =	smov.u32 s31;
	_ =	swait.ge [sflag:s17], $0x4000  }
0x86: {  	s29 =	simm.s32 $0x0;
	p0 =	por $0x0, $0x0;
	[sflag:s17] =	ssyncset.done $0x0  }
0x87: {  	s30 =	simm.s32 $0x0;
	s1 =	simm.s32 $0x0;
	[sflag:s17] =	ssyncadd.s32 $0xFFFFC000  }
0x88: {  	[tilespmem:s18], [sflag:$0x1] =	stream.indirect.gather [hbm4b:s6+s19], $0x80, s29, s19, $0xb8;
	[tilespmem:$0x1F800] =	vst v63  }
0x89: {  	s31 =	simm.s32 $0x0;
	s0 =	simm.s32 $0x0;
	[bflag:$0x0] =	sbarrier.arrive $0xFFFF  }
.LBB2_10:
0x8a: {  	s3 =	sshll.u32 s0, $0xB  }
0x8b: {  	s9 =	sadd.s32 s4, s3  }
0x8c: {  	s3 =	sand.u32 $0x800, s3;
	s9 =	sshrl.u32 s9, $0x3  }
0x8d: {  	s3 =	sadd.s32 $0x2800, s3;
	s9 =	sadd.s32 s7, s9  }
0x8e: {  	[tilespmem:s3], [sflag:$0x5] =	stream.linear.gather [hbm4b:s9+s29], $0x800, $0x38;
	[tilespmem:$0x1F800] =	vst v63  }
0x8f: {  	_ =	swait.ge [sflag:s17], $0x800  }
0x90: {  	s3 =	simm.s32 $0x1;
	[sflag:s17] =	ssyncset.done $0x0  }
0x91: {  	s3 =	simm.s32 @!p0 $0x0;
	[sflag:s17] =	ssyncadd.s32 $0xFFFFF800  }
0x92: {  	s3 =	sshll.u32 s3, $0xB;
	_ =	swait.ge [sflag:s20], $0x4000  }
0x93: {  	p1 =	seq.s32 s31, $0x0;
	s9 =	sadd.s32 $0x2800, s3;
	[sflag:s20] =	ssyncset.done $0x0  }
0x94: {  	s10 =	simm.s32 @!p1 $0x4;
	s3 =	sadd.s32 $0x0, s9;
	[sflag:s20] =	ssyncadd.s32 $0xFFFFC000  }
0x95: {  	[spmem:s2] =	stream.indirect.scatter.add.f32 [tilespmem:s18], [sflag:$0x3], $0x80, s3, s19, $0xb8;
	[tilespmem:$0x1F800] =	vst v63  }
0x96: {  	_ =	swait.ge @!p1 [sflag:s10], $0x4000  }
0x97: {  	s14 =	sadd.s32 $0x0, s1;
	[sflag:s10] =	ssyncset.done @!p1 $0x0  }
0x98: {  	s14 =	sadd.s32 $0x80, s14;
	[sflag:s10] =	ssyncadd.s32 @!p1 $0xFFFFC000  }
0x99: {  	[tilespmem:s21], [sflag:$0x2] =	stream.indirect.gather [hbm4b:s6+s19], $0x80, s14, s19, $0xb8;
	[tilespmem:$0x1F800] =	vst v63  }
0x9a: {  	_ =	swait.ge [sflag:s22], $0x4000  }
0x9b: {  	p2 =	sgt.u32 s30, $0x4D;
	[sflag:s22] =	ssyncset.done $0x0  }
0x9c: {  	s15 =	sadd.s32 $0x2, s30;
	s3 =	sadd.s32 $0x80, s3;
	[sflag:s22] =	ssyncadd.s32 $0xFFFFC000  }
0x9d: {  	[spmem:s2] =	stream.indirect.scatter.add.f32 [tilespmem:s21], [sflag:$0x4], $0x80, s3, s19, $0xb8;
	[tilespmem:$0x1F800] =	vst v63  }
0x9e: {  	s16 =	simm.s32 @!p2 $0x3800;
	s10 =	sadd.s32 @!p2 $0x0, s1;
	_ =	swait.ge [sflag:s23], $0x4000  }
0x9f: {  	s14 =	simm.s32 $0x400;
	s3 =	simm.s32 @!p2 $0x80;
	[sflag:s23] =	ssyncset.done $0x0  }
.LBB2_11:
0xa0: {  	[sflag:s23] =	ssyncadd.s32 $0xFFFFC000  }
0xa1: {  	s10 =	sadd.s32 @!p2 $0x100, s10;
	s11 =	smov.u32 s14;
	s14 =	sadd.s32 $0x400, s14  }
0xa2: {  	[tilespmem:s16], [sflag:$0x1] =	stream.indirect.gather @!p2 [hbm4b:s6+s3], $0x80, s10, s3, $0xb8;
	[tilespmem:$0x1F800] =	vst v63  }
0xa3: {  	s3 =	sshra.s32 s11, $0x2;
	p1 =	sne.s32 s14, $0x2000;
	_ =	swait.ge [sflag:s20], $0x4000  }
0xa4: {  	p2 =	seq.s32 s31, s11;
	s10 =	sadd.s32 s3, s9;
	[sflag:s20] =	ssyncset.done $0x0  }
0xa5: {  	s16 =	simm.s32 @!p2 $0x4;
	s3 =	sadd.s32 s3, s1;
	[sflag:s20] =	ssyncadd.s32 $0xFFFFC000  }
0xa6: {  	[spmem:s2] =	stream.indirect.scatter.add.f32 [tilespmem:s18], [sflag:$0x3], $0x80, s10, s19, $0xb8;
	[tilespmem:$0x1F800] =	vst v63  }
0xa7: {  	_ =	swait.ge @!p2 [sflag:s16], $0x4000  }
0xa8: {  	s3 =	sadd.s32 $0x80, s3;
	[sflag:s16] =	ssyncset.done @!p2 $0x0  }
0xa9: {  	[sflag:s16] =	ssyncadd.s32 @!p2 $0xFFFFC000  }
0xaa: {  	[tilespmem:s21], [sflag:$0x2] =	stream.indirect.gather [hbm4b:s6+s19], $0x80, s3, s19, $0xb8;
	[tilespmem:$0x1F800] =	vst v63  }
0xab: {  	_ =	swait.ge [sflag:s22], $0x4000  }
.Ltmp4:
0xac: {  	s3 =	sadd.s32 $0x80, s10;
	[sflag:s22] =	ssyncset.done $0x0;
	(pc) =	sbr.rel @p1 .LBB2_11-.Ltmp4, $4  }
0xad: {  	p2 =	sgt.u32 s15, $0x4D;
	s15 =	sadd.s32 $0x2, s15;
	[sflag:s22] =	ssyncadd.s32 $0xFFFFC000  }
0xae: {  	[spmem:s2] =	stream.indirect.scatter.add.f32 [tilespmem:s21], [sflag:$0x4], $0x80, s3, s19, $0xb8;
	[tilespmem:$0x1F800] =	vst v63  }
0xaf: {  	s16 =	simm.s32 @!p2 $0x3800;
	s3 =	sshra.s32 @!p2 s11, $0x2;
	_ =	swait.ge [sflag:s23], $0x4000  }
0xb0: {  	s10 =	sadd.s32 @!p2 s3, s1;
	s3 =	simm.s32 @!p2 $0x80;
	[sflag:s23] =	ssyncset.done $0x0  }
0xb1: {  	s0 =	sadd.s32 $0x1, s0  }
0xb2: {  	p1 =	sne.s32 s0, $0x5  }
.Ltmp5:
0xb3: {  	_ = 	snop;
	(pc) =	sbr.rel @p1 .LBB2_10-.Ltmp5, $4  }
0xb4: {  	_ = 	snop  }
0xb5: {  	[sflag:s23] =	ssyncadd.s32 $0xFFFFC000;
	s9 =	sadd.s32 @!p2 $0x100, s10;
	p0 =	por !p0, !p0  }
0xb6: {  	s1 =	sadd.s32 $0x800, s1;
	s31 =	sadd.s32 $0xFFFFE000, s31;
	s30 =	sadd.s32 $0x10, s30  }
0xb7: {  	[tilespmem:s16], [sflag:$0x1] =	stream.indirect.gather @!p2 [hbm4b:s6+s3], $0x80, s9, s3, $0xb8;
	[tilespmem:$0x1F800] =	vst v63  }
0xb8: {  	_ =	swait.ge [sflag:s24], $0x4000  }
0xb9: {  	[sflag:s24] =	ssyncset.done $0x0  }
0xba: {  	[sflag:s24] =	ssyncadd.s32 $0xFFFFC000  }
0xbb: {  	[bflag:$0x0] =	sbarrier.arrive $0xFFFF  }
0xbc: {  	s0 =	rddreg [dreg:$0x7]  }
0xbd: {  	[hbm:s0], [sflag:s26] =	dma.local [spmem:s28], $0x2800  }
0xbe: {  	_ =	swait.ge [sflag:s17], $0x2800  }
0xbf: {  	s25 =	sadd.s32 $0x1, s25;
	s30 =	rddreg [dreg:$0x8]  }
0xc0: {  	p0 =	sne.s32 s25, s30  }
.Ltmp6:
0xc1: {  	_ = 	snop;
	(pc) =	sbr.rel @p0 .LBB2_1-.Ltmp6, $3  }
0xc2: {  	_ =	sdelay $0x1  }
0xc3: {  	[sflag:s17] =	ssyncset.done $0x0  }
0xc4: {  	s11 =	smov.u32 s12;
	s31 =	smov.u32 s13;
	[sflag:s17] =	ssyncadd.s32 $0xFFFFD800  }
0xc5: {  	_ =	sfence.sel $0x180000  }
0xc6: {  	[bflag:$0x0] =	sbarrier.arrive $0xFFFF  }
0xc7: {  	_ =	strace $0x9000004A  }
0xc8: {  	s0 =	stileid.u32;
	[bflag:$0x2] =	sbarrier.arrive $0xFFFF  }
0xc9: {  	p0 =	sne.s32 s0, $0x0;
	s0 =	rddreg [dreg:$0x2]  }
0xca: {  	s0 =	sadd.s32 @!p0 $0x100000, s0  }
0xcb: {  	[sflag:s0] =	ssyncadd.tile.s32 @!p0 $0x1;
	_ =	shalt  }
.Lfunc_end2:
_tile_overlayer_lowered:
.L_overlay_start_2:
0xcc: {  	(tag) =	ssettag $0x2  }
0xcd: {  	s0 =	rddreg [dreg:$0x0];
	s2 =	stileid.u32  }
0xce: {  	s1 =	rddreg [dreg:$0x1];
	p0 =	sne.s32 s2, $0x0  }
0xcf: {  	s3 =	rddreg [dreg:$0x2];
	[bflag:$0x3] =	sbarrier.arrive $0xFFFF;
	s2 =	simm.s32 @!p0 $0x1C05  }
0xd0: {  	[timem:s3], [sflag:s2] =	dma.local @!p0 [hbm:s0], s1  }
0xd1: {  	s0 =	simm.s32 @!p0 $0x5  }
0xd2: {  	_ =	swait.ge @!p0 [sflag:s0], s1  }
0xd3: {  	s1 =	ssub.s32 @!p0 $0x0, s1;
	[sflag:s0] =	ssyncset.done @!p0 $0x0  }
0xd4: {  	[sflag:s0] =	ssyncadd.s32 @!p0 s1  }
0xd5: {  	[bflag:$0x3] =	sbarrier.arrive $0xFFFF  }
0xd6: {  	_ =	shalt  }

// kernel: kernel.15.cloned.1.call-start
scs
__scs_entry_jumppad:
0x0: {  	(pc) =	sbr.rel $0x88, $3  }
0x1: {  	(tag) =	ssettag $0x0;
	lr =	simm.s32 $0x1  }
0x2: {  	[smem:$0x3F97] =	sst lr;
	_ =	strace $0xD0000000  }
0x3: {  	_ = 	snop  }
0x4: {  	_ = 	snop  }
0x5: {  	_ = 	snop  }
0x6: {  	_ = 	snop  }
0x7: {  	_ = 	snop  }
__scs_overlays_trampoline_lowered:
0x8: {  	[smem:$0x3FA6] =	sst s0  }
0x9: {  	[smem:$0x3FA7] =	sst s1  }
0xa: {  	[smem:$0x3FA8] =	sst s2  }
0xb: {  	[smem:$0x3FA9] =	sst s3  }
0xc: {  	[smem:$0x3FAA] =	sst s4  }
0xd: {  	[smem:$0x3FAB] =	sst s5  }
0xe: {  	[smem:$0x3FAC] =	sst s6  }
0xf: {  	[smem:$0x3FAD] =	sst s7  }
0x10: {  	[smem:$0x3FAE] =	sst s8  }
0x11: {  	[smem:$0x3FAF] =	sst s9;
	s0 =	simm.s32 @!p0 $0x0  }
0x12: {  	s1 =	sld [smem:$0x3F95];
	s0 =	simm.s32 @p0 $0x1  }
0x13: {  	[smem:$0x3FB0] =	sst s0;
	s0 =	simm.s32 @!p1 $0x0  }
0x14: {  	s2 =	sld [smem:$0x3F94];
	s0 =	simm.s32 @p1 $0x1  }
0x15: {  	[smem:$0x3FB1] =	sst s0;
	s0 =	simm.s32 @!p2 $0x0  }
0x16: {  	s3 =	sld [smem:$0x3FDB];
	s0 =	simm.s32 @p2 $0x1  }
0x17: {  	s4 =	simm.s32 $0x1BF5;
	[smem:$0x3FB3] =	sst s0  }
0x18: {  	s0 =	sld [smem:$0x3F96];
	_ =	swait.ge [sflag:s4], $0x0  }
0x19: {  	s7 =	sld [smem:$0x3F97]  }
0x1a: {  	s8 =	sadd.s32 $0xFFFFE003, lr  }
0x1b: {  	s9 =	sadd.s32 $0xFFFFFEF7, lr;
	s5 =	simm.s32 $0xFFFFFFFF;
	p2 =	slt.u32 s8, $0xFFFFF086  }
0x1c: {  	p1 =	slt.u32 s9, $0xF7A;
	s5 =	simm.s32 @!p2 $0x0  }
0x1d: {  	s5 =	simm.s32 @p1 $0x1;
	p0 =	seq.s32 s7, s2  }
0x1e: {  	s7 =	smul.u32 @!p0 $0xF7A, s2;
	p2 =	seq.s32 @!p0 s5, $0x0  }
0x1f: {  	s9 =	smul.u32 $0xF7A, s1;
	s8 =	simm.s32 @!p0 $0x1BF5;
	p2 =	por !p2, p0  }
0x20: {  	[sflag:s8] =	ssyncset.s32 @!p0 $0xFFFFF086;
	s6 =	sadd.s32 @!p0 s3, s7;
	s7 =	simm.s32 @!p0 $0x108  }
0x21: {  	s3 =	sadd.s32 s3, s9;
	s6 =	sadd.s32 @!p0 $0x88, s6;
	s7 =	simm.s32 @p2 $0x1082  }
0x22: {  	[simem:s7], [sflag:s8] =	dma.local @!p0 [hbm:s6], $0xF7A  }
0x23: {  	s9 =	sor.u32 $0xD0000000, s2;
	s6 =	simm.s32 $0x108;
	_ =	swait.ge @!p0 [sflag:s8], $0x0  }
0x24: {  	s3 =	sadd.s32 $0x88, s3;
	s6 =	simm.s32 @!p1 $0x1082;
	[sflag:s4] =	ssyncset.s32 $0xFFFFF086  }
0x25: {  	[simem:s6], [sflag:s4] =	dma.local [hbm:s3], $0xF7A  }
0x26: {  	[smem:$0x3F97] =	sst s1;
	(tag) =	ssettag s2;
	_ =	strace s9  }
0x27: {  	s1 =	sld [smem:$0x3FA7]  }
0x28: {  	s2 =	sld [smem:$0x3FA8]  }
0x29: {  	s4 =	sld [smem:$0x3FAA]  }
0x2a: {  	p0 =	seq.s32 s5, $0x0;
	s5 =	sld [smem:$0x3FAB]  }
0x2b: {  	s6 =	sld [smem:$0x3FAC]  }
0x2c: {  	s7 =	sld [smem:$0x3FAD]  }
0x2d: {  	s3 =	simm.s32 $0x108;
	s8 =	sld [smem:$0x3FAE]  }
0x2e: {  	s3 =	simm.s32 @!p0 $0x1082;
	s9 =	sld [smem:$0x3FAF]  }
0x2f: {  	lr =	sadd.s32 s0, s3;
	s0 =	sld [smem:$0x3FA6]  }
0x30: {  	s3 =	sld [smem:$0x3FA9]  }
0x31: {  	[smem:$0x3FB2] =	sst s10  }
0x32: {  	s10 =	sld [smem:$0x3FB0];
	_ =	sdelay $0x3  }
0x33: {  	p0 =	seq.s32 s10, $0x1;
	s10 =	sld [smem:$0x3FB2];
	_ =	sdelay $0x3  }
0x34: {  	[smem:$0x3FB2] =	sst s10  }
0x35: {  	s10 =	sld [smem:$0x3FB1];
	_ =	sdelay $0x3  }
0x36: {  	p1 =	seq.s32 s10, $0x1;
	s10 =	sld [smem:$0x3FB2];
	_ =	sdelay $0x3  }
0x37: {  	[smem:$0x3FB2] =	sst s10  }
0x38: {  	s10 =	sld [smem:$0x3FB3]  }
0x39: {  	_ = 	snop;
	(pc) =	sbr.ind lr, $3  }
0x3a: {  	_ = 	snop  }
0x3b: {  	_ = 	snop  }
0x3c: {  	p2 =	seq.s32 s10, $0x1;
	s10 =	sld [smem:$0x3FB2]  }
0x3d: {  	_ =	shalt  }
0x3e: {  	_ =	shalt  }
0x3f: {  	_ =	shalt  }
0x40: {  	_ =	shalt  }
0x41: {  	_ =	shalt  }
0x42: {  	_ =	shalt  }
0x43: {  	_ =	shalt  }
0x44: {  	_ =	shalt  }
0x45: {  	_ =	shalt  }
0x46: {  	_ =	shalt  }
0x47: {  	_ =	shalt  }
0x48: {  	_ =	shalt  }
0x49: {  	_ =	shalt  }
0x4a: {  	_ =	shalt  }
0x4b: {  	_ =	shalt  }
0x4c: {  	_ =	shalt  }
0x4d: {  	_ =	shalt  }
0x4e: {  	_ =	shalt  }
0x4f: {  	_ =	shalt  }
0x50: {  	_ =	shalt  }
0x51: {  	_ =	shalt  }
0x52: {  	_ =	shalt  }
0x53: {  	_ =	shalt  }
0x54: {  	_ =	shalt  }
0x55: {  	_ =	shalt  }
0x56: {  	_ =	shalt  }
0x57: {  	_ =	shalt  }
0x58: {  	_ =	shalt  }
0x59: {  	_ =	shalt  }
0x5a: {  	_ =	shalt  }
0x5b: {  	_ =	shalt  }
0x5c: {  	_ =	shalt  }
0x5d: {  	_ =	shalt  }
0x5e: {  	_ =	shalt  }
0x5f: {  	_ =	shalt  }
0x60: {  	_ =	shalt  }
0x61: {  	_ =	shalt  }
0x62: {  	_ =	shalt  }
0x63: {  	_ =	shalt  }
0x64: {  	_ =	shalt  }
0x65: {  	_ =	shalt  }
0x66: {  	_ =	shalt  }
0x67: {  	_ =	shalt  }
0x68: {  	_ =	shalt  }
0x69: {  	_ =	shalt  }
0x6a: {  	_ =	shalt  }
0x6b: {  	_ =	shalt  }
0x6c: {  	_ =	shalt  }
0x6d: {  	_ =	shalt  }
0x6e: {  	_ =	shalt  }
0x6f: {  	_ =	shalt  }
0x70: {  	_ =	shalt  }
0x71: {  	_ =	shalt  }
0x72: {  	_ =	shalt  }
0x73: {  	_ =	shalt  }
0x74: {  	_ =	shalt  }
0x75: {  	_ =	shalt  }
0x76: {  	_ =	shalt  }
0x77: {  	_ =	shalt  }
0x78: {  	_ =	shalt  }
0x79: {  	_ =	shalt  }
0x7a: {  	_ =	shalt  }
0x7b: {  	_ =	shalt  }
0x7c: {  	_ =	shalt  }
0x7d: {  	_ =	shalt  }
0x7e: {  	_ =	shalt  }
0x7f: {  	_ =	shalt  }
0x80: {  	_ =	shalt  }
0x81: {  	_ =	shalt  }
0x82: {  	_ =	shalt  }
0x83: {  	_ =	shalt  }
0x84: {  	_ =	shalt  }
0x85: {  	_ =	shalt  }
0x86: {  	_ =	shalt  }
0x87: {  	_ =	shalt  }
.Lfunc_end0:
.L_simem_size_0:
called_computation.2_lowered:
.L_overlay_start_0:
0x88: {  	s2 =	sld [smem:$0x3FD9]  }
0x89: {  	s3 =	sld [smem:$0x3FFE];
	_ =	sdelay $0x1  }
0x8a: {  	s1 =	srdreg.scid  }
0x8b: {  	s0 =	sand.u32 $0x1, s1  }
0x8c: {  	s16 =	sshll.u32 s0, $0xA;
	s2 =	sadd.s32 s3, s2  }
0x8d: {  	s2 =	sadd.s32 s2, s16  }
0x8e: {  	[smem:$0x3FBE] =	sst s2  }
0x8f: {  	_ = 	snop  }
0x90: {  	(tm) =	ssettm $0x1  }
0x91: {  	s17 =	sld [smem:$0x3FFB];
	_ =	sdelay $0x3  }
0x92: {  	_ =	strace s17  }
0x93: {  	s2 =	sld [smem:$0x3FFC];
	_ =	sdelay $0x3  }
0x94: {  	_ =	strace s2  }
0x95: {  	s2 =	sld [smem:$0x3FFD];
	_ =	sdelay $0x3  }
0x96: {  	_ =	strace s2  }
0x97: {  	_ =	strace $0x8FFFFFFF  }
0x98: {  	s18 =	sld [smem:$0x3FDB];
	_ =	sdelay $0x1  }
0x99: {  	s19 =	simm.s32 $_scs_section_size  }
0x9a: {  	s4 =	simm.s32 $_size__tile_overlayer_lowered;
	s5 =	simm.s32 $_tile_overlayer_lowered  }
0x9b: {  	s22 =	simm.s32 $0x1BFF;
	s21 =	sshll.u32 s5, $0x1;
	s2 =	sadd.s32 s19, s18  }
0x9c: {  	s6 =	simm.s32 $0x0;
	s20 =	sshll.u32 s4, $0x1;
	s4 =	sadd.s32 s21, s2  }
0x9d: {  	[timem:s6], [sflag:s22] =	dma.local [hbm:s4], s20  }
0x9e: {  	_ =	swait.ge [sflag:s22], s20  }
0x9f: {  	s3 =	ssub.s32 $0x0, s20;
	[sflag:s22] =	ssyncset.done $0x0  }
0xa0: {  	[sflag:s22] =	ssyncadd.s32 s3;
	_ =	sdelay $0x1  }
0xa1: {  	s23 =	simm.s32 $0x1B8B  }
0xa2: {  	_ =	swait.ge [sflag:s23], $0x1  }
0xa3: {  	[sflag:s23] =	ssyncset.done $0x0  }
0xa4: {  	s25 =	simm.s32 $0x1B8E;
	s24 =	sld [smem:$0x3FFE];
	[sflag:s23] =	ssyncadd.s32 $0xFFFFFFFF  }
0xa5: {  	s26 =	simm.s32 $execute0_lowered;
	[smem:$0x3FD2] =	sst s25  }
0xa6: {  	s4 =	sshll.u32 s26, $0x1;
	_ =	strace $0x8000004C;
	[dreg:$0x1] =	wrdreg $0xFFFFFFFF  }
0xa7: {  	s28 =	simm.s32 $_size_execute0_lowered;
	s2 =	sadd.s32 s2, s4;
	[dreg:$0x0] =	wrdreg $0x0  }
0xa8: {  	s4 =	sshll.u32 s28, $0x1;
	[dreg:$0x2] =	wrdreg s2  }
0xa9: {  	[dreg:$0x3] =	wrdreg s4  }
0xaa: {  	[dreg:$0x4] =	wrdreg $0xC0  }
0xab: {  	_ =	task [dreg:s6], $0x5FFFF  }
0xac: {  	[dreg:$0x1] =	wrdreg $0xFFFFFFFF  }
0xad: {  	[dreg:$0x0] =	wrdreg $0x60  }
0xae: {  	[dreg:$0x2] =	wrdreg s24  }
0xaf: {  	[dreg:$0x3] =	wrdreg $0xB8000  }
0xb0: {  	[dreg:$0x4] =	wrdreg $0x9  }
0xb1: {  	_ =	task.clear_ibuf [dreg:s6], $0x5FFFF;
	_ =	strace $0x9000004C  }
0xb2: {  	s29 =	simm.s32 $0x9;
	_ =	strace $0x8000004E  }
0xb3: {  	_ =	swait.ge [sflag:s29], $0x1  }
0xb4: {  	[sflag:s29] =	ssyncadd.s32 $0xFFFFFFFF  }
0xb5: {  	_ =	strace $0x9000004E  }
0xb6: {  	_ =	sfence  }
0xb7: {  	s30 =	sld [smem:$0x0];
	_ =	sdelay $0x2  }
0xb8: {  	s31 =	sshll.u32 s1, $0xD;
	s1 =	sshrl.u32 s1, $0x2  }
0xb9: {  	s3 =	sand.u32 $0x4000, s31;
	s1 =	sadd.s32 s1, s30  }
0xba: {  	s0 =	sor.u32 s3, s0;
	s1 =	sshll.u32 s1, $0x11  }
0xbb: {  	s0 =	sor.u32 s1, s0  }
0xbc: {  	s0 =	sadd.s32 $0x8F2B, s0  }
0xbd: {  	[sflag:s0] =	ssyncadd.remote.s32 $0x1  }
0xbe: {  	_ =	sfence.sel $0xFFFF  }
0xbf: {  	[dreg:$0x0] =	wrdreg $0xFFFFFFFF;
	(pc) =	sbr.abs _section_cstart, $3  }
0xc0: {  	[dreg:$0x1] =	wrdreg $0xFFFFFFFF  }
0xc1: {  	_ =	task.clear_ibuf [dreg:s6], $0x2FFFF;
	_ =	strace $0x9FFFFFFF  }
0xc2: {  	(tm) =	ssettm $0x7FFFFFFF  }
0xc3: {  	_ =	shalt  }
tec
execute0_lowered:
.L_overlay_start_1:
0x0: {  	(tag) =	ssettag $0x1  }
0x1: {  	s0 =	srdreg.scid;
	s1 =	rddreg [dreg:$0x0]  }
0x2: {  	s9 =	stileid.u32;
	s2 =	rddreg [dreg:$0x1];
	s5 =	simm.s32 $0x0  }
0x3: {  	s17 =	simm.s32 $0x5;
	s18 =	simm.s32 $0x3800;
	s19 =	simm.s32 $0x80  }
0x4: {  	s20 =	simm.s32 $0x1;
	s21 =	simm.s32 $0x7800;
	s22 =	simm.s32 $0x2  }
0x5: {  	s0 =	sand.u32 $0x1, s0;
	s3 =	sshll.u32 s9, $0x1;
	s8 =	smul.u32 $0x14000, s9  }
0x6: {  	[smem:$0x7FF] =	sst s5;
	s5 =	sadd.s32 $0x19600, s1;
	s9 =	smul.u32 $0x50000, s9  }
0x7: {  	s6 =	sadd.s32 $0x41600, s1;
	s3 =	sor.u32 s0, s3;
	s23 =	smul.u32 $0x140000, s0  }
0x8: {  	_ =	strace $0x8000004D;
	s0 =	ssub.s32 $0x2, s0;
	s4 =	smul.u32 $0x2800, s3  }
0x9: {  	s24 =	sshrl.u32 s9, $0x2;
	s25 =	sshrl.u32 s0, $0x1;
	s3 =	sadd.s32 s8, s23  }
0xa: {  	s8 =	sadd.s32 s24, s2;
	s0 =	ssub.s32 s0, s25;
	s23 =	simm.s32 $0x3  }
0xb: {  	s7 =	sshrl.u32 s4, $0x3;
	s3 =	sshrl.u32 s3, $0x3;
	s28 =	sadd.s32 $0xC000, s8  }
0xc: {  	s29 =	sadd.s32 $0x10000, s8;
	s0 =	smax.u32 s0, $0x1;
	[dreg:$0x4] =	wrdreg s28  }
0xd: {  	s10 =	sadd.s32 s7, s1;
	s7 =	sadd.s32 $0xF600, s1;
	[dreg:$0x5] =	wrdreg s29  }
0xe: {  	s1 =	sadd.s32 s3, s1;
	[dreg:$0x8] =	wrdreg s0;
	s26 =	sadd.s32 $0x5600, s10  }
0xf: {  	s24 =	simm.s32 $0x4;
	s30 =	sadd.s32 $0x91600, s1;
	[dreg:$0x3] =	wrdreg s26  }
0x10: {  	s25 =	simm.s32 $0x0;
	s1 =	sadd.s32 $0xE1600, s1;
	[dreg:$0x6] =	wrdreg s30  }
0x11: {  	v0 =	vimm.f32 $0.0e+00;
	s11 =	sadd.s32 $0x4000, s8;
	s31 =	sadd.s32 $0x8000, s8;
	[dreg:$0x7] =	wrdreg s1  }
.LBB2_1:
0x12: {  	s1 =	simm.s32 $0x0;
	s0 =	rddreg [dreg:$0x3]  }
0x13: {  	[tilespmem:s1], [sflag:$0x5] =	stream.linear.gather [hbm4b:s0+s1], $0x2800, $0x38;
	[tilespmem:$0x1F800] =	vst v63  }
0x14: {  	s30 =	sand.u32 $0xFE00, s1;
	s1 =	sand.u32 $0x70, s1;
	_ =	swait.ge [sflag:s17], $0x2800  }
0x15: {  	s0 =	simm.s32 $0x40;
	s3 =	sshrl.u32 s30, $0x2;
	[sflag:s17] =	ssyncset.done $0x0  }
0x16: {  	s3 =	sor.u32 s1, s3;
	s1 =	simm.s32 $0x0;
	[sflag:s17] =	ssyncadd.s32 $0xFFFFD800  }
.LBB2_2:
0x17: {  	p0 =	sne.s32 s0, $0xFFC0  }
0x18: {  	[tilespmem:s3+$0x3800] =	vst v0;
	s1 =	sadd.s32 $0x10, s1;
	s3 =	smov.u32 s0;
	s0 =	sadd.s32 $0x40, s0  }
.Ltmp0:
0x19: {  	(pc) =	sbr.rel @p0 .LBB2_2-.Ltmp0, $4  }
0x1a: {  	_ = 	snop  }
0x1b: {  	s3 =	sand.u32 $0xFE00, s3  }
0x1c: {  	s9 =	sand.u32 $0x70, s1;
	s3 =	sshrl.u32 s3, $0x2  }
0x1d: {  	s3 =	sor.u32 s9, s3  }
0x1e: {  	[tilespmem:s3+$0x3800] =	vst v0  }
0x1f: {  	[spmem:s8] =	stream.linear.scatter [tilespmem:s18], [sflag:$0x5], $0x4000, $0x38;
	[tilespmem:$0x1F800] =	vst v63  }
0x20: {  	_ =	swait.ge [sflag:s17], $0x4000  }
0x21: {  	[sflag:s17] =	ssyncset.done $0x0  }
0x22: {  	[sflag:s17] =	ssyncadd.s32 $0xFFFFC000  }
0x23: {  	[spmem:s11] =	stream.linear.scatter [tilespmem:s18], [sflag:$0x5], $0x4000, $0x38;
	[tilespmem:$0x1F800] =	vst v63  }
0x24: {  	_ =	swait.ge [sflag:s17], $0x4000  }
0x25: {  	[sflag:s17] =	ssyncset.done $0x0  }
0x26: {  	[sflag:s17] =	ssyncadd.s32 $0xFFFFC000  }
0x27: {  	[spmem:s31] =	stream.linear.scatter [tilespmem:s18], [sflag:$0x5], $0x4000, $0x38;
	[tilespmem:$0x1F800] =	vst v63  }
0x28: {  	_ =	swait.ge [sflag:s17], $0x4000  }
0x29: {  	[sflag:s17] =	ssyncset.done $0x0  }
0x2a: {  	s0 =	rddreg [dreg:$0x4];
	[sflag:s17] =	ssyncadd.s32 $0xFFFFC000  }
0x2b: {  	[spmem:s0] =	stream.linear.scatter [tilespmem:s18], [sflag:$0x5], $0x4000, $0x38;
	[tilespmem:$0x1F800] =	vst v63  }
0x2c: {  	_ =	swait.ge [sflag:s17], $0x4000  }
0x2d: {  	[sflag:s17] =	ssyncset.done $0x0  }
0x2e: {  	s26 =	rddreg [dreg:$0x5];
	[sflag:s17] =	ssyncadd.s32 $0xFFFFC000  }
0x2f: {  	[spmem:s26] =	stream.linear.scatter [tilespmem:s18], [sflag:$0x5], $0x4000, $0x38;
	[tilespmem:$0x1F800] =	vst v63  }
0x30: {  	_ =	swait.ge [sflag:s17], $0x4000  }
0x31: {  	p0 =	por $0x0, $0x0;
	s28 =	simm.s32 $0x0;
	[sflag:s17] =	ssyncset.done $0x0  }
0x32: {  	s29 =	simm.s32 $0x0;
	s26 =	simm.s32 $0x0;
	[sflag:s17] =	ssyncadd.s32 $0xFFFFC000  }
0x33: {  	[tilespmem:s18], [sflag:$0x1] =	stream.indirect.gather [hbm4b:s5+s19], $0x80, s26, s19, $0xb8;
	[tilespmem:$0x1F800] =	vst v63  }
0x34: {  	s30 =	simm.s32 $0x0;
	s1 =	simm.s32 $0x0;
	[bflag:$0x0] =	sbarrier.arrive $0xFFFF  }
.LBB2_4:
0x35: {  	s0 =	sshll.u32 s1, $0xB  }
0x36: {  	s3 =	sadd.s32 s4, s0  }
0x37: {  	s0 =	sand.u32 $0x800, s0;
	s3 =	sshrl.u32 s3, $0x3  }
0x38: {  	s0 =	sadd.s32 $0x2800, s0;
	s3 =	sadd.s32 s7, s3  }
0x39: {  	[tilespmem:s0], [sflag:$0x5] =	stream.linear.gather [hbm4b:s3+s26], $0x800, $0x38;
	[tilespmem:$0x1F800] =	vst v63  }
0x3a: {  	_ =	swait.ge [sflag:s17], $0x800  }
0x3b: {  	s0 =	simm.s32 $0x1;
	[sflag:s17] =	ssyncset.done $0x0  }
0x3c: {  	s0 =	simm.s32 @!p0 $0x0;
	[sflag:s17] =	ssyncadd.s32 $0xFFFFF800  }
0x3d: {  	s0 =	sshll.u32 s0, $0xB;
	_ =	swait.ge [sflag:s20], $0x4000  }
0x3e: {  	p1 =	seq.s32 s29, $0x0;
	s0 =	sadd.s32 $0x2800, s0;
	[sflag:s20] =	ssyncset.done $0x0  }
0x3f: {  	s9 =	simm.s32 @!p1 $0x4;
	s16 =	sadd.s32 $0x0, s0;
	[sflag:s20] =	ssyncadd.s32 $0xFFFFC000  }
0x40: {  	[spmem:s2] =	stream.indirect.scatter.add.f32 [tilespmem:s18], [sflag:$0x3], $0x80, s16, s19, $0xb8;
	[tilespmem:$0x1F800] =	vst v63  }
0x41: {  	_ =	swait.ge @!p1 [sflag:s9], $0x4000  }
0x42: {  	s10 =	sadd.s32 $0x0, s30;
	[sflag:s9] =	ssyncset.done @!p1 $0x0  }
0x43: {  	s10 =	sadd.s32 $0x80, s10;
	[sflag:s9] =	ssyncadd.s32 @!p1 $0xFFFFC000  }
0x44: {  	[tilespmem:s21], [sflag:$0x2] =	stream.indirect.gather [hbm4b:s5+s19], $0x80, s10, s19, $0xb8;
	[tilespmem:$0x1F800] =	vst v63  }
0x45: {  	_ =	swait.ge [sflag:s22], $0x4000  }
0x46: {  	p2 =	sgt.u32 s28, $0x4D;
	[sflag:s22] =	ssyncset.done $0x0  }
0x47: {  	s14 =	sadd.s32 $0x2, s28;
	s3 =	sadd.s32 $0x80, s16;
	[sflag:s22] =	ssyncadd.s32 $0xFFFFC000  }
0x48: {  	[spmem:s2] =	stream.indirect.scatter.add.f32 [tilespmem:s21], [sflag:$0x4], $0x80, s3, s19, $0xb8;
	[tilespmem:$0x1F800] =	vst v63  }
0x49: {  	s15 =	simm.s32 @!p2 $0x3800;
	s16 =	simm.s32 @!p2 $0x80;
	_ =	swait.ge [sflag:s23], $0x4000  }
0x4a: {  	s9 =	simm.s32 $0x400;
	s3 =	sadd.s32 @!p2 $0x0, s30;
	[sflag:s23] =	ssyncset.done $0x0  }
.LBB2_5:
0x4b: {  	[sflag:s23] =	ssyncadd.s32 $0xFFFFC000  }
0x4c: {  	s3 =	sadd.s32 @!p2 $0x100, s3;
	s10 =	smov.u32 s9;
	s9 =	sadd.s32 $0x400, s9  }
0x4d: {  	[tilespmem:s15], [sflag:$0x1] =	stream.indirect.gather @!p2 [hbm4b:s5+s16], $0x80, s3, s16, $0xb8;
	[tilespmem:$0x1F800] =	vst v63  }
0x4e: {  	s3 =	sshra.s32 s10, $0x2;
	p1 =	sne.s32 s9, $0x2000;
	_ =	swait.ge [sflag:s20], $0x4000  }
0x4f: {  	p2 =	seq.s32 s29, s10;
	s15 =	sadd.s32 s3, s0;
	[sflag:s20] =	ssyncset.done $0x0  }
0x50: {  	s16 =	simm.s32 @!p2 $0x4;
	s3 =	sadd.s32 s3, s30;
	[sflag:s20] =	ssyncadd.s32 $0xFFFFC000  }
0x51: {  	[spmem:s2] =	stream.indirect.scatter.add.f32 [tilespmem:s18], [sflag:$0x3], $0x80, s15, s19, $0xb8;
	[tilespmem:$0x1F800] =	vst v63  }
0x52: {  	_ =	swait.ge @!p2 [sflag:s16], $0x4000  }
0x53: {  	s3 =	sadd.s32 $0x80, s3;
	[sflag:s16] =	ssyncset.done @!p2 $0x0  }
0x54: {  	[sflag:s16] =	ssyncadd.s32 @!p2 $0xFFFFC000  }
0x55: {  	[tilespmem:s21], [sflag:$0x2] =	stream.indirect.gather [hbm4b:s5+s19], $0x80, s3, s19, $0xb8;
	[tilespmem:$0x1F800] =	vst v63  }
0x56: {  	_ =	swait.ge [sflag:s22], $0x4000  }
.Ltmp1:
0x57: {  	s3 =	sadd.s32 $0x80, s15;
	[sflag:s22] =	ssyncset.done $0x0;
	(pc) =	sbr.rel @p1 .LBB2_5-.Ltmp1, $4  }
0x58: {  	p2 =	sgt.u32 s14, $0x4D;
	s14 =	sadd.s32 $0x2, s14;
	[sflag:s22] =	ssyncadd.s32 $0xFFFFC000  }
0x59: {  	[spmem:s2] =	stream.indirect.scatter.add.f32 [tilespmem:s21], [sflag:$0x4], $0x80, s3, s19, $0xb8;
	[tilespmem:$0x1F800] =	vst v63  }
0x5a: {  	s15 =	simm.s32 @!p2 $0x3800;
	s3 =	sshra.s32 @!p2 s10, $0x2;
	_ =	swait.ge [sflag:s23], $0x4000  }
0x5b: {  	s16 =	simm.s32 @!p2 $0x80;
	s3 =	sadd.s32 @!p2 s3, s30;
	[sflag:s23] =	ssyncset.done $0x0  }
0x5c: {  	s1 =	sadd.s32 $0x1, s1  }
0x5d: {  	p1 =	sne.s32 s1, $0x5  }
.Ltmp2:
0x5e: {  	_ = 	snop;
	(pc) =	sbr.rel @p1 .LBB2_4-.Ltmp2, $4  }
0x5f: {  	_ = 	snop  }
0x60: {  	[sflag:s23] =	ssyncadd.s32 $0xFFFFC000;
	s0 =	sadd.s32 @!p2 $0x100, s3;
	p0 =	por !p0, !p0  }
0x61: {  	s30 =	sadd.s32 $0x800, s30;
	s29 =	sadd.s32 $0xFFFFE000, s29;
	s28 =	sadd.s32 $0x10, s28  }
0x62: {  	[tilespmem:s15], [sflag:$0x1] =	stream.indirect.gather @!p2 [hbm4b:s5+s16], $0x80, s0, s16, $0xb8;
	[tilespmem:$0x1F800] =	vst v63  }
0x63: {  	_ =	swait.ge [sflag:s24], $0x4000  }
0x64: {  	[sflag:s24] =	ssyncset.done $0x0  }
0x65: {  	s0 =	stileid.u32;
	[sflag:s24] =	ssyncadd.s32 $0xFFFFC000  }
0x66: {  	s28 =	sshrl.u32 s8, $0x3;
	s0 =	sshll.u32 s0, $0x6;
	[bflag:$0x0] =	sbarrier.arrive $0xFFFF  }
0x67: {  	s26 =	sor.u32 $0x1C05, s0;
	s0 =	simm.s32 $0x0;
	s30 =	rddreg [dreg:$0x6]  }
0x68: {  	[hbm:s30], [sflag:s26] =	dma.local [spmem:s28], $0x2800  }
0x69: {  	s1 =	sand.u32 $0xFE00, s0;
	_ =	swait.ge [sflag:s17], $0x2800  }
0x6a: {  	s3 =	sand.u32 $0x70, s0;
	s9 =	sshrl.u32 s1, $0x2;
	[sflag:s17] =	ssyncset.done $0x0  }
0x6b: {  	s1 =	simm.s32 $0x40;
	s3 =	sor.u32 s3, s9;
	[sflag:s17] =	ssyncadd.s32 $0xFFFFD800  }
.LBB2_8:
0x6c: {  	p0 =	sne.s32 s1, $0xFFC0  }
0x6d: {  	[tilespmem:s3+$0x3800] =	vst v0;
	s0 =	sadd.s32 $0x10, s0;
	s3 =	smov.u32 s1;
	s1 =	sadd.s32 $0x40, s1  }
.Ltmp3:
0x6e: {  	(pc) =	sbr.rel @p0 .LBB2_8-.Ltmp3, $4  }
0x6f: {  	_ = 	snop  }
0x70: {  	s3 =	sand.u32 $0xFE00, s3  }
0x71: {  	s9 =	sand.u32 $0x70, s0;
	s3 =	sshrl.u32 s3, $0x2  }
0x72: {  	s3 =	sor.u32 s9, s3  }
0x73: {  	[tilespmem:s3+$0x3800] =	vst v0  }
0x74: {  	[spmem:s8] =	stream.linear.scatter [tilespmem:s18], [sflag:$0x5], $0x4000, $0x38;
	[tilespmem:$0x1F800] =	vst v63  }
0x75: {  	_ =	swait.ge [sflag:s17], $0x4000  }
0x76: {  	[sflag:s17] =	ssyncset.done $0x0  }
0x77: {  	[sflag:s17] =	ssyncadd.s32 $0xFFFFC000  }
0x78: {  	[spmem:s11] =	stream.linear.scatter [tilespmem:s18], [sflag:$0x5], $0x4000, $0x38;
	[tilespmem:$0x1F800] =	vst v63  }
0x79: {  	_ =	swait.ge [sflag:s17], $0x4000  }
0x7a: {  	[sflag:s17] =	ssyncset.done $0x0  }
0x7b: {  	[sflag:s17] =	ssyncadd.s32 $0xFFFFC000  }
0x7c: {  	[spmem:s31] =	stream.linear.scatter [tilespmem:s18], [sflag:$0x5], $0x4000, $0x38;
	[tilespmem:$0x1F800] =	vst v63  }
0x7d: {  	_ =	swait.ge [sflag:s17], $0x4000  }
0x7e: {  	[sflag:s17] =	ssyncset.done $0x0  }
0x7f: {  	s0 =	rddreg [dreg:$0x4];
	[sflag:s17] =	ssyncadd.s32 $0xFFFFC000  }
0x80: {  	[spmem:s0] =	stream.linear.scatter [tilespmem:s18], [sflag:$0x5], $0x4000, $0x38;
	[tilespmem:$0x1F800] =	vst v63  }
0x81: {  	_ =	swait.ge [sflag:s17], $0x4000  }
0x82: {  	[sflag:s17] =	ssyncset.done $0x0  }
0x83: {  	s16 =	rddreg [dreg:$0x5];
	[sflag:s17] =	ssyncadd.s32 $0xFFFFC000  }
0x84: {  	[spmem:s16] =	stream.linear.scatter [tilespmem:s18], [sflag:$0x5], $0x4000, $0x38;
	[tilespmem:$0x1F800] =	vst v63  }
0x85: {  	s12 =	smov.u32 s11;
	s13 =	smov.u32 s31;
	_ =	swait.ge [sflag:s17], $0x4000  }
0x86: {  	s29 =	simm.s32 $0x0;
	p0 =	por $0x0, $0x0;
	[sflag:s17] =	ssyncset.done $0x0  }
0x87: {  	s30 =	simm.s32 $0x0;
	s1 =	simm.s32 $0x0;
	[sflag:s17] =	ssyncadd.s32 $0xFFFFC000  }
0x88: {  	[tilespmem:s18], [sflag:$0x1] =	stream.indirect.gather [hbm4b:s6+s19], $0x80, s29, s19, $0xb8;
	[tilespmem:$0x1F800] =	vst v63  }
0x89: {  	s31 =	simm.s32 $0x0;
	s0 =	simm.s32 $0x0;
	[bflag:$0x0] =	sbarrier.arrive $0xFFFF  }
.LBB2_10:
0x8a: {  	s3 =	sshll.u32 s0, $0xB  }
0x8b: {  	s9 =	sadd.s32 s4, s3  }
0x8c: {  	s3 =	sand.u32 $0x800, s3;
	s9 =	sshrl.u32 s9, $0x3  }
0x8d: {  	s3 =	sadd.s32 $0x2800, s3;
	s9 =	sadd.s32 s7, s9  }
0x8e: {  	[tilespmem:s3], [sflag:$0x5] =	stream.linear.gather [hbm4b:s9+s29], $0x800, $0x38;
	[tilespmem:$0x1F800] =	vst v63  }
0x8f: {  	_ =	swait.ge [sflag:s17], $0x800  }
0x90: {  	s3 =	simm.s32 $0x1;
	[sflag:s17] =	ssyncset.done $0x0  }
0x91: {  	s3 =	simm.s32 @!p0 $0x0;
	[sflag:s17] =	ssyncadd.s32 $0xFFFFF800  }
0x92: {  	s3 =	sshll.u32 s3, $0xB;
	_ =	swait.ge [sflag:s20], $0x4000  }
0x93: {  	p1 =	seq.s32 s31, $0x0;
	s9 =	sadd.s32 $0x2800, s3;
	[sflag:s20] =	ssyncset.done $0x0  }
0x94: {  	s10 =	simm.s32 @!p1 $0x4;
	s3 =	sadd.s32 $0x0, s9;
	[sflag:s20] =	ssyncadd.s32 $0xFFFFC000  }
0x95: {  	[spmem:s2] =	stream.indirect.scatter.add.f32 [tilespmem:s18], [sflag:$0x3], $0x80, s3, s19, $0xb8;
	[tilespmem:$0x1F800] =	vst v63  }
0x96: {  	_ =	swait.ge @!p1 [sflag:s10], $0x4000  }
0x97: {  	s14 =	sadd.s32 $0x0, s1;
	[sflag:s10] =	ssyncset.done @!p1 $0x0  }
0x98: {  	s14 =	sadd.s32 $0x80, s14;
	[sflag:s10] =	ssyncadd.s32 @!p1 $0xFFFFC000  }
0x99: {  	[tilespmem:s21], [sflag:$0x2] =	stream.indirect.gather [hbm4b:s6+s19], $0x80, s14, s19, $0xb8;
	[tilespmem:$0x1F800] =	vst v63  }
0x9a: {  	_ =	swait.ge [sflag:s22], $0x4000  }
0x9b: {  	p2 =	sgt.u32 s30, $0x4D;
	[sflag:s22] =	ssyncset.done $0x0  }
0x9c: {  	s15 =	sadd.s32 $0x2, s30;
	s3 =	sadd.s32 $0x80, s3;
	[sflag:s22] =	ssyncadd.s32 $0xFFFFC000  }
0x9d: {  	[spmem:s2] =	stream.indirect.scatter.add.f32 [tilespmem:s21], [sflag:$0x4], $0x80, s3, s19, $0xb8;
	[tilespmem:$0x1F800] =	vst v63  }
0x9e: {  	s16 =	simm.s32 @!p2 $0x3800;
	s10 =	sadd.s32 @!p2 $0x0, s1;
	_ =	swait.ge [sflag:s23], $0x4000  }
0x9f: {  	s14 =	simm.s32 $0x400;
	s3 =	simm.s32 @!p2 $0x80;
	[sflag:s23] =	ssyncset.done $0x0  }
.LBB2_11:
0xa0: {  	[sflag:s23] =	ssyncadd.s32 $0xFFFFC000  }
0xa1: {  	s10 =	sadd.s32 @!p2 $0x100, s10;
	s11 =	smov.u32 s14;
	s14 =	sadd.s32 $0x400, s14  }
0xa2: {  	[tilespmem:s16], [sflag:$0x1] =	stream.indirect.gather @!p2 [hbm4b:s6+s3], $0x80, s10, s3, $0xb8;
	[tilespmem:$0x1F800] =	vst v63  }
0xa3: {  	s3 =	sshra.s32 s11, $0x2;
	p1 =	sne.s32 s14, $0x2000;
	_ =	swait.ge [sflag:s20], $0x4000  }
0xa4: {  	p2 =	seq.s32 s31, s11;
	s10 =	sadd.s32 s3, s9;
	[sflag:s20] =	ssyncset.done $0x0  }
0xa5: {  	s16 =	simm.s32 @!p2 $0x4;
	s3 =	sadd.s32 s3, s1;
	[sflag:s20] =	ssyncadd.s32 $0xFFFFC000  }
0xa6: {  	[spmem:s2] =	stream.indirect.scatter.add.f32 [tilespmem:s18], [sflag:$0x3], $0x80, s10, s19, $0xb8;
	[tilespmem:$0x1F800] =	vst v63  }
0xa7: {  	_ =	swait.ge @!p2 [sflag:s16], $0x4000  }
0xa8: {  	s3 =	sadd.s32 $0x80, s3;
	[sflag:s16] =	ssyncset.done @!p2 $0x0  }
0xa9: {  	[sflag:s16] =	ssyncadd.s32 @!p2 $0xFFFFC000  }
0xaa: {  	[tilespmem:s21], [sflag:$0x2] =	stream.indirect.gather [hbm4b:s6+s19], $0x80, s3, s19, $0xb8;
	[tilespmem:$0x1F800] =	vst v63  }
0xab: {  	_ =	swait.ge [sflag:s22], $0x4000  }
.Ltmp4:
0xac: {  	s3 =	sadd.s32 $0x80, s10;
	[sflag:s22] =	ssyncset.done $0x0;
	(pc) =	sbr.rel @p1 .LBB2_11-.Ltmp4, $4  }
0xad: {  	p2 =	sgt.u32 s15, $0x4D;
	s15 =	sadd.s32 $0x2, s15;
	[sflag:s22] =	ssyncadd.s32 $0xFFFFC000  }
0xae: {  	[spmem:s2] =	stream.indirect.scatter.add.f32 [tilespmem:s21], [sflag:$0x4], $0x80, s3, s19, $0xb8;
	[tilespmem:$0x1F800] =	vst v63  }
0xaf: {  	s16 =	simm.s32 @!p2 $0x3800;
	s3 =	sshra.s32 @!p2 s11, $0x2;
	_ =	swait.ge [sflag:s23], $0x4000  }
0xb0: {  	s10 =	sadd.s32 @!p2 s3, s1;
	s3 =	simm.s32 @!p2 $0x80;
	[sflag:s23] =	ssyncset.done $0x0  }
0xb1: {  	s0 =	sadd.s32 $0x1, s0  }
0xb2: {  	p1 =	sne.s32 s0, $0x5  }
.Ltmp5:
0xb3: {  	_ = 	snop;
	(pc) =	sbr.rel @p1 .LBB2_10-.Ltmp5, $4  }
0xb4: {  	_ = 	snop  }
0xb5: {  	[sflag:s23] =	ssyncadd.s32 $0xFFFFC000;
	s9 =	sadd.s32 @!p2 $0x100, s10;
	p0 =	por !p0, !p0  }
0xb6: {  	s1 =	sadd.s32 $0x800, s1;
	s31 =	sadd.s32 $0xFFFFE000, s31;
	s30 =	sadd.s32 $0x10, s30  }
0xb7: {  	[tilespmem:s16], [sflag:$0x1] =	stream.indirect.gather @!p2 [hbm4b:s6+s3], $0x80, s9, s3, $0xb8;
	[tilespmem:$0x1F800] =	vst v63  }
0xb8: {  	_ =	swait.ge [sflag:s24], $0x4000  }
0xb9: {  	[sflag:s24] =	ssyncset.done $0x0  }
0xba: {  	[sflag:s24] =	ssyncadd.s32 $0xFFFFC000  }
0xbb: {  	[bflag:$0x0] =	sbarrier.arrive $0xFFFF  }
0xbc: {  	s0 =	rddreg [dreg:$0x7]  }
0xbd: {  	[hbm:s0], [sflag:s26] =	dma.local [spmem:s28], $0x2800  }
0xbe: {  	_ =	swait.ge [sflag:s17], $0x2800  }
0xbf: {  	s25 =	sadd.s32 $0x1, s25;
	s30 =	rddreg [dreg:$0x8]  }
0xc0: {  	p0 =	sne.s32 s25, s30  }
.Ltmp6:
0xc1: {  	_ = 	snop;
	(pc) =	sbr.rel @p0 .LBB2_1-.Ltmp6, $3  }
0xc2: {  	_ =	sdelay $0x1  }
0xc3: {  	[sflag:s17] =	ssyncset.done $0x0  }
0xc4: {  	s11 =	smov.u32 s12;
	s31 =	smov.u32 s13;
	[sflag:s17] =	ssyncadd.s32 $0xFFFFD800  }
0xc5: {  	_ =	sfence.sel $0x180000  }
0xc6: {  	[bflag:$0x0] =	sbarrier.arrive $0xFFFF  }
0xc7: {  	_ =	strace $0x9000004D  }
0xc8: {  	s0 =	stileid.u32;
	[bflag:$0x2] =	sbarrier.arrive $0xFFFF  }
0xc9: {  	p0 =	sne.s32 s0, $0x0;
	s0 =	rddreg [dreg:$0x2]  }
0xca: {  	s0 =	sadd.s32 @!p0 $0x100000, s0  }
0xcb: {  	[sflag:s0] =	ssyncadd.tile.s32 @!p0 $0x1;
	_ =	shalt  }
.Lfunc_end2:
_tile_overlayer_lowered:
.L_overlay_start_2:
0xcc: {  	(tag) =	ssettag $0x2  }
0xcd: {  	s0 =	rddreg [dreg:$0x0];
	s2 =	stileid.u32  }
0xce: {  	s1 =	rddreg [dreg:$0x1];
	p0 =	sne.s32 s2, $0x0  }
0xcf: {  	s3 =	rddreg [dreg:$0x2];
	[bflag:$0x3] =	sbarrier.arrive $0xFFFF;
	s2 =	simm.s32 @!p0 $0x1C05  }
0xd0: {  	[timem:s3], [sflag:s2] =	dma.local @!p0 [hbm:s0], s1  }
0xd1: {  	s0 =	simm.s32 @!p0 $0x5  }
0xd2: {  	_ =	swait.ge @!p0 [sflag:s0], s1  }
0xd3: {  	s1 =	ssub.s32 @!p0 $0x0, s1;
	[sflag:s0] =	ssyncset.done @!p0 $0x0  }
0xd4: {  	[sflag:s0] =	ssyncadd.s32 @!p0 s1  }
0xd5: {  	[bflag:$0x3] =	sbarrier.arrive $0xFFFF  }
0xd6: {  	_ =	shalt  }

// kernel: kernel.9.cloned.1.call-start
scs
__scs_entry_jumppad:
0x0: {  	(pc) =	sbr.rel $0x88, $3  }
0x1: {  	(tag) =	ssettag $0x0;
	lr =	simm.s32 $0x1  }
0x2: {  	[smem:$0x3F97] =	sst lr;
	_ =	strace $0xD0000000  }
0x3: {  	_ = 	snop  }
0x4: {  	_ = 	snop  }
0x5: {  	_ = 	snop  }
0x6: {  	_ = 	snop  }
0x7: {  	_ = 	snop  }
__scs_overlays_trampoline_lowered:
0x8: {  	[smem:$0x3FA6] =	sst s0  }
0x9: {  	[smem:$0x3FA7] =	sst s1  }
0xa: {  	[smem:$0x3FA8] =	sst s2  }
0xb: {  	[smem:$0x3FA9] =	sst s3  }
0xc: {  	[smem:$0x3FAA] =	sst s4  }
0xd: {  	[smem:$0x3FAB] =	sst s5  }
0xe: {  	[smem:$0x3FAC] =	sst s6  }
0xf: {  	[smem:$0x3FAD] =	sst s7  }
0x10: {  	[smem:$0x3FAE] =	sst s8  }
0x11: {  	[smem:$0x3FAF] =	sst s9;
	s0 =	simm.s32 @!p0 $0x0  }
0x12: {  	s1 =	sld [smem:$0x3F95];
	s0 =	simm.s32 @p0 $0x1  }
0x13: {  	[smem:$0x3FB0] =	sst s0;
	s0 =	simm.s32 @!p1 $0x0  }
0x14: {  	s2 =	sld [smem:$0x3F94];
	s0 =	simm.s32 @p1 $0x1  }
0x15: {  	[smem:$0x3FB1] =	sst s0;
	s0 =	simm.s32 @!p2 $0x0  }
0x16: {  	s3 =	sld [smem:$0x3FDB];
	s0 =	simm.s32 @p2 $0x1  }
0x17: {  	s4 =	simm.s32 $0x1BF5;
	[smem:$0x3FB3] =	sst s0  }
0x18: {  	s0 =	sld [smem:$0x3F96];
	_ =	swait.ge [sflag:s4], $0x0  }
0x19: {  	s7 =	sld [smem:$0x3F97]  }
0x1a: {  	s8 =	sadd.s32 $0xFFFFE003, lr  }
0x1b: {  	s9 =	sadd.s32 $0xFFFFFEF7, lr;
	s5 =	simm.s32 $0xFFFFFFFF;
	p2 =	slt.u32 s8, $0xFFFFF086  }
0x1c: {  	p1 =	slt.u32 s9, $0xF7A;
	s5 =	simm.s32 @!p2 $0x0  }
0x1d: {  	s5 =	simm.s32 @p1 $0x1;
	p0 =	seq.s32 s7, s2  }
0x1e: {  	s7 =	smul.u32 @!p0 $0xF7A, s2;
	p2 =	seq.s32 @!p0 s5, $0x0  }
0x1f: {  	s9 =	smul.u32 $0xF7A, s1;
	s8 =	simm.s32 @!p0 $0x1BF5;
	p2 =	por !p2, p0  }
0x20: {  	[sflag:s8] =	ssyncset.s32 @!p0 $0xFFFFF086;
	s6 =	sadd.s32 @!p0 s3, s7;
	s7 =	simm.s32 @!p0 $0x108  }
0x21: {  	s3 =	sadd.s32 s3, s9;
	s6 =	sadd.s32 @!p0 $0x88, s6;
	s7 =	simm.s32 @p2 $0x1082  }
0x22: {  	[simem:s7], [sflag:s8] =	dma.local @!p0 [hbm:s6], $0xF7A  }
0x23: {  	s9 =	sor.u32 $0xD0000000, s2;
	s6 =	simm.s32 $0x108;
	_ =	swait.ge @!p0 [sflag:s8], $0x0  }
0x24: {  	s3 =	sadd.s32 $0x88, s3;
	s6 =	simm.s32 @!p1 $0x1082;
	[sflag:s4] =	ssyncset.s32 $0xFFFFF086  }
0x25: {  	[simem:s6], [sflag:s4] =	dma.local [hbm:s3], $0xF7A  }
0x26: {  	[smem:$0x3F97] =	sst s1;
	(tag) =	ssettag s2;
	_ =	strace s9  }
0x27: {  	s1 =	sld [smem:$0x3FA7]  }
0x28: {  	s2 =	sld [smem:$0x3FA8]  }
0x29: {  	s4 =	sld [smem:$0x3FAA]  }
0x2a: {  	p0 =	seq.s32 s5, $0x0;
	s5 =	sld [smem:$0x3FAB]  }
0x2b: {  	s6 =	sld [smem:$0x3FAC]  }
0x2c: {  	s7 =	sld [smem:$0x3FAD]  }
0x2d: {  	s3 =	simm.s32 $0x108;
	s8 =	sld [smem:$0x3FAE]  }
0x2e: {  	s3 =	simm.s32 @!p0 $0x1082;
	s9 =	sld [smem:$0x3FAF]  }
0x2f: {  	lr =	sadd.s32 s0, s3;
	s0 =	sld [smem:$0x3FA6]  }
0x30: {  	s3 =	sld [smem:$0x3FA9]  }
0x31: {  	[smem:$0x3FB2] =	sst s10  }
0x32: {  	s10 =	sld [smem:$0x3FB0];
	_ =	sdelay $0x3  }
0x33: {  	p0 =	seq.s32 s10, $0x1;
	s10 =	sld [smem:$0x3FB2];
	_ =	sdelay $0x3  }
0x34: {  	[smem:$0x3FB2] =	sst s10  }
0x35: {  	s10 =	sld [smem:$0x3FB1];
	_ =	sdelay $0x3  }
0x36: {  	p1 =	seq.s32 s10, $0x1;
	s10 =	sld [smem:$0x3FB2];
	_ =	sdelay $0x3  }
0x37: {  	[smem:$0x3FB2] =	sst s10  }
0x38: {  	s10 =	sld [smem:$0x3FB3]  }
0x39: {  	_ = 	snop;
	(pc) =	sbr.ind lr, $3  }
0x3a: {  	_ = 	snop  }
0x3b: {  	_ = 	snop  }
0x3c: {  	p2 =	seq.s32 s10, $0x1;
	s10 =	sld [smem:$0x3FB2]  }
0x3d: {  	_ =	shalt  }
0x3e: {  	_ =	shalt  }
0x3f: {  	_ =	shalt  }
0x40: {  	_ =	shalt  }
0x41: {  	_ =	shalt  }
0x42: {  	_ =	shalt  }
0x43: {  	_ =	shalt  }
0x44: {  	_ =	shalt  }
0x45: {  	_ =	shalt  }
0x46: {  	_ =	shalt  }
0x47: {  	_ =	shalt  }
0x48: {  	_ =	shalt  }
0x49: {  	_ =	shalt  }
0x4a: {  	_ =	shalt  }
0x4b: {  	_ =	shalt  }
0x4c: {  	_ =	shalt  }
0x4d: {  	_ =	shalt  }
0x4e: {  	_ =	shalt  }
0x4f: {  	_ =	shalt  }
0x50: {  	_ =	shalt  }
0x51: {  	_ =	shalt  }
0x52: {  	_ =	shalt  }
0x53: {  	_ =	shalt  }
0x54: {  	_ =	shalt  }
0x55: {  	_ =	shalt  }
0x56: {  	_ =	shalt  }
0x57: {  	_ =	shalt  }
0x58: {  	_ =	shalt  }
0x59: {  	_ =	shalt  }
0x5a: {  	_ =	shalt  }
0x5b: {  	_ =	shalt  }
0x5c: {  	_ =	shalt  }
0x5d: {  	_ =	shalt  }
0x5e: {  	_ =	shalt  }
0x5f: {  	_ =	shalt  }
0x60: {  	_ =	shalt  }
0x61: {  	_ =	shalt  }
0x62: {  	_ =	shalt  }
0x63: {  	_ =	shalt  }
0x64: {  	_ =	shalt  }
0x65: {  	_ =	shalt  }
0x66: {  	_ =	shalt  }
0x67: {  	_ =	shalt  }
0x68: {  	_ =	shalt  }
0x69: {  	_ =	shalt  }
0x6a: {  	_ =	shalt  }
0x6b: {  	_ =	shalt  }
0x6c: {  	_ =	shalt  }
0x6d: {  	_ =	shalt  }
0x6e: {  	_ =	shalt  }
0x6f: {  	_ =	shalt  }
0x70: {  	_ =	shalt  }
0x71: {  	_ =	shalt  }
0x72: {  	_ =	shalt  }
0x73: {  	_ =	shalt  }
0x74: {  	_ =	shalt  }
0x75: {  	_ =	shalt  }
0x76: {  	_ =	shalt  }
0x77: {  	_ =	shalt  }
0x78: {  	_ =	shalt  }
0x79: {  	_ =	shalt  }
0x7a: {  	_ =	shalt  }
0x7b: {  	_ =	shalt  }
0x7c: {  	_ =	shalt  }
0x7d: {  	_ =	shalt  }
0x7e: {  	_ =	shalt  }
0x7f: {  	_ =	shalt  }
0x80: {  	_ =	shalt  }
0x81: {  	_ =	shalt  }
0x82: {  	_ =	shalt  }
0x83: {  	_ =	shalt  }
0x84: {  	_ =	shalt  }
0x85: {  	_ =	shalt  }
0x86: {  	_ =	shalt  }
0x87: {  	_ =	shalt  }
.Lfunc_end0:
.L_simem_size_0:
called_computation_lowered:
.L_overlay_start_0:
0x88: {  	s2 =	sld [smem:$0x3FD9]  }
0x89: {  	s3 =	sld [smem:$0x3FFE];
	_ =	sdelay $0x1  }
0x8a: {  	s1 =	srdreg.scid  }
0x8b: {  	s0 =	sand.u32 $0x1, s1  }
0x8c: {  	s16 =	sshll.u32 s0, $0xA;
	s2 =	sadd.s32 s3, s2  }
0x8d: {  	s2 =	sadd.s32 s2, s16  }
0x8e: {  	[smem:$0x3FBE] =	sst s2  }
0x8f: {  	_ = 	snop  }
0x90: {  	(tm) =	ssettm $0x1  }
0x91: {  	s17 =	sld [smem:$0x3FFB];
	_ =	sdelay $0x3  }
0x92: {  	_ =	strace s17  }
0x93: {  	s2 =	sld [smem:$0x3FFC];
	_ =	sdelay $0x3  }
0x94: {  	_ =	strace s2  }
0x95: {  	s2 =	sld [smem:$0x3FFD];
	_ =	sdelay $0x3  }
0x96: {  	_ =	strace s2  }
0x97: {  	_ =	strace $0x8FFFFFFF  }
0x98: {  	s18 =	sld [smem:$0x3FDB];
	_ =	sdelay $0x1  }
0x99: {  	s19 =	simm.s32 $_scs_section_size  }
0x9a: {  	s4 =	simm.s32 $_size__tile_overlayer_lowered;
	s5 =	simm.s32 $_tile_overlayer_lowered  }
0x9b: {  	s22 =	simm.s32 $0x1BFF;
	s21 =	sshll.u32 s5, $0x1;
	s2 =	sadd.s32 s19, s18  }
0x9c: {  	s6 =	simm.s32 $0x0;
	s20 =	sshll.u32 s4, $0x1;
	s4 =	sadd.s32 s21, s2  }
0x9d: {  	[timem:s6], [sflag:s22] =	dma.local [hbm:s4], s20  }
0x9e: {  	_ =	swait.ge [sflag:s22], s20  }
0x9f: {  	s3 =	ssub.s32 $0x0, s20;
	[sflag:s22] =	ssyncset.done $0x0  }
0xa0: {  	[sflag:s22] =	ssyncadd.s32 s3;
	_ =	sdelay $0x1  }
0xa1: {  	s23 =	simm.s32 $0x1B8B  }
0xa2: {  	_ =	swait.ge [sflag:s23], $0x1  }
0xa3: {  	[sflag:s23] =	ssyncset.done $0x0  }
0xa4: {  	s25 =	simm.s32 $0x1B8E;
	s24 =	sld [smem:$0x3FFE];
	[sflag:s23] =	ssyncadd.s32 $0xFFFFFFFF  }
0xa5: {  	s26 =	simm.s32 $execute0_lowered;
	[smem:$0x3FD2] =	sst s25  }
0xa6: {  	s4 =	sshll.u32 s26, $0x1;
	_ =	strace $0x80000046;
	[dreg:$0x1] =	wrdreg $0xFFFFFFFF  }
0xa7: {  	s28 =	simm.s32 $_size_execute0_lowered;
	s2 =	sadd.s32 s2, s4;
	[dreg:$0x0] =	wrdreg $0x0  }
0xa8: {  	s4 =	sshll.u32 s28, $0x1;
	[dreg:$0x2] =	wrdreg s2  }
0xa9: {  	[dreg:$0x3] =	wrdreg s4  }
0xaa: {  	[dreg:$0x4] =	wrdreg $0xC0  }
0xab: {  	_ =	task [dreg:s6], $0x5FFFF  }
0xac: {  	[dreg:$0x1] =	wrdreg $0xFFFFFFFF  }
0xad: {  	[dreg:$0x0] =	wrdreg $0x60  }
0xae: {  	[dreg:$0x2] =	wrdreg s24  }
0xaf: {  	[dreg:$0x3] =	wrdreg $0x68000  }
0xb0: {  	[dreg:$0x4] =	wrdreg $0x9  }
0xb1: {  	_ =	task.clear_ibuf [dreg:s6], $0x5FFFF;
	_ =	strace $0x90000046  }
0xb2: {  	s29 =	simm.s32 $0x9;
	_ =	strace $0x80000048  }
0xb3: {  	_ =	swait.ge [sflag:s29], $0x1  }
0xb4: {  	[sflag:s29] =	ssyncadd.s32 $0xFFFFFFFF  }
0xb5: {  	_ =	strace $0x90000048  }
0xb6: {  	_ =	sfence  }
0xb7: {  	s30 =	sld [smem:$0x0];
	_ =	sdelay $0x2  }
0xb8: {  	s31 =	sshll.u32 s1, $0xD;
	s1 =	sshrl.u32 s1, $0x2  }
0xb9: {  	s3 =	sand.u32 $0x4000, s31;
	s1 =	sadd.s32 s1, s30  }
0xba: {  	s0 =	sor.u32 s3, s0;
	s1 =	sshll.u32 s1, $0x11  }
0xbb: {  	s0 =	sor.u32 s1, s0  }
0xbc: {  	s0 =	sadd.s32 $0x8F2B, s0  }
0xbd: {  	[sflag:s0] =	ssyncadd.remote.s32 $0x1  }
0xbe: {  	_ =	sfence.sel $0xFFFF  }
0xbf: {  	[dreg:$0x0] =	wrdreg $0xFFFFFFFF;
	(pc) =	sbr.abs _section_cstart, $3  }
0xc0: {  	[dreg:$0x1] =	wrdreg $0xFFFFFFFF  }
0xc1: {  	_ =	task.clear_ibuf [dreg:s6], $0x2FFFF;
	_ =	strace $0x9FFFFFFF  }
0xc2: {  	(tm) =	ssettm $0x7FFFFFFF  }
0xc3: {  	_ =	shalt  }
tec
execute0_lowered:
.L_overlay_start_1:
0x0: {  	(tag) =	ssettag $0x1  }
0x1: {  	s1 =	srdreg.scid;
	s5 =	rddreg [dreg:$0x0]  }
0x2: {  	s0 =	stileid.u32;
	s2 =	rddreg [dreg:$0x1];
	s3 =	simm.s32 $0x0  }
0x3: {  	s13 =	simm.s32 $0x2;
	s14 =	simm.s32 $0x80;
	s15 =	simm.s32 $0x100  }
0x4: {  	s16 =	simm.s32 $0x180;
	s17 =	simm.s32 $0x1;
	s20 =	simm.s32 $0x0  }
0x5: {  	s4 =	sand.u32 $0x1, s1;
	s26 =	sshll.u32 s0, $0x1;
	s8 =	smul.u32 $0x14000, s0  }
0x6: {  	[smem:$0x7FF] =	sst s3;
	s9 =	smul.u32 $0x50000, s0;
	s18 =	sshll.u32 s0, $0x6  }
0x7: {  	s1 =	sor.u32 s4, s26;
	s7 =	smul.u32 $0x140000, s4;
	s29 =	ssub.s32 $0x2, s4  }
0x8: {  	s18 =	sor.u32 $0x1C02, s18;
	s6 =	smul.u32 $0x500, s1;
	s1 =	rddreg [dreg:$0x2]  }
0x9: {  	_ =	strace $0x80000047;
	s30 =	sshrl.u32 s9, $0x2;
	s31 =	sshrl.u32 s29, $0x1  }
0xa: {  	s28 =	sadd.s32 s8, s7;
	s4 =	sadd.s32 s30, s2;
	s12 =	ssub.s32 s29, s31  }
0xb: {  	s10 =	sadd.s32 s6, s5;
	s6 =	sshrl.u32 s28, $0x3;
	s7 =	sadd.s32 $0xC000, s4  }
0xc: {  	s8 =	sadd.s32 $0x10000, s4;
	s19 =	sshrl.u32 s4, $0x3;
	s11 =	sadd.s32 s6, s5  }
0xd: {  	s5 =	sadd.s32 $0x4000, s4;
	s6 =	sadd.s32 $0x8000, s4;
	s9 =	sadd.s32 $0xF600, s10  }
0xe: {  	v0 =	vimm.f32 $0.0e+00;
	v1 =	vimm.f32 $1.000000000e+00;
	s10 =	sadd.s32 $0x19600, s11;
	s11 =	smax.u32 s12, $0x1;
	s12 =	simm.s32 $0x2800  }
.LBB2_1:
0xf: {  	s21 =	sand.u32 $0xFE00, s3  }
0x10: {  	s22 =	sand.u32 $0x70, s3;
	s23 =	sshrl.u32 s21, $0x2  }
0x11: {  	s21 =	simm.s32 $0x40;
	s23 =	sor.u32 s22, s23;
	s22 =	simm.s32 $0x0  }
.LBB2_2:
0x12: {  	p0 =	sne.s32 s21, $0xFFC0  }
0x13: {  	[tilespmem:s23+$0x2800] =	vst v0;
	s22 =	sadd.s32 $0x10, s22;
	s23 =	smov.u32 s21;
	s21 =	sadd.s32 $0x40, s21  }
.Ltmp0:
0x14: {  	(pc) =	sbr.rel @p0 .LBB2_2-.Ltmp0, $4  }
0x15: {  	_ = 	snop  }
0x16: {  	s23 =	sand.u32 $0xFE00, s23  }
0x17: {  	s24 =	sand.u32 $0x70, s22;
	s23 =	sshrl.u32 s23, $0x2  }
0x18: {  	s23 =	sor.u32 s24, s23  }
0x19: {  	[tilespmem:s23+$0x2800] =	vst v0  }
0x1a: {  	[spmem:s4] =	stream.linear.scatter [tilespmem:s12], [sflag:$0x2], $0x4000, $0x38;
	[tilespmem:$0x1A800] =	vst v63  }
0x1b: {  	_ =	swait.ge [sflag:s13], $0x4000  }
0x1c: {  	[sflag:s13] =	ssyncset.done $0x0  }
0x1d: {  	[sflag:s13] =	ssyncadd.s32 $0xFFFFC000  }
0x1e: {  	[spmem:s5] =	stream.linear.scatter [tilespmem:s12], [sflag:$0x2], $0x4000, $0x38;
	[tilespmem:$0x1A800] =	vst v63  }
0x1f: {  	_ =	swait.ge [sflag:s13], $0x4000  }
0x20: {  	[sflag:s13] =	ssyncset.done $0x0  }
0x21: {  	[sflag:s13] =	ssyncadd.s32 $0xFFFFC000  }
0x22: {  	[spmem:s6] =	stream.linear.scatter [tilespmem:s12], [sflag:$0x2], $0x4000, $0x38;
	[tilespmem:$0x1A800] =	vst v63  }
0x23: {  	_ =	swait.ge [sflag:s13], $0x4000  }
0x24: {  	[sflag:s13] =	ssyncset.done $0x0  }
0x25: {  	[sflag:s13] =	ssyncadd.s32 $0xFFFFC000  }
0x26: {  	[spmem:s7] =	stream.linear.scatter [tilespmem:s12], [sflag:$0x2], $0x4000, $0x38;
	[tilespmem:$0x1A800] =	vst v63  }
0x27: {  	_ =	swait.ge [sflag:s13], $0x4000  }
0x28: {  	[sflag:s13] =	ssyncset.done $0x0  }
0x29: {  	s21 =	simm.s32 $0x0;
	[sflag:s13] =	ssyncadd.s32 $0xFFFFC000  }
0x2a: {  	[spmem:s8] =	stream.linear.scatter [tilespmem:s12], [sflag:$0x2], $0x4000, $0x38;
	[tilespmem:$0x1A800] =	vst v63  }
0x2b: {  	s22 =	sand.u32 $0xFE00, s21;
	_ =	swait.ge [sflag:s13], $0x4000  }
0x2c: {  	s31 =	sand.u32 $0x70, s21;
	s24 =	sshrl.u32 s22, $0x2;
	[sflag:s13] =	ssyncset.done $0x0  }
0x2d: {  	s22 =	simm.s32 $0x40;
	s23 =	sor.u32 s31, s24;
	[sflag:s13] =	ssyncadd.s32 $0xFFFFC000  }
.LBB2_4:
0x2e: {  	p0 =	sne.s32 s22, $0xFFC0  }
0x2f: {  	[tilespmem:s23+$0x2800] =	vst v1;
	s21 =	sadd.s32 $0x10, s21;
	s23 =	smov.u32 s22;
	s22 =	sadd.s32 $0x40, s22  }
.Ltmp1:
0x30: {  	(pc) =	sbr.rel @p0 .LBB2_4-.Ltmp1, $4  }
0x31: {  	_ = 	snop  }
0x32: {  	s23 =	sand.u32 $0xFE00, s23  }
0x33: {  	s24 =	sand.u32 $0x70, s21;
	s23 =	sshrl.u32 s23, $0x2  }
0x34: {  	s23 =	sor.u32 s24, s23  }
0x35: {  	[tilespmem:s23+$0x2800] =	vst v1  }
0x36: {  	[tilespmem:s3], [sflag:$0x2] =	stream.linear.gather [hbm4b:s9+s3], $0x2800, $0x38;
	[tilespmem:$0x1A800] =	vst v63  }
0x37: {  	_ =	swait.ge [sflag:s13], $0x2800  }
0x38: {  	[sflag:s13] =	ssyncset.done $0x0  }
0x39: {  	[sflag:s13] =	ssyncadd.s32 $0xFFFFD800  }
0x3a: {  	[bflag:$0x0] =	sbarrier.arrive $0xFFFF  }
0x3b: {  	[spmem:s2] =	stream.indirect.scatter.add.f32 [tilespmem:s12], [sflag:$0x1], $0x80, s3, s14, $0xb8;
	[tilespmem:$0x1A800] =	vst v63  }
0x3c: {  	_ = 	snop  }
0x3d: {  	[spmem:s2] =	stream.indirect.scatter.add.f32 [tilespmem:s12], [sflag:$0x1], $0x80, s14, s14, $0xb8;
	[tilespmem:$0x1A800] =	vst v63  }
0x3e: {  	_ = 	snop  }
0x3f: {  	[spmem:s2] =	stream.indirect.scatter.add.f32 [tilespmem:s12], [sflag:$0x1], $0x80, s15, s14, $0xb8;
	[tilespmem:$0x1A800] =	vst v63  }
0x40: {  	_ = 	snop  }
0x41: {  	[spmem:s2] =	stream.indirect.scatter.add.f32 [tilespmem:s12], [sflag:$0x1], $0x80, s16, s14, $0xb8;
	[tilespmem:$0x1A800] =	vst v63  }
0x42: {  	_ =	swait.ge [sflag:s17], $0x4000  }
0x43: {  	[sflag:s17] =	ssyncset.done $0x0  }
0x44: {  	s21 =	simm.s32 $0xA00;
	s22 =	simm.s32 $0x200;
	[sflag:s17] =	ssyncadd.s32 $0xFFFFC000  }
.LBB2_6:
0x45: {  	[spmem:s2] =	stream.indirect.scatter.add.f32 [tilespmem:s12], [sflag:$0x1], $0x80, s22, s14, $0xb8;
	[tilespmem:$0x1A800] =	vst v63  }
0x46: {  	s22 =	smov.u32 s21;
	p0 =	sne.s32 s21, $0x9E00  }
.Ltmp2:
0x47: {  	s21 =	sadd.s32 $0x200, s21;
	(pc) =	sbr.rel @p0 .LBB2_6-.Ltmp2, $4  }
0x48: {  	_ = 	snop  }
0x49: {  	_ =	swait.ge [sflag:s17], $0x4000  }
0x4a: {  	[sflag:s17] =	ssyncset.done $0x0  }
0x4b: {  	s22 =	sshra.s32 s22, $0x2;
	[sflag:s17] =	ssyncadd.s32 $0xFFFFC000  }
0x4c: {  	[spmem:s2] =	stream.indirect.scatter.add.f32 [tilespmem:s12], [sflag:$0x1], $0x80, s22, s14, $0xb8;
	[tilespmem:$0x1A800] =	vst v63  }
0x4d: {  	_ =	swait.ge [sflag:s17], $0x4000  }
0x4e: {  	[sflag:s17] =	ssyncset.done $0x0  }
0x4f: {  	[sflag:s17] =	ssyncadd.s32 $0xFFFFC000  }
0x50: {  	_ =	swait.ge [sflag:s17], $0x4000  }
0x51: {  	[sflag:s17] =	ssyncset.done $0x0  }
0x52: {  	[sflag:s17] =	ssyncadd.s32 $0xFFFFC000  }
0x53: {  	_ =	swait.ge [sflag:s17], $0x4000  }
0x54: {  	[sflag:s17] =	ssyncset.done $0x0  }
0x55: {  	[sflag:s17] =	ssyncadd.s32 $0xFFFFC000  }
0x56: {  	_ =	swait.ge [sflag:s17], $0x4000  }
0x57: {  	s20 =	sadd.s32 $0x1, s20;
	[sflag:s17] =	ssyncset.done $0x0  }
0x58: {  	p0 =	sne.s32 s20, s11;
	[sflag:s17] =	ssyncadd.s32 $0xFFFFC000  }
.Ltmp3:
0x59: {  	[bflag:$0x0] =	sbarrier.arrive $0xFFFF;
	(pc) =	sbr.rel @p0 .LBB2_1-.Ltmp3, $4  }
0x5a: {  	[hbm:s10], [sflag:s18] =	dma.local [spmem:s19], $0x2800  }
0x5b: {  	_ =	swait.ge [sflag:s13], $0x2800  }
0x5c: {  	[sflag:s13] =	ssyncset.done $0x0  }
0x5d: {  	[sflag:s13] =	ssyncadd.s32 $0xFFFFD800  }
0x5e: {  	_ =	sfence.sel $0x180000  }
0x5f: {  	[bflag:$0x0] =	sbarrier.arrive $0xFFFF  }
0x60: {  	p0 =	sne.s32 s0, $0x0;
	_ =	strace $0x90000047  }
0x61: {  	s0 =	sadd.s32 @!p0 $0x100000, s1;
	[bflag:$0x2] =	sbarrier.arrive $0xFFFF  }
0x62: {  	[sflag:s0] =	ssyncadd.tile.s32 @!p0 $0x1;
	_ =	shalt  }
.Lfunc_end2:
_tile_overlayer_lowered:
.L_overlay_start_2:
0x63: {  	(tag) =	ssettag $0x2  }
0x64: {  	s0 =	rddreg [dreg:$0x0];
	s2 =	stileid.u32  }
0x65: {  	s1 =	rddreg [dreg:$0x1];
	p0 =	sne.s32 s2, $0x0  }
0x66: {  	s3 =	rddreg [dreg:$0x2];
	[bflag:$0x3] =	sbarrier.arrive $0xFFFF;
	s2 =	simm.s32 @!p0 $0x1C02  }
0x67: {  	[timem:s3], [sflag:s2] =	dma.local @!p0 [hbm:s0], s1  }
0x68: {  	s0 =	simm.s32 @!p0 $0x2  }
0x69: {  	_ =	swait.ge @!p0 [sflag:s0], s1  }
0x6a: {  	s1 =	ssub.s32 @!p0 $0x0, s1;
	[sflag:s0] =	ssyncset.done @!p0 $0x0  }
0x6b: {  	[sflag:s0] =	ssyncadd.s32 @!p0 s1  }
0x6c: {  	[bflag:$0x3] =	sbarrier.arrive $0xFFFF  }
0x6d: {  	_ =	shalt  }

</sc_bundles>
